<compile_context>
chip_gen: v7x
topology: tpu7x:2x2x1
jax: 0.10.2.dev20260603
libtpu: 0.0.44.dev20260713+nightly
codegen_flags: <defaults>
</compile_context>

<pallas_src>
import functools

import jax
import jax.numpy as jnp
from jax import lax
from jax.experimental import pallas as pl
from jax.experimental.pallas import tpu as pltpu
from jax.experimental.pallas import tpu_sc as plsc

ZCH_SIZE = 1_000_000
EMBED_DIM = 64
PAD_DIM = 128
N_IDS = 327_680
CHUNK = 128
NW = 32
IPW = N_IDS // NW
CPW = IPW // CHUNK
NBUF = 4
GROUPS = CPW // NBUF


def _sc_body(ids0, ids1, t0, t1, rem0, rem1, part,
             idx_v, rows_v, acc_v, s0, s1, s2, s3):
    cid = lax.axis_index("c")
    sid = lax.axis_index("s")
    wid = sid * 2 + cid
    sems = (s0, s1, s2, s3)

    def fire(t_hbm, i, b):
        pltpu.async_copy(t_hbm.at[idx_v.at[pl.ds(i * CHUNK, CHUNK)]],
                         rows_v.at[b], sems[b])

    def drain(t_hbm, b):
        pltpu.make_async_copy(t_hbm.at[pl.ds(0, CHUNK)], rows_v.at[b], sems[b]).wait()

    def do_feature(ids_hbm, t_hbm, rem_hbm, acc):
        base = wid * IPW
        pltpu.sync_copy(ids_hbm.at[pl.ds(base, IPW)], idx_v)

        def remap_body(i, c):
            for j in range(CHUNK // 16):
                o = i * CHUNK + j * 16
                x = idx_v[pl.ds(o, 16)]
                x = x - jnp.where(x >= 2 * ZCH_SIZE,
                                  jnp.int32(2 * ZCH_SIZE), jnp.int32(0))
                x = x - jnp.where(x >= ZCH_SIZE,
                                  jnp.int32(ZCH_SIZE), jnp.int32(0))
                idx_v[pl.ds(o, 16)] = x
            return c

        lax.fori_loop(0, CPW, remap_body, 0)
        pltpu.sync_copy(idx_v, rem_hbm.at[pl.ds(base, IPW)])

        for b in range(NBUF):
            fire(t_hbm, jnp.int32(b), b)

        def group_body(g, acc):
            for b in range(NBUF):
                drain(t_hbm, b)

                def row_body(r, acc):
                    a = list(acc)
                    for u in range(4):
                        rr = r * 4 + u
                        o = (u % 2) * 4
                        a[o + 0] = a[o + 0] + rows_v[b, rr, pl.ds(0, 16)]
                        a[o + 1] = a[o + 1] + rows_v[b, rr, pl.ds(16, 16)]
                        a[o + 2] = a[o + 2] + rows_v[b, rr, pl.ds(32, 16)]
                        a[o + 3] = a[o + 3] + rows_v[b, rr, pl.ds(48, 16)]
                    return tuple(a)

                acc = lax.fori_loop(0, CHUNK // 4, row_body, acc)

                @pl.when(g < GROUPS - 1)
                def _():
                    fire(t_hbm, (g + 1) * NBUF + b, b)

            return acc

        return lax.fori_loop(0, GROUPS, group_body, acc)

    z = jnp.zeros((16,), jnp.float32)
    acc = (z,) * 8
    acc = do_feature(ids0, t0, rem0, acc)
    acc = do_feature(ids1, t1, rem1, acc)
    tot = acc[0]
    for k in range(1, 8):
        tot = tot + acc[k]
    acc_v[...] = tot
    pltpu.sync_copy(acc_v, part.at[wid])


@jax.jit
def kernel(ids_0, ids_1, table_0, table_1):
    mesh = plsc.VectorSubcoreMesh(core_axis_name="c", subcore_axis_name="s")
    run = functools.partial(
        pl.kernel,
        out_type=(
            jax.ShapeDtypeStruct((N_IDS,), jnp.int32),
            jax.ShapeDtypeStruct((N_IDS,), jnp.int32),
            jax.ShapeDtypeStruct((NW, 16), jnp.float32),
        ),
        mesh=mesh,
        scratch_types=(
            pltpu.VMEM((IPW,), jnp.int32),
            pltpu.VMEM((NBUF, CHUNK, PAD_DIM), jnp.float32),
            pltpu.VMEM((16,), jnp.float32),
            pltpu.SemaphoreType.DMA,
            pltpu.SemaphoreType.DMA,
            pltpu.SemaphoreType.DMA,
            pltpu.SemaphoreType.DMA,
        ),
    )(_sc_body)
    tp0 = jnp.pad(table_0, ((0, 0), (0, PAD_DIM - EMBED_DIM)))
    tp1 = jnp.pad(table_1, ((0, 0), (0, PAD_DIM - EMBED_DIM)))
    rem0, rem1, part = run(ids_0, ids_1, tp0, tp1)
    loss = part.sum() / jnp.float32(2 * N_IDS * EMBED_DIM)
    return (loss, rem0, rem1)

# --- scband reference (transcript-rebuilt; emitter-appended) ---
"""Pipeline reference for scband-sparse-arch-38482906972957 (READ-ONLY COPY).

The authoritative reference and input builder live on the scoring server;
editing this copy changes nothing except your own understanding.
"""

import jax, jax.numpy as jnp
import numpy as np

ZCH_SIZE = 1_000_000
INPUT_HASH_SIZE = 4_000_000
EMBED_DIM = 64
N_IDS = 327_680


def setup_inputs(seed: int = 0) -> dict:
    key = jax.random.key(seed)
    k0, k1, k2, k3 = jax.random.split(key, 4)
    ids_0 = jax.random.randint(k0, (N_IDS,), 0, INPUT_HASH_SIZE, dtype=jnp.int32)
    ids_1 = jax.random.randint(k1, (N_IDS,), 0, INPUT_HASH_SIZE, dtype=jnp.int32)
    table_0 = jax.random.normal(k2, (ZCH_SIZE, EMBED_DIM), dtype=jnp.float32) * 0.02
    table_1 = jax.random.normal(k3, (ZCH_SIZE, EMBED_DIM), dtype=jnp.float32) * 0.02
    return {"ids_0": ids_0, "ids_1": ids_1, "table_0": table_0, "table_1": table_1}


def reference(ids_0, ids_1, table_0, table_1):
    # Managed-collision remap: raw ids in [0, input_hash_size) are deterministically
    # mapped into the ZCH slot range [0, zch_size). (Eviction/LFU state updates are
    # training-time side effects; the steady-state lookup path is a remap + gather.)
    remapped_0 = jnp.mod(ids_0, ZCH_SIZE)
    remapped_1 = jnp.mod(ids_1, ZCH_SIZE)
    # EmbeddingCollection lookup per feature (sequence/jagged embeddings, unpooled)
    emb_0 = jnp.take(table_0, remapped_0, axis=0)
    emb_1 = jnp.take(table_1, remapped_1, axis=0)
    # pred = cat of jagged values across features; loss = mean
    pred = jnp.concatenate([emb_0, emb_1], axis=0)
    loss = pred.mean()
    return (loss, remapped_0, remapped_1)

if __name__ == "__main__":
    import jax
    _d = setup_inputs()
    print(jax.jit(kernel)(*tuple(_d.values())))

</pallas_src>

<mosaic_0001>
#map = affine_map<(d0, d1) -> (0)>
#map1 = affine_map<(d0, d1) -> (0, 0)>
module attributes {stable_mosaic.version = 14 : i64} {
  func.func @_sc_body(%arg0: i32, %arg1: i32, %arg2: memref<327680xi32, #tpu.memory_space<hbm>>, %arg3: memref<327680xi32, #tpu.memory_space<hbm>>, %arg4: memref<1000000x128xf32, #tpu.memory_space<hbm>>, %arg5: memref<1000000x128xf32, #tpu.memory_space<hbm>>, %arg6: memref<327680xi32, #tpu.memory_space<hbm>>, %arg7: memref<327680xi32, #tpu.memory_space<hbm>>, %arg8: memref<32x16xf32, #tpu.memory_space<hbm>>, %arg9: memref<10240xi32, #tpu.memory_space<vmem>>, %arg10: memref<4x128x128xf32, #tpu.memory_space<vmem>>, %arg11: memref<16xf32, #tpu.memory_space<vmem>>, %arg12: memref<!tpu.dma_semaphore, #tpu.memory_space<semaphore_mem>>, %arg13: memref<!tpu.dma_semaphore, #tpu.memory_space<semaphore_mem>>, %arg14: memref<!tpu.dma_semaphore, #tpu.memory_space<semaphore_mem>>, %arg15: memref<!tpu.dma_semaphore, #tpu.memory_space<semaphore_mem>>) attributes {dimension_semantics = [#tpu.dimension_semantics<core_parallel>, #tpu.dimension_semantics<subcore_parallel>], iteration_bounds = array<i64: 2, 16>, scalar_prefetch = 0 : i64, scratch_operands = 7 : i64, tpu.core_type = #tpu.core_type<sc_vector_subcore>, window_params = [{transform_indices = #map}, {transform_indices = #map}, {transform_indices = #map1}, {transform_indices = #map1}, {transform_indices = #map}, {transform_indices = #map}, {transform_indices = #map1}]} {
    %mul3A = arith.constant 2 : i32
    %mul3A_0 = arith.muli %arg1, %mul3A : i32
    %add3A = arith.addi %mul3A_0, %arg0 : i32
    %broadcast_in_dim3A = arith.constant 0.000000e+00 : f32
    %broadcast_in_dim3A_1 = vector.broadcast %broadcast_in_dim3A : f32 to vector<16xf32>
    %mul3A_2 = arith.constant 10240 : i32
    %mul3A_3 = arith.muli %add3A, %mul3A_2 : i32
    "tpu.region"() ({
      %run_scoped3A = tpu.sem_alloc : memref<!tpu.dma_semaphore, #tpu.memory_space<semaphore_mem>>
      %dma_start3A_134 = tpu.memref_slice %arg2[%mul3A_3] : memref<327680xi32, #tpu.memory_space<hbm>> -> memref<10240xi32, #tpu.memory_space<hbm>>
      %dma_start3A_135 = tpu.memref_slice %arg2[%mul3A_3] : memref<327680xi32, #tpu.memory_space<hbm>> -> memref<10240xi32, #tpu.memory_space<hbm>>
      tpu.enqueue_dma source(%dma_start3A_135 : memref<10240xi32, #tpu.memory_space<hbm>>) target(%arg9 : memref<10240xi32, #tpu.memory_space<vmem>>) target_semaphore(%run_scoped3A : memref<!tpu.dma_semaphore, #tpu.memory_space<semaphore_mem>>)
      %dma_wait3A = tpu.memref_slice %arg2[%mul3A_3] : memref<327680xi32, #tpu.memory_space<hbm>> -> memref<10240xi32, #tpu.memory_space<hbm>>
      %dma_wait3A_136 = tpu.memref_slice %arg2[%mul3A_3] : memref<327680xi32, #tpu.memory_space<hbm>> -> memref<10240xi32, #tpu.memory_space<hbm>>
      tpu.wait_dma2 semaphore(%run_scoped3A : memref<!tpu.dma_semaphore, #tpu.memory_space<semaphore_mem>>) src(%dma_wait3A_136 : memref<10240xi32, #tpu.memory_space<hbm>>) dst(%arg9 : memref<10240xi32, #tpu.memory_space<vmem>>)
      tpu.yield
    }) : () -> ()
    %scan3A = arith.constant 0 : i32
    %scan3A_4 = arith.constant 0 : i32
    %scan3A_5 = arith.constant 80 : i32
    %scan3A_6 = arith.addi %scan3A_4, %scan3A_5 : i32
    %scan3A_7 = arith.constant 1 : i32
    scf.for %scan3A_134 = %scan3A_4 to %scan3A_6 step %scan3A_7  : i32 {
      %mul3A_135 = arith.constant 128 : i32
      %mul3A_136 = arith.muli %scan3A_134, %mul3A_135 : i32
      %add3A_137 = arith.constant 0 : i32
      %add3A_138 = arith.addi %mul3A_136, %add3A_137 : i32
      %get3A = arith.index_cast %add3A_138 : i32 to index
      %get3A_139 = tpu.vector_load %arg9[%get3A] {strides = array<i32>} : memref<10240xi32, #tpu.memory_space<vmem>>, vector<16xi32>,
      %get3A_140 = vector.shape_cast %get3A_139 : vector<16xi32> to vector<16xi32>
      %ge3A = arith.constant 2000000 : i32
      %ge3A_141 = vector.broadcast %ge3A : i32 to vector<16xi32>
      %ge3A_142 = arith.cmpi sge, %get3A_140, %ge3A_141 : vector<16xi32>
      %jit3A = arith.constant 2000000 : i32
      %jit3A_143 = arith.constant 0 : i32
      %broadcast_in_dim3A_144 = vector.broadcast %jit3A : i32 to vector<16xi32>
      %broadcast_in_dim3A_145 = vector.broadcast %jit3A_143 : i32 to vector<16xi32>
      %select_n3A = arith.select %ge3A_142, %broadcast_in_dim3A_144, %broadcast_in_dim3A_145 : vector<16xi1>, vector<16xi32>
      %sub3A = arith.subi %get3A_140, %select_n3A : vector<16xi32>
      %ge3A_146 = arith.constant 1000000 : i32
      %ge3A_147 = vector.broadcast %ge3A_146 : i32 to vector<16xi32>
      %ge3A_148 = arith.cmpi sge, %sub3A, %ge3A_147 : vector<16xi32>
      %jit3A_149 = arith.constant 1000000 : i32
      %jit3A_150 = arith.constant 0 : i32
      %broadcast_in_dim3A_151 = vector.broadcast %jit3A_149 : i32 to vector<16xi32>
      %broadcast_in_dim3A_152 = vector.broadcast %jit3A_150 : i32 to vector<16xi32>
      %select_n3A_153 = arith.select %ge3A_148, %broadcast_in_dim3A_151, %broadcast_in_dim3A_152 : vector<16xi1>, vector<16xi32>
      %sub3A_154 = arith.subi %sub3A, %select_n3A_153 : vector<16xi32>
      %swap3A_155 = arith.index_cast %add3A_138 : i32 to index
      %swap3A_156 = tpu.vector_load %arg9[%swap3A_155] {strides = array<i32>} : memref<10240xi32, #tpu.memory_space<vmem>>, vector<16xi32>,
      %swap3A_157 = vector.shape_cast %swap3A_156 : vector<16xi32> to vector<16xi32>
      %swap3A_158 = vector.shape_cast %sub3A_154 : vector<16xi32> to vector<16xi32>
      tpu.vector_store %arg9[%swap3A_155], %swap3A_158 {strides = array<i32>} : memref<10240xi32, #tpu.memory_space<vmem>>, vector<16xi32>,
      %mul3A_159 = arith.constant 128 : i32
      %mul3A_160 = arith.muli %scan3A_134, %mul3A_159 : i32
      %add3A_161 = arith.constant 16 : i32
      %add3A_162 = arith.addi %mul3A_160, %add3A_161 : i32
      %get3A_163 = arith.index_cast %add3A_162 : i32 to index
      %get3A_164 = tpu.vector_load %arg9[%get3A_163] {strides = array<i32>} : memref<10240xi32, #tpu.memory_space<vmem>>, vector<16xi32>,
      %get3A_165 = vector.shape_cast %get3A_164 : vector<16xi32> to vector<16xi32>
      %ge3A_166 = arith.constant 2000000 : i32
      %ge3A_167 = vector.broadcast %ge3A_166 : i32 to vector<16xi32>
      %ge3A_168 = arith.cmpi sge, %get3A_165, %ge3A_167 : vector<16xi32>
      %jit3A_169 = arith.constant 2000000 : i32
      %jit3A_170 = arith.constant 0 : i32
      %broadcast_in_dim3A_171 = vector.broadcast %jit3A_169 : i32 to vector<16xi32>
      %broadcast_in_dim3A_172 = vector.broadcast %jit3A_170 : i32 to vector<16xi32>
      %select_n3A_173 = arith.select %ge3A_168, %broadcast_in_dim3A_171, %broadcast_in_dim3A_172 : vector<16xi1>, vector<16xi32>
      %sub3A_174 = arith.subi %get3A_165, %select_n3A_173 : vector<16xi32>
      %ge3A_175 = arith.constant 1000000 : i32
      %ge3A_176 = vector.broadcast %ge3A_175 : i32 to vector<16xi32>
      %ge3A_177 = arith.cmpi sge, %sub3A_174, %ge3A_176 : vector<16xi32>
      %jit3A_178 = arith.constant 1000000 : i32
      %jit3A_179 = arith.constant 0 : i32
      %broadcast_in_dim3A_180 = vector.broadcast %jit3A_178 : i32 to vector<16xi32>
      %broadcast_in_dim3A_181 = vector.broadcast %jit3A_179 : i32 to vector<16xi32>
      %select_n3A_182 = arith.select %ge3A_177, %broadcast_in_dim3A_180, %broadcast_in_dim3A_181 : vector<16xi1>, vector<16xi32>
      %sub3A_183 = arith.subi %sub3A_174, %select_n3A_182 : vector<16xi32>
      %swap3A_184 = arith.index_cast %add3A_162 : i32 to index
      %swap3A_185 = tpu.vector_load %arg9[%swap3A_184] {strides = array<i32>} : memref<10240xi32, #tpu.memory_space<vmem>>, vector<16xi32>,
      %swap3A_186 = vector.shape_cast %swap3A_185 : vector<16xi32> to vector<16xi32>
      %swap3A_187 = vector.shape_cast %sub3A_183 : vector<16xi32> to vector<16xi32>
      tpu.vector_store %arg9[%swap3A_184], %swap3A_187 {strides = array<i32>} : memref<10240xi32, #tpu.memory_space<vmem>>, vector<16xi32>,
      %mul3A_188 = arith.constant 128 : i32
      %mul3A_189 = arith.muli %scan3A_134, %mul3A_188 : i32
      %add3A_190 = arith.constant 32 : i32
      %add3A_191 = arith.addi %mul3A_189, %add3A_190 : i32
      %get3A_192 = arith.index_cast %add3A_191 : i32 to index
      %get3A_193 = tpu.vector_load %arg9[%get3A_192] {strides = array<i32>} : memref<10240xi32, #tpu.memory_space<vmem>>, vector<16xi32>,
      %get3A_194 = vector.shape_cast %get3A_193 : vector<16xi32> to vector<16xi32>
      %ge3A_195 = arith.constant 2000000 : i32
      %ge3A_196 = vector.broadcast %ge3A_195 : i32 to vector<16xi32>
      %ge3A_197 = arith.cmpi sge, %get3A_194, %ge3A_196 : vector<16xi32>
      %jit3A_198 = arith.constant 2000000 : i32
      %jit3A_199 = arith.constant 0 : i32
      %broadcast_in_dim3A_200 = vector.broadcast %jit3A_198 : i32 to vector<16xi32>
      %broadcast_in_dim3A_201 = vector.broadcast %jit3A_199 : i32 to vector<16xi32>
      %select_n3A_202 = arith.select %ge3A_197, %broadcast_in_dim3A_200, %broadcast_in_dim3A_201 : vector<16xi1>, vector<16xi32>
      %sub3A_203 = arith.subi %get3A_194, %select_n3A_202 : vector<16xi32>
      %ge3A_204 = arith.constant 1000000 : i32
      %ge3A_205 = vector.broadcast %ge3A_204 : i32 to vector<16xi32>
      %ge3A_206 = arith.cmpi sge, %sub3A_203, %ge3A_205 : vector<16xi32>
      %jit3A_207 = arith.constant 1000000 : i32
      %jit3A_208 = arith.constant 0 : i32
      %broadcast_in_dim3A_209 = vector.broadcast %jit3A_207 : i32 to vector<16xi32>
      %broadcast_in_dim3A_210 = vector.broadcast %jit3A_208 : i32 to vector<16xi32>
      %select_n3A_211 = arith.select %ge3A_206, %broadcast_in_dim3A_209, %broadcast_in_dim3A_210 : vector<16xi1>, vector<16xi32>
      %sub3A_212 = arith.subi %sub3A_203, %select_n3A_211 : vector<16xi32>
      %swap3A_213 = arith.index_cast %add3A_191 : i32 to index
      %swap3A_214 = tpu.vector_load %arg9[%swap3A_213] {strides = array<i32>} : memref<10240xi32, #tpu.memory_space<vmem>>, vector<16xi32>,
      %swap3A_215 = vector.shape_cast %swap3A_214 : vector<16xi32> to vector<16xi32>
      %swap3A_216 = vector.shape_cast %sub3A_212 : vector<16xi32> to vector<16xi32>
      tpu.vector_store %arg9[%swap3A_213], %swap3A_216 {strides = array<i32>} : memref<10240xi32, #tpu.memory_space<vmem>>, vector<16xi32>,
      %mul3A_217 = arith.constant 128 : i32
      %mul3A_218 = arith.muli %scan3A_134, %mul3A_217 : i32
      %add3A_219 = arith.constant 48 : i32
      %add3A_220 = arith.addi %mul3A_218, %add3A_219 : i32
      %get3A_221 = arith.index_cast %add3A_220 : i32 to index
      %get3A_222 = tpu.vector_load %arg9[%get3A_221] {strides = array<i32>} : memref<10240xi32, #tpu.memory_space<vmem>>, vector<16xi32>,
      %get3A_223 = vector.shape_cast %get3A_222 : vector<16xi32> to vector<16xi32>
      %ge3A_224 = arith.constant 2000000 : i32
      %ge3A_225 = vector.broadcast %ge3A_224 : i32 to vector<16xi32>
      %ge3A_226 = arith.cmpi sge, %get3A_223, %ge3A_225 : vector<16xi32>
      %jit3A_227 = arith.constant 2000000 : i32
      %jit3A_228 = arith.constant 0 : i32
      %broadcast_in_dim3A_229 = vector.broadcast %jit3A_227 : i32 to vector<16xi32>
      %broadcast_in_dim3A_230 = vector.broadcast %jit3A_228 : i32 to vector<16xi32>
      %select_n3A_231 = arith.select %ge3A_226, %broadcast_in_dim3A_229, %broadcast_in_dim3A_230 : vector<16xi1>, vector<16xi32>
      %sub3A_232 = arith.subi %get3A_223, %select_n3A_231 : vector<16xi32>
      %ge3A_233 = arith.constant 1000000 : i32
      %ge3A_234 = vector.broadcast %ge3A_233 : i32 to vector<16xi32>
      %ge3A_235 = arith.cmpi sge, %sub3A_232, %ge3A_234 : vector<16xi32>
      %jit3A_236 = arith.constant 1000000 : i32
      %jit3A_237 = arith.constant 0 : i32
      %broadcast_in_dim3A_238 = vector.broadcast %jit3A_236 : i32 to vector<16xi32>
      %broadcast_in_dim3A_239 = vector.broadcast %jit3A_237 : i32 to vector<16xi32>
      %select_n3A_240 = arith.select %ge3A_235, %broadcast_in_dim3A_238, %broadcast_in_dim3A_239 : vector<16xi1>, vector<16xi32>
      %sub3A_241 = arith.subi %sub3A_232, %select_n3A_240 : vector<16xi32>
      %swap3A_242 = arith.index_cast %add3A_220 : i32 to index
      %swap3A_243 = tpu.vector_load %arg9[%swap3A_242] {strides = array<i32>} : memref<10240xi32, #tpu.memory_space<vmem>>, vector<16xi32>,
      %swap3A_244 = vector.shape_cast %swap3A_243 : vector<16xi32> to vector<16xi32>
      %swap3A_245 = vector.shape_cast %sub3A_241 : vector<16xi32> to vector<16xi32>
      tpu.vector_store %arg9[%swap3A_242], %swap3A_245 {strides = array<i32>} : memref<10240xi32, #tpu.memory_space<vmem>>, vector<16xi32>,
      %mul3A_246 = arith.constant 128 : i32
      %mul3A_247 = arith.muli %scan3A_134, %mul3A_246 : i32
      %add3A_248 = arith.constant 64 : i32
      %add3A_249 = arith.addi %mul3A_247, %add3A_248 : i32
      %get3A_250 = arith.index_cast %add3A_249 : i32 to index
      %get3A_251 = tpu.vector_load %arg9[%get3A_250] {strides = array<i32>} : memref<10240xi32, #tpu.memory_space<vmem>>, vector<16xi32>,
      %get3A_252 = vector.shape_cast %get3A_251 : vector<16xi32> to vector<16xi32>
      %ge3A_253 = arith.constant 2000000 : i32
      %ge3A_254 = vector.broadcast %ge3A_253 : i32 to vector<16xi32>
      %ge3A_255 = arith.cmpi sge, %get3A_252, %ge3A_254 : vector<16xi32>
      %jit3A_256 = arith.constant 2000000 : i32
      %jit3A_257 = arith.constant 0 : i32
      %broadcast_in_dim3A_258 = vector.broadcast %jit3A_256 : i32 to vector<16xi32>
      %broadcast_in_dim3A_259 = vector.broadcast %jit3A_257 : i32 to vector<16xi32>
      %select_n3A_260 = arith.select %ge3A_255, %broadcast_in_dim3A_258, %broadcast_in_dim3A_259 : vector<16xi1>, vector<16xi32>
      %sub3A_261 = arith.subi %get3A_252, %select_n3A_260 : vector<16xi32>
      %ge3A_262 = arith.constant 1000000 : i32
      %ge3A_263 = vector.broadcast %ge3A_262 : i32 to vector<16xi32>
      %ge3A_264 = arith.cmpi sge, %sub3A_261, %ge3A_263 : vector<16xi32>
      %jit3A_265 = arith.constant 1000000 : i32
      %jit3A_266 = arith.constant 0 : i32
      %broadcast_in_dim3A_267 = vector.broadcast %jit3A_265 : i32 to vector<16xi32>
      %broadcast_in_dim3A_268 = vector.broadcast %jit3A_266 : i32 to vector<16xi32>
      %select_n3A_269 = arith.select %ge3A_264, %broadcast_in_dim3A_267, %broadcast_in_dim3A_268 : vector<16xi1>, vector<16xi32>
      %sub3A_270 = arith.subi %sub3A_261, %select_n3A_269 : vector<16xi32>
      %swap3A_271 = arith.index_cast %add3A_249 : i32 to index
      %swap3A_272 = tpu.vector_load %arg9[%swap3A_271] {strides = array<i32>} : memref<10240xi32, #tpu.memory_space<vmem>>, vector<16xi32>,
      %swap3A_273 = vector.shape_cast %swap3A_272 : vector<16xi32> to vector<16xi32>
      %swap3A_274 = vector.shape_cast %sub3A_270 : vector<16xi32> to vector<16xi32>
      tpu.vector_store %arg9[%swap3A_271], %swap3A_274 {strides = array<i32>} : memref<10240xi32, #tpu.memory_space<vmem>>, vector<16xi32>,
      %mul3A_275 = arith.constant 128 : i32
      %mul3A_276 = arith.muli %scan3A_134, %mul3A_275 : i32
      %add3A_277 = arith.constant 80 : i32
      %add3A_278 = arith.addi %mul3A_276, %add3A_277 : i32
      %get3A_279 = arith.index_cast %add3A_278 : i32 to index
      %get3A_280 = tpu.vector_load %arg9[%get3A_279] {strides = array<i32>} : memref<10240xi32, #tpu.memory_space<vmem>>, vector<16xi32>,
      %get3A_281 = vector.shape_cast %get3A_280 : vector<16xi32> to vector<16xi32>
      %ge3A_282 = arith.constant 2000000 : i32
      %ge3A_283 = vector.broadcast %ge3A_282 : i32 to vector<16xi32>
      %ge3A_284 = arith.cmpi sge, %get3A_281, %ge3A_283 : vector<16xi32>
      %jit3A_285 = arith.constant 2000000 : i32
      %jit3A_286 = arith.constant 0 : i32
      %broadcast_in_dim3A_287 = vector.broadcast %jit3A_285 : i32 to vector<16xi32>
      %broadcast_in_dim3A_288 = vector.broadcast %jit3A_286 : i32 to vector<16xi32>
      %select_n3A_289 = arith.select %ge3A_284, %broadcast_in_dim3A_287, %broadcast_in_dim3A_288 : vector<16xi1>, vector<16xi32>
      %sub3A_290 = arith.subi %get3A_281, %select_n3A_289 : vector<16xi32>
      %ge3A_291 = arith.constant 1000000 : i32
      %ge3A_292 = vector.broadcast %ge3A_291 : i32 to vector<16xi32>
      %ge3A_293 = arith.cmpi sge, %sub3A_290, %ge3A_292 : vector<16xi32>
      %jit3A_294 = arith.constant 1000000 : i32
      %jit3A_295 = arith.constant 0 : i32
      %broadcast_in_dim3A_296 = vector.broadcast %jit3A_294 : i32 to vector<16xi32>
      %broadcast_in_dim3A_297 = vector.broadcast %jit3A_295 : i32 to vector<16xi32>
      %select_n3A_298 = arith.select %ge3A_293, %broadcast_in_dim3A_296, %broadcast_in_dim3A_297 : vector<16xi1>, vector<16xi32>
      %sub3A_299 = arith.subi %sub3A_290, %select_n3A_298 : vector<16xi32>
      %swap3A_300 = arith.index_cast %add3A_278 : i32 to index
      %swap3A_301 = tpu.vector_load %arg9[%swap3A_300] {strides = array<i32>} : memref<10240xi32, #tpu.memory_space<vmem>>, vector<16xi32>,
      %swap3A_302 = vector.shape_cast %swap3A_301 : vector<16xi32> to vector<16xi32>
      %swap3A_303 = vector.shape_cast %sub3A_299 : vector<16xi32> to vector<16xi32>
      tpu.vector_store %arg9[%swap3A_300], %swap3A_303 {strides = array<i32>} : memref<10240xi32, #tpu.memory_space<vmem>>, vector<16xi32>,
      %mul3A_304 = arith.constant 128 : i32
      %mul3A_305 = arith.muli %scan3A_134, %mul3A_304 : i32
      %add3A_306 = arith.constant 96 : i32
      %add3A_307 = arith.addi %mul3A_305, %add3A_306 : i32
      %get3A_308 = arith.index_cast %add3A_307 : i32 to index
      %get3A_309 = tpu.vector_load %arg9[%get3A_308] {strides = array<i32>} : memref<10240xi32, #tpu.memory_space<vmem>>, vector<16xi32>,
      %get3A_310 = vector.shape_cast %get3A_309 : vector<16xi32> to vector<16xi32>
      %ge3A_311 = arith.constant 2000000 : i32
      %ge3A_312 = vector.broadcast %ge3A_311 : i32 to vector<16xi32>
      %ge3A_313 = arith.cmpi sge, %get3A_310, %ge3A_312 : vector<16xi32>
      %jit3A_314 = arith.constant 2000000 : i32
      %jit3A_315 = arith.constant 0 : i32
      %broadcast_in_dim3A_316 = vector.broadcast %jit3A_314 : i32 to vector<16xi32>
      %broadcast_in_dim3A_317 = vector.broadcast %jit3A_315 : i32 to vector<16xi32>
      %select_n3A_318 = arith.select %ge3A_313, %broadcast_in_dim3A_316, %broadcast_in_dim3A_317 : vector<16xi1>, vector<16xi32>
      %sub3A_319 = arith.subi %get3A_310, %select_n3A_318 : vector<16xi32>
      %ge3A_320 = arith.constant 1000000 : i32
      %ge3A_321 = vector.broadcast %ge3A_320 : i32 to vector<16xi32>
      %ge3A_322 = arith.cmpi sge, %sub3A_319, %ge3A_321 : vector<16xi32>
      %jit3A_323 = arith.constant 1000000 : i32
      %jit3A_324 = arith.constant 0 : i32
      %broadcast_in_dim3A_325 = vector.broadcast %jit3A_323 : i32 to vector<16xi32>
      %broadcast_in_dim3A_326 = vector.broadcast %jit3A_324 : i32 to vector<16xi32>
      %select_n3A_327 = arith.select %ge3A_322, %broadcast_in_dim3A_325, %broadcast_in_dim3A_326 : vector<16xi1>, vector<16xi32>
      %sub3A_328 = arith.subi %sub3A_319, %select_n3A_327 : vector<16xi32>
      %swap3A_329 = arith.index_cast %add3A_307 : i32 to index
      %swap3A_330 = tpu.vector_load %arg9[%swap3A_329] {strides = array<i32>} : memref<10240xi32, #tpu.memory_space<vmem>>, vector<16xi32>,
      %swap3A_331 = vector.shape_cast %swap3A_330 : vector<16xi32> to vector<16xi32>
      %swap3A_332 = vector.shape_cast %sub3A_328 : vector<16xi32> to vector<16xi32>
      tpu.vector_store %arg9[%swap3A_329], %swap3A_332 {strides = array<i32>} : memref<10240xi32, #tpu.memory_space<vmem>>, vector<16xi32>,
      %mul3A_333 = arith.constant 128 : i32
      %mul3A_334 = arith.muli %scan3A_134, %mul3A_333 : i32
      %add3A_335 = arith.constant 112 : i32
      %add3A_336 = arith.addi %mul3A_334, %add3A_335 : i32
      %get3A_337 = arith.index_cast %add3A_336 : i32 to index
      %get3A_338 = tpu.vector_load %arg9[%get3A_337] {strides = array<i32>} : memref<10240xi32, #tpu.memory_space<vmem>>, vector<16xi32>,
      %get3A_339 = vector.shape_cast %get3A_338 : vector<16xi32> to vector<16xi32>
      %ge3A_340 = arith.constant 2000000 : i32
      %ge3A_341 = vector.broadcast %ge3A_340 : i32 to vector<16xi32>
      %ge3A_342 = arith.cmpi sge, %get3A_339, %ge3A_341 : vector<16xi32>
      %jit3A_343 = arith.constant 2000000 : i32
      %jit3A_344 = arith.constant 0 : i32
      %broadcast_in_dim3A_345 = vector.broadcast %jit3A_343 : i32 to vector<16xi32>
      %broadcast_in_dim3A_346 = vector.broadcast %jit3A_344 : i32 to vector<16xi32>
      %select_n3A_347 = arith.select %ge3A_342, %broadcast_in_dim3A_345, %broadcast_in_dim3A_346 : vector<16xi1>, vector<16xi32>
      %sub3A_348 = arith.subi %get3A_339, %select_n3A_347 : vector<16xi32>
      %ge3A_349 = arith.constant 1000000 : i32
      %ge3A_350 = vector.broadcast %ge3A_349 : i32 to vector<16xi32>
      %ge3A_351 = arith.cmpi sge, %sub3A_348, %ge3A_350 : vector<16xi32>
      %jit3A_352 = arith.constant 1000000 : i32
      %jit3A_353 = arith.constant 0 : i32
      %broadcast_in_dim3A_354 = vector.broadcast %jit3A_352 : i32 to vector<16xi32>
      %broadcast_in_dim3A_355 = vector.broadcast %jit3A_353 : i32 to vector<16xi32>
      %select_n3A_356 = arith.select %ge3A_351, %broadcast_in_dim3A_354, %broadcast_in_dim3A_355 : vector<16xi1>, vector<16xi32>
      %sub3A_357 = arith.subi %sub3A_348, %select_n3A_356 : vector<16xi32>
      %swap3A_358 = arith.index_cast %add3A_336 : i32 to index
      %swap3A_359 = tpu.vector_load %arg9[%swap3A_358] {strides = array<i32>} : memref<10240xi32, #tpu.memory_space<vmem>>, vector<16xi32>,
      %swap3A_360 = vector.shape_cast %swap3A_359 : vector<16xi32> to vector<16xi32>
      %swap3A_361 = vector.shape_cast %sub3A_357 : vector<16xi32> to vector<16xi32>
      tpu.vector_store %arg9[%swap3A_358], %swap3A_361 {strides = array<i32>} : memref<10240xi32, #tpu.memory_space<vmem>>, vector<16xi32>,
    }
    %scan3A_8 = arith.constant 80 : i32
    "tpu.region"() ({
      %run_scoped3A = tpu.sem_alloc : memref<!tpu.dma_semaphore, #tpu.memory_space<semaphore_mem>>
      %dma_start3A_134 = tpu.memref_slice %arg6[%mul3A_3] : memref<327680xi32, #tpu.memory_space<hbm>> -> memref<10240xi32, #tpu.memory_space<hbm>>
      %dma_start3A_135 = tpu.memref_slice %arg6[%mul3A_3] : memref<327680xi32, #tpu.memory_space<hbm>> -> memref<10240xi32, #tpu.memory_space<hbm>>
      tpu.enqueue_dma source(%arg9 : memref<10240xi32, #tpu.memory_space<vmem>>) target(%dma_start3A_135 : memref<10240xi32, #tpu.memory_space<hbm>>) target_semaphore(%run_scoped3A : memref<!tpu.dma_semaphore, #tpu.memory_space<semaphore_mem>>)
      %dma_wait3A = tpu.memref_slice %arg6[%mul3A_3] : memref<327680xi32, #tpu.memory_space<hbm>> -> memref<10240xi32, #tpu.memory_space<hbm>>
      %dma_wait3A_136 = tpu.memref_slice %arg6[%mul3A_3] : memref<327680xi32, #tpu.memory_space<hbm>> -> memref<10240xi32, #tpu.memory_space<hbm>>
      tpu.wait_dma2 semaphore(%run_scoped3A : memref<!tpu.dma_semaphore, #tpu.memory_space<semaphore_mem>>) src(%arg9 : memref<10240xi32, #tpu.memory_space<vmem>>) dst(%dma_wait3A_136 : memref<10240xi32, #tpu.memory_space<hbm>>)
      tpu.yield
    }) : () -> ()
    %mul3A_9 = arith.constant 0 : i32
    %mul3A_10 = arith.constant 128 : i32
    %mul3A_11 = arith.muli %mul3A_9, %mul3A_10 : i32
    %dma_start3A = arith.constant 0 : i32
    %dma_start3A_12 = arith.constant 0 : i32
    %dma_start3A_13 = arith.constant 0 : i32
    %dma_start3A_14 = tpu.memref_slice %arg10[%dma_start3A, %dma_start3A_12, %dma_start3A_13] : memref<4x128x128xf32, #tpu.memory_space<vmem>> -> memref<1x128x128xf32, #tpu.memory_space<vmem>>
    %dma_start3A_15 = tpu.memref_squeeze %dma_start3A_14 : memref<1x128x128xf32, #tpu.memory_space<vmem>> -> memref<128x128xf32, #tpu.memory_space<vmem>>
    %dma_start3A_16 = tpu.memref_slice %arg9[%mul3A_11] : memref<10240xi32, #tpu.memory_space<vmem>> -> memref<128xi32, #tpu.memory_space<vmem>>
    %dma_start3A_17 = arith.constant 0 : i32
    %dma_start3A_18 = arith.constant 0 : i32
    %dma_start3A_19 = tpu.memref_slice %arg4[%dma_start3A_17, %dma_start3A_18] : memref<1000000x128xf32, #tpu.memory_space<hbm>> -> memref<1000000x128xf32, #tpu.memory_space<hbm>>
    tpu.enqueue_indirect_dma source(%dma_start3A_19 : memref<1000000x128xf32, #tpu.memory_space<hbm>>) target(%dma_start3A_15 : memref<128x128xf32, #tpu.memory_space<vmem>>) offsets(%dma_start3A_16 : memref<128xi32, #tpu.memory_space<vmem>>) semaphore(%arg12 : memref<!tpu.dma_semaphore, #tpu.memory_space<semaphore_mem>>)
    %mul3A_20 = arith.constant 1 : i32
    %mul3A_21 = arith.constant 128 : i32
    %mul3A_22 = arith.muli %mul3A_20, %mul3A_21 : i32
    %dma_start3A_23 = arith.constant 1 : i32
    %dma_start3A_24 = arith.constant 0 : i32
    %dma_start3A_25 = arith.constant 0 : i32
    %dma_start3A_26 = tpu.memref_slice %arg10[%dma_start3A_23, %dma_start3A_24, %dma_start3A_25] : memref<4x128x128xf32, #tpu.memory_space<vmem>> -> memref<1x128x128xf32, #tpu.memory_space<vmem>>
    %dma_start3A_27 = tpu.memref_squeeze %dma_start3A_26 : memref<1x128x128xf32, #tpu.memory_space<vmem>> -> memref<128x128xf32, #tpu.memory_space<vmem>>
    %dma_start3A_28 = tpu.memref_slice %arg9[%mul3A_22] : memref<10240xi32, #tpu.memory_space<vmem>> -> memref<128xi32, #tpu.memory_space<vmem>>
    %dma_start3A_29 = arith.constant 0 : i32
    %dma_start3A_30 = arith.constant 0 : i32
    %dma_start3A_31 = tpu.memref_slice %arg4[%dma_start3A_29, %dma_start3A_30] : memref<1000000x128xf32, #tpu.memory_space<hbm>> -> memref<1000000x128xf32, #tpu.memory_space<hbm>>
    tpu.enqueue_indirect_dma source(%dma_start3A_31 : memref<1000000x128xf32, #tpu.memory_space<hbm>>) target(%dma_start3A_27 : memref<128x128xf32, #tpu.memory_space<vmem>>) offsets(%dma_start3A_28 : memref<128xi32, #tpu.memory_space<vmem>>) semaphore(%arg13 : memref<!tpu.dma_semaphore, #tpu.memory_space<semaphore_mem>>)
    %mul3A_32 = arith.constant 2 : i32
    %mul3A_33 = arith.constant 128 : i32
    %mul3A_34 = arith.muli %mul3A_32, %mul3A_33 : i32
    %dma_start3A_35 = arith.constant 2 : i32
    %dma_start3A_36 = arith.constant 0 : i32
    %dma_start3A_37 = arith.constant 0 : i32
    %dma_start3A_38 = tpu.memref_slice %arg10[%dma_start3A_35, %dma_start3A_36, %dma_start3A_37] : memref<4x128x128xf32, #tpu.memory_space<vmem>> -> memref<1x128x128xf32, #tpu.memory_space<vmem>>
    %dma_start3A_39 = tpu.memref_squeeze %dma_start3A_38 : memref<1x128x128xf32, #tpu.memory_space<vmem>> -> memref<128x128xf32, #tpu.memory_space<vmem>>
    %dma_start3A_40 = tpu.memref_slice %arg9[%mul3A_34] : memref<10240xi32, #tpu.memory_space<vmem>> -> memref<128xi32, #tpu.memory_space<vmem>>
    %dma_start3A_41 = arith.constant 0 : i32
    %dma_start3A_42 = arith.constant 0 : i32
    %dma_start3A_43 = tpu.memref_slice %arg4[%dma_start3A_41, %dma_start3A_42] : memref<1000000x128xf32, #tpu.memory_space<hbm>> -> memref<1000000x128xf32, #tpu.memory_space<hbm>>
    tpu.enqueue_indirect_dma source(%dma_start3A_43 : memref<1000000x128xf32, #tpu.memory_space<hbm>>) target(%dma_start3A_39 : memref<128x128xf32, #tpu.memory_space<vmem>>) offsets(%dma_start3A_40 : memref<128xi32, #tpu.memory_space<vmem>>) semaphore(%arg14 : memref<!tpu.dma_semaphore, #tpu.memory_space<semaphore_mem>>)
    %mul3A_44 = arith.constant 3 : i32
    %mul3A_45 = arith.constant 128 : i32
    %mul3A_46 = arith.muli %mul3A_44, %mul3A_45 : i32
    %dma_start3A_47 = arith.constant 3 : i32
    %dma_start3A_48 = arith.constant 0 : i32
    %dma_start3A_49 = arith.constant 0 : i32
    %dma_start3A_50 = tpu.memref_slice %arg10[%dma_start3A_47, %dma_start3A_48, %dma_start3A_49] : memref<4x128x128xf32, #tpu.memory_space<vmem>> -> memref<1x128x128xf32, #tpu.memory_space<vmem>>
    %dma_start3A_51 = tpu.memref_squeeze %dma_start3A_50 : memref<1x128x128xf32, #tpu.memory_space<vmem>> -> memref<128x128xf32, #tpu.memory_space<vmem>>
    %dma_start3A_52 = tpu.memref_slice %arg9[%mul3A_46] : memref<10240xi32, #tpu.memory_space<vmem>> -> memref<128xi32, #tpu.memory_space<vmem>>
    %dma_start3A_53 = arith.constant 0 : i32
    %dma_start3A_54 = arith.constant 0 : i32
    %dma_start3A_55 = tpu.memref_slice %arg4[%dma_start3A_53, %dma_start3A_54] : memref<1000000x128xf32, #tpu.memory_space<hbm>> -> memref<1000000x128xf32, #tpu.memory_space<hbm>>
    tpu.enqueue_indirect_dma source(%dma_start3A_55 : memref<1000000x128xf32, #tpu.memory_space<hbm>>) target(%dma_start3A_51 : memref<128x128xf32, #tpu.memory_space<vmem>>) offsets(%dma_start3A_52 : memref<128xi32, #tpu.memory_space<vmem>>) semaphore(%arg15 : memref<!tpu.dma_semaphore, #tpu.memory_space<semaphore_mem>>)
    %scan3A_56 = arith.constant 0 : i32
    %scan3A_57 = arith.constant 20 : i32
    %scan3A_58 = arith.addi %scan3A_56, %scan3A_57 : i32
    %scan3A_59 = arith.constant 1 : i32
    %scan3A_60:8 = scf.for %scan3A_134 = %scan3A_56 to %scan3A_58 step %scan3A_59 iter_args(%scan3A_135 = %broadcast_in_dim3A_1, %scan3A_136 = %broadcast_in_dim3A_1, %scan3A_137 = %broadcast_in_dim3A_1, %scan3A_138 = %broadcast_in_dim3A_1, %scan3A_139 = %broadcast_in_dim3A_1, %scan3A_140 = %broadcast_in_dim3A_1, %scan3A_141 = %broadcast_in_dim3A_1, %scan3A_142 = %broadcast_in_dim3A_1) -> (vector<16xf32>, vector<16xf32>, vector<16xf32>, vector<16xf32>, vector<16xf32>, vector<16xf32>, vector<16xf32>, vector<16xf32>)  : i32 {
      %dma_wait3A = arith.constant 0 : i32
      %dma_wait3A_143 = arith.constant 0 : i32
      %dma_wait3A_144 = arith.constant 0 : i32
      %dma_wait3A_145 = tpu.memref_slice %arg10[%dma_wait3A, %dma_wait3A_143, %dma_wait3A_144] : memref<4x128x128xf32, #tpu.memory_space<vmem>> -> memref<1x128x128xf32, #tpu.memory_space<vmem>>
      %dma_wait3A_146 = tpu.memref_squeeze %dma_wait3A_145 : memref<1x128x128xf32, #tpu.memory_space<vmem>> -> memref<128x128xf32, #tpu.memory_space<vmem>>
      %dma_wait3A_147 = arith.constant 0 : i32
      %dma_wait3A_148 = arith.constant 0 : i32
      %dma_wait3A_149 = tpu.memref_slice %arg4[%dma_wait3A_147, %dma_wait3A_148] : memref<1000000x128xf32, #tpu.memory_space<hbm>> -> memref<128x128xf32, #tpu.memory_space<hbm>>
      %dma_wait3A_150 = arith.constant 0 : i32
      %dma_wait3A_151 = arith.constant 0 : i32
      %dma_wait3A_152 = tpu.memref_slice %arg10[%dma_wait3A, %dma_wait3A_150, %dma_wait3A_151] : memref<4x128x128xf32, #tpu.memory_space<vmem>> -> memref<1x128x128xf32, #tpu.memory_space<vmem>>
      %dma_wait3A_153 = tpu.memref_squeeze %dma_wait3A_152 : memref<1x128x128xf32, #tpu.memory_space<vmem>> -> memref<128x128xf32, #tpu.memory_space<vmem>>
      %dma_wait3A_154 = arith.constant 0 : i32
      %dma_wait3A_155 = arith.constant 0 : i32
      %dma_wait3A_156 = tpu.memref_slice %arg4[%dma_wait3A_154, %dma_wait3A_155] : memref<1000000x128xf32, #tpu.memory_space<hbm>> -> memref<128x128xf32, #tpu.memory_space<hbm>>
      tpu.wait_dma2 semaphore(%arg12 : memref<!tpu.dma_semaphore, #tpu.memory_space<semaphore_mem>>) src(%dma_wait3A_156 : memref<128x128xf32, #tpu.memory_space<hbm>>) dst(%dma_wait3A_153 : memref<128x128xf32, #tpu.memory_space<vmem>>)
      %scan3A_157 = arith.constant 0 : i32
      %scan3A_158 = arith.constant 32 : i32
      %scan3A_159 = arith.addi %scan3A_157, %scan3A_158 : i32
      %scan3A_160 = arith.constant 1 : i32
      %scan3A_161:8 = scf.for %scan3A_243 = %scan3A_157 to %scan3A_159 step %scan3A_160 iter_args(%scan3A_244 = %scan3A_135, %scan3A_245 = %scan3A_136, %scan3A_246 = %scan3A_137, %scan3A_247 = %scan3A_138, %scan3A_248 = %scan3A_139, %scan3A_249 = %scan3A_140, %scan3A_250 = %scan3A_141, %scan3A_251 = %scan3A_142) -> (vector<16xf32>, vector<16xf32>, vector<16xf32>, vector<16xf32>, vector<16xf32>, vector<16xf32>, vector<16xf32>, vector<16xf32>)  : i32 {
        %mul3A_252 = arith.constant 4 : i32
        %mul3A_253 = arith.muli %scan3A_243, %mul3A_252 : i32
        %add3A_254 = arith.constant 0 : i32
        %add3A_255 = arith.addi %mul3A_253, %add3A_254 : i32
        %get3A = arith.constant 0 : i32
        %get3A_256 = arith.index_cast %get3A : i32 to index
        %get3A_257 = arith.index_cast %add3A_255 : i32 to index
        %get3A_258 = arith.constant 0 : index
        %get3A_259 = tpu.vector_load %arg10[%get3A_256, %get3A_257, %get3A_258] {strides = array<i32>} : memref<4x128x128xf32, #tpu.memory_space<vmem>>, vector<1x1x16xf32>,
        %get3A_260 = vector.shape_cast %get3A_259 : vector<1x1x16xf32> to vector<16xf32>
        %add3A_261 = arith.addf %scan3A_244, %get3A_260 : vector<16xf32>
        %get3A_262 = arith.constant 0 : i32
        %get3A_263 = arith.index_cast %get3A_262 : i32 to index
        %get3A_264 = arith.index_cast %add3A_255 : i32 to index
        %get3A_265 = arith.constant 16 : index
        %get3A_266 = tpu.vector_load %arg10[%get3A_263, %get3A_264, %get3A_265] {strides = array<i32>} : memref<4x128x128xf32, #tpu.memory_space<vmem>>, vector<1x1x16xf32>,
        %get3A_267 = vector.shape_cast %get3A_266 : vector<1x1x16xf32> to vector<16xf32>
        %add3A_268 = arith.addf %scan3A_245, %get3A_267 : vector<16xf32>
        %get3A_269 = arith.constant 0 : i32
        %get3A_270 = arith.index_cast %get3A_269 : i32 to index
        %get3A_271 = arith.index_cast %add3A_255 : i32 to index
        %get3A_272 = arith.constant 32 : index
        %get3A_273 = tpu.vector_load %arg10[%get3A_270, %get3A_271, %get3A_272] {strides = array<i32>} : memref<4x128x128xf32, #tpu.memory_space<vmem>>, vector<1x1x16xf32>,
        %get3A_274 = vector.shape_cast %get3A_273 : vector<1x1x16xf32> to vector<16xf32>
        %add3A_275 = arith.addf %scan3A_246, %get3A_274 : vector<16xf32>
        %get3A_276 = arith.constant 0 : i32
        %get3A_277 = arith.index_cast %get3A_276 : i32 to index
        %get3A_278 = arith.index_cast %add3A_255 : i32 to index
        %get3A_279 = arith.constant 48 : index
        %get3A_280 = tpu.vector_load %arg10[%get3A_277, %get3A_278, %get3A_279] {strides = array<i32>} : memref<4x128x128xf32, #tpu.memory_space<vmem>>, vector<1x1x16xf32>,
        %get3A_281 = vector.shape_cast %get3A_280 : vector<1x1x16xf32> to vector<16xf32>
        %add3A_282 = arith.addf %scan3A_247, %get3A_281 : vector<16xf32>
        %mul3A_283 = arith.constant 4 : i32
        %mul3A_284 = arith.muli %scan3A_243, %mul3A_283 : i32
        %add3A_285 = arith.constant 1 : i32
        %add3A_286 = arith.addi %mul3A_284, %add3A_285 : i32
        %get3A_287 = arith.constant 0 : i32
        %get3A_288 = arith.index_cast %get3A_287 : i32 to index
        %get3A_289 = arith.index_cast %add3A_286 : i32 to index
        %get3A_290 = arith.constant 0 : index
        %get3A_291 = tpu.vector_load %arg10[%get3A_288, %get3A_289, %get3A_290] {strides = array<i32>} : memref<4x128x128xf32, #tpu.memory_space<vmem>>, vector<1x1x16xf32>,
        %get3A_292 = vector.shape_cast %get3A_291 : vector<1x1x16xf32> to vector<16xf32>
        %add3A_293 = arith.addf %scan3A_248, %get3A_292 : vector<16xf32>
        %get3A_294 = arith.constant 0 : i32
        %get3A_295 = arith.index_cast %get3A_294 : i32 to index
        %get3A_296 = arith.index_cast %add3A_286 : i32 to index
        %get3A_297 = arith.constant 16 : index
        %get3A_298 = tpu.vector_load %arg10[%get3A_295, %get3A_296, %get3A_297] {strides = array<i32>} : memref<4x128x128xf32, #tpu.memory_space<vmem>>, vector<1x1x16xf32>,
        %get3A_299 = vector.shape_cast %get3A_298 : vector<1x1x16xf32> to vector<16xf32>
        %add3A_300 = arith.addf %scan3A_249, %get3A_299 : vector<16xf32>
        %get3A_301 = arith.constant 0 : i32
        %get3A_302 = arith.index_cast %get3A_301 : i32 to index
        %get3A_303 = arith.index_cast %add3A_286 : i32 to index
        %get3A_304 = arith.constant 32 : index
        %get3A_305 = tpu.vector_load %arg10[%get3A_302, %get3A_303, %get3A_304] {strides = array<i32>} : memref<4x128x128xf32, #tpu.memory_space<vmem>>, vector<1x1x16xf32>,
        %get3A_306 = vector.shape_cast %get3A_305 : vector<1x1x16xf32> to vector<16xf32>
        %add3A_307 = arith.addf %scan3A_250, %get3A_306 : vector<16xf32>
        %get3A_308 = arith.constant 0 : i32
        %get3A_309 = arith.index_cast %get3A_308 : i32 to index
        %get3A_310 = arith.index_cast %add3A_286 : i32 to index
        %get3A_311 = arith.constant 48 : index
        %get3A_312 = tpu.vector_load %arg10[%get3A_309, %get3A_310, %get3A_311] {strides = array<i32>} : memref<4x128x128xf32, #tpu.memory_space<vmem>>, vector<1x1x16xf32>,
        %get3A_313 = vector.shape_cast %get3A_312 : vector<1x1x16xf32> to vector<16xf32>
        %add3A_314 = arith.addf %scan3A_251, %get3A_313 : vector<16xf32>
        %mul3A_315 = arith.constant 4 : i32
        %mul3A_316 = arith.muli %scan3A_243, %mul3A_315 : i32
        %add3A_317 = arith.constant 2 : i32
        %add3A_318 = arith.addi %mul3A_316, %add3A_317 : i32
        %get3A_319 = arith.constant 0 : i32
        %get3A_320 = arith.index_cast %get3A_319 : i32 to index
        %get3A_321 = arith.index_cast %add3A_318 : i32 to index
        %get3A_322 = arith.constant 0 : index
        %get3A_323 = tpu.vector_load %arg10[%get3A_320, %get3A_321, %get3A_322] {strides = array<i32>} : memref<4x128x128xf32, #tpu.memory_space<vmem>>, vector<1x1x16xf32>,
        %get3A_324 = vector.shape_cast %get3A_323 : vector<1x1x16xf32> to vector<16xf32>
        %add3A_325 = arith.addf %add3A_261, %get3A_324 : vector<16xf32>
        %get3A_326 = arith.constant 0 : i32
        %get3A_327 = arith.index_cast %get3A_326 : i32 to index
        %get3A_328 = arith.index_cast %add3A_318 : i32 to index
        %get3A_329 = arith.constant 16 : index
        %get3A_330 = tpu.vector_load %arg10[%get3A_327, %get3A_328, %get3A_329] {strides = array<i32>} : memref<4x128x128xf32, #tpu.memory_space<vmem>>, vector<1x1x16xf32>,
        %get3A_331 = vector.shape_cast %get3A_330 : vector<1x1x16xf32> to vector<16xf32>
        %add3A_332 = arith.addf %add3A_268, %get3A_331 : vector<16xf32>
        %get3A_333 = arith.constant 0 : i32
        %get3A_334 = arith.index_cast %get3A_333 : i32 to index
        %get3A_335 = arith.index_cast %add3A_318 : i32 to index
        %get3A_336 = arith.constant 32 : index
        %get3A_337 = tpu.vector_load %arg10[%get3A_334, %get3A_335, %get3A_336] {strides = array<i32>} : memref<4x128x128xf32, #tpu.memory_space<vmem>>, vector<1x1x16xf32>,
        %get3A_338 = vector.shape_cast %get3A_337 : vector<1x1x16xf32> to vector<16xf32>
        %add3A_339 = arith.addf %add3A_275, %get3A_338 : vector<16xf32>
        %get3A_340 = arith.constant 0 : i32
        %get3A_341 = arith.index_cast %get3A_340 : i32 to index
        %get3A_342 = arith.index_cast %add3A_318 : i32 to index
        %get3A_343 = arith.constant 48 : index
        %get3A_344 = tpu.vector_load %arg10[%get3A_341, %get3A_342, %get3A_343] {strides = array<i32>} : memref<4x128x128xf32, #tpu.memory_space<vmem>>, vector<1x1x16xf32>,
        %get3A_345 = vector.shape_cast %get3A_344 : vector<1x1x16xf32> to vector<16xf32>
        %add3A_346 = arith.addf %add3A_282, %get3A_345 : vector<16xf32>
        %mul3A_347 = arith.constant 4 : i32
        %mul3A_348 = arith.muli %scan3A_243, %mul3A_347 : i32
        %add3A_349 = arith.constant 3 : i32
        %add3A_350 = arith.addi %mul3A_348, %add3A_349 : i32
        %get3A_351 = arith.constant 0 : i32
        %get3A_352 = arith.index_cast %get3A_351 : i32 to index
        %get3A_353 = arith.index_cast %add3A_350 : i32 to index
        %get3A_354 = arith.constant 0 : index
        %get3A_355 = tpu.vector_load %arg10[%get3A_352, %get3A_353, %get3A_354] {strides = array<i32>} : memref<4x128x128xf32, #tpu.memory_space<vmem>>, vector<1x1x16xf32>,
        %get3A_356 = vector.shape_cast %get3A_355 : vector<1x1x16xf32> to vector<16xf32>
        %add3A_357 = arith.addf %add3A_293, %get3A_356 : vector<16xf32>
        %get3A_358 = arith.constant 0 : i32
        %get3A_359 = arith.index_cast %get3A_358 : i32 to index
        %get3A_360 = arith.index_cast %add3A_350 : i32 to index
        %get3A_361 = arith.constant 16 : index
        %get3A_362 = tpu.vector_load %arg10[%get3A_359, %get3A_360, %get3A_361] {strides = array<i32>} : memref<4x128x128xf32, #tpu.memory_space<vmem>>, vector<1x1x16xf32>,
        %get3A_363 = vector.shape_cast %get3A_362 : vector<1x1x16xf32> to vector<16xf32>
        %add3A_364 = arith.addf %add3A_300, %get3A_363 : vector<16xf32>
        %get3A_365 = arith.constant 0 : i32
        %get3A_366 = arith.index_cast %get3A_365 : i32 to index
        %get3A_367 = arith.index_cast %add3A_350 : i32 to index
        %get3A_368 = arith.constant 32 : index
        %get3A_369 = tpu.vector_load %arg10[%get3A_366, %get3A_367, %get3A_368] {strides = array<i32>} : memref<4x128x128xf32, #tpu.memory_space<vmem>>, vector<1x1x16xf32>,
        %get3A_370 = vector.shape_cast %get3A_369 : vector<1x1x16xf32> to vector<16xf32>
        %add3A_371 = arith.addf %add3A_307, %get3A_370 : vector<16xf32>
        %get3A_372 = arith.constant 0 : i32
        %get3A_373 = arith.index_cast %get3A_372 : i32 to index
        %get3A_374 = arith.index_cast %add3A_350 : i32 to index
        %get3A_375 = arith.constant 48 : index
        %get3A_376 = tpu.vector_load %arg10[%get3A_373, %get3A_374, %get3A_375] {strides = array<i32>} : memref<4x128x128xf32, #tpu.memory_space<vmem>>, vector<1x1x16xf32>,
        %get3A_377 = vector.shape_cast %get3A_376 : vector<1x1x16xf32> to vector<16xf32>
        %add3A_378 = arith.addf %add3A_314, %get3A_377 : vector<16xf32>
        scf.yield %add3A_325, %add3A_332, %add3A_339, %add3A_346, %add3A_357, %add3A_364, %add3A_371, %add3A_378 : vector<16xf32>, vector<16xf32>, vector<16xf32>, vector<16xf32>, vector<16xf32>, vector<16xf32>, vector<16xf32>, vector<16xf32>
      }
      %scan3A_162 = arith.constant 32 : i32
      %lt3A = arith.constant 19 : i32
      %lt3A_163 = arith.cmpi slt, %scan3A_134, %lt3A : i32
      %convert_element_type3A = arith.extui %lt3A_163 : i1 to i32
      %cond3A = arith.constant 0 : i32
      %cond3A_164 = arith.cmpi ne, %convert_element_type3A, %cond3A : i32
      scf.if %cond3A_164 {
        %add3A_243 = arith.constant 1 : i32
        %add3A_244 = arith.addi %scan3A_134, %add3A_243 : i32
        %mul3A_245 = arith.constant 4 : i32
        %mul3A_246 = arith.muli %add3A_244, %mul3A_245 : i32
        %add3A_247 = arith.constant 0 : i32
        %add3A_248 = arith.addi %mul3A_246, %add3A_247 : i32
        %mul3A_249 = arith.constant 128 : i32
        %mul3A_250 = arith.muli %add3A_248, %mul3A_249 : i32
        %dma_start3A_251 = arith.constant 0 : i32
        %dma_start3A_252 = arith.constant 0 : i32
        %dma_start3A_253 = arith.constant 0 : i32
        %dma_start3A_254 = tpu.memref_slice %arg10[%dma_start3A_251, %dma_start3A_252, %dma_start3A_253] : memref<4x128x128xf32, #tpu.memory_space<vmem>> -> memref<1x128x128xf32, #tpu.memory_space<vmem>>
        %dma_start3A_255 = tpu.memref_squeeze %dma_start3A_254 : memref<1x128x128xf32, #tpu.memory_space<vmem>> -> memref<128x128xf32, #tpu.memory_space<vmem>>
        %dma_start3A_256 = tpu.memref_slice %arg9[%mul3A_250] : memref<10240xi32, #tpu.memory_space<vmem>> -> memref<128xi32, #tpu.memory_space<vmem>>
        %dma_start3A_257 = arith.constant 0 : i32
        %dma_start3A_258 = arith.constant 0 : i32
        %dma_start3A_259 = tpu.memref_slice %arg4[%dma_start3A_257, %dma_start3A_258] : memref<1000000x128xf32, #tpu.memory_space<hbm>> -> memref<1000000x128xf32, #tpu.memory_space<hbm>>
        tpu.enqueue_indirect_dma source(%dma_start3A_259 : memref<1000000x128xf32, #tpu.memory_space<hbm>>) target(%dma_start3A_255 : memref<128x128xf32, #tpu.memory_space<vmem>>) offsets(%dma_start3A_256 : memref<128xi32, #tpu.memory_space<vmem>>) semaphore(%arg12 : memref<!tpu.dma_semaphore, #tpu.memory_space<semaphore_mem>>)
      } else {
      }
      %dma_wait3A_165 = arith.constant 1 : i32
      %dma_wait3A_166 = arith.constant 0 : i32
      %dma_wait3A_167 = arith.constant 0 : i32
      %dma_wait3A_168 = tpu.memref_slice %arg10[%dma_wait3A_165, %dma_wait3A_166, %dma_wait3A_167] : memref<4x128x128xf32, #tpu.memory_space<vmem>> -> memref<1x128x128xf32, #tpu.memory_space<vmem>>
      %dma_wait3A_169 = tpu.memref_squeeze %dma_wait3A_168 : memref<1x128x128xf32, #tpu.memory_space<vmem>> -> memref<128x128xf32, #tpu.memory_space<vmem>>
      %dma_wait3A_170 = arith.constant 0 : i32
      %dma_wait3A_171 = arith.constant 0 : i32
      %dma_wait3A_172 = tpu.memref_slice %arg4[%dma_wait3A_170, %dma_wait3A_171] : memref<1000000x128xf32, #tpu.memory_space<hbm>> -> memref<128x128xf32, #tpu.memory_space<hbm>>
      %dma_wait3A_173 = arith.constant 0 : i32
      %dma_wait3A_174 = arith.constant 0 : i32
      %dma_wait3A_175 = tpu.memref_slice %arg10[%dma_wait3A_165, %dma_wait3A_173, %dma_wait3A_174] : memref<4x128x128xf32, #tpu.memory_space<vmem>> -> memref<1x128x128xf32, #tpu.memory_space<vmem>>
      %dma_wait3A_176 = tpu.memref_squeeze %dma_wait3A_175 : memref<1x128x128xf32, #tpu.memory_space<vmem>> -> memref<128x128xf32, #tpu.memory_space<vmem>>
      %dma_wait3A_177 = arith.constant 0 : i32
      %dma_wait3A_178 = arith.constant 0 : i32
      %dma_wait3A_179 = tpu.memref_slice %arg4[%dma_wait3A_177, %dma_wait3A_178] : memref<1000000x128xf32, #tpu.memory_space<hbm>> -> memref<128x128xf32, #tpu.memory_space<hbm>>
      tpu.wait_dma2 semaphore(%arg13 : memref<!tpu.dma_semaphore, #tpu.memory_space<semaphore_mem>>) src(%dma_wait3A_179 : memref<128x128xf32, #tpu.memory_space<hbm>>) dst(%dma_wait3A_176 : memref<128x128xf32, #tpu.memory_space<vmem>>)
      %scan3A_180 = arith.constant 0 : i32
      %scan3A_181 = arith.constant 32 : i32
      %scan3A_182 = arith.addi %scan3A_180, %scan3A_181 : i32
      %scan3A_183 = arith.constant 1 : i32
      %scan3A_184:8 = scf.for %scan3A_243 = %scan3A_180 to %scan3A_182 step %scan3A_183 iter_args(%scan3A_244 = %scan3A_161#0, %scan3A_245 = %scan3A_161#1, %scan3A_246 = %scan3A_161#2, %scan3A_247 = %scan3A_161#3, %scan3A_248 = %scan3A_161#4, %scan3A_249 = %scan3A_161#5, %scan3A_250 = %scan3A_161#6, %scan3A_251 = %scan3A_161#7) -> (vector<16xf32>, vector<16xf32>, vector<16xf32>, vector<16xf32>, vector<16xf32>, vector<16xf32>, vector<16xf32>, vector<16xf32>)  : i32 {
        %mul3A_252 = arith.constant 4 : i32
        %mul3A_253 = arith.muli %scan3A_243, %mul3A_252 : i32
        %add3A_254 = arith.constant 0 : i32
        %add3A_255 = arith.addi %mul3A_253, %add3A_254 : i32
        %get3A = arith.constant 1 : i32
        %get3A_256 = arith.index_cast %get3A : i32 to index
        %get3A_257 = arith.index_cast %add3A_255 : i32 to index
        %get3A_258 = arith.constant 0 : index
        %get3A_259 = tpu.vector_load %arg10[%get3A_256, %get3A_257, %get3A_258] {strides = array<i32>} : memref<4x128x128xf32, #tpu.memory_space<vmem>>, vector<1x1x16xf32>,
        %get3A_260 = vector.shape_cast %get3A_259 : vector<1x1x16xf32> to vector<16xf32>
        %add3A_261 = arith.addf %scan3A_244, %get3A_260 : vector<16xf32>
        %get3A_262 = arith.constant 1 : i32
        %get3A_263 = arith.index_cast %get3A_262 : i32 to index
        %get3A_264 = arith.index_cast %add3A_255 : i32 to index
        %get3A_265 = arith.constant 16 : index
        %get3A_266 = tpu.vector_load %arg10[%get3A_263, %get3A_264, %get3A_265] {strides = array<i32>} : memref<4x128x128xf32, #tpu.memory_space<vmem>>, vector<1x1x16xf32>,
        %get3A_267 = vector.shape_cast %get3A_266 : vector<1x1x16xf32> to vector<16xf32>
        %add3A_268 = arith.addf %scan3A_245, %get3A_267 : vector<16xf32>
        %get3A_269 = arith.constant 1 : i32
        %get3A_270 = arith.index_cast %get3A_269 : i32 to index
        %get3A_271 = arith.index_cast %add3A_255 : i32 to index
        %get3A_272 = arith.constant 32 : index
        %get3A_273 = tpu.vector_load %arg10[%get3A_270, %get3A_271, %get3A_272] {strides = array<i32>} : memref<4x128x128xf32, #tpu.memory_space<vmem>>, vector<1x1x16xf32>,
        %get3A_274 = vector.shape_cast %get3A_273 : vector<1x1x16xf32> to vector<16xf32>
        %add3A_275 = arith.addf %scan3A_246, %get3A_274 : vector<16xf32>
        %get3A_276 = arith.constant 1 : i32
        %get3A_277 = arith.index_cast %get3A_276 : i32 to index
        %get3A_278 = arith.index_cast %add3A_255 : i32 to index
        %get3A_279 = arith.constant 48 : index
        %get3A_280 = tpu.vector_load %arg10[%get3A_277, %get3A_278, %get3A_279] {strides = array<i32>} : memref<4x128x128xf32, #tpu.memory_space<vmem>>, vector<1x1x16xf32>,
        %get3A_281 = vector.shape_cast %get3A_280 : vector<1x1x16xf32> to vector<16xf32>
        %add3A_282 = arith.addf %scan3A_247, %get3A_281 : vector<16xf32>
        %mul3A_283 = arith.constant 4 : i32
        %mul3A_284 = arith.muli %scan3A_243, %mul3A_283 : i32
        %add3A_285 = arith.constant 1 : i32
        %add3A_286 = arith.addi %mul3A_284, %add3A_285 : i32
        %get3A_287 = arith.constant 1 : i32
        %get3A_288 = arith.index_cast %get3A_287 : i32 to index
        %get3A_289 = arith.index_cast %add3A_286 : i32 to index
        %get3A_290 = arith.constant 0 : index
        %get3A_291 = tpu.vector_load %arg10[%get3A_288, %get3A_289, %get3A_290] {strides = array<i32>} : memref<4x128x128xf32, #tpu.memory_space<vmem>>, vector<1x1x16xf32>,
        %get3A_292 = vector.shape_cast %get3A_291 : vector<1x1x16xf32> to vector<16xf32>
        %add3A_293 = arith.addf %scan3A_248, %get3A_292 : vector<16xf32>
        %get3A_294 = arith.constant 1 : i32
        %get3A_295 = arith.index_cast %get3A_294 : i32 to index
        %get3A_296 = arith.index_cast %add3A_286 : i32 to index
        %get3A_297 = arith.constant 16 : index
        %get3A_298 = tpu.vector_load %arg10[%get3A_295, %get3A_296, %get3A_297] {strides = array<i32>} : memref<4x128x128xf32, #tpu.memory_space<vmem>>, vector<1x1x16xf32>,
        %get3A_299 = vector.shape_cast %get3A_298 : vector<1x1x16xf32> to vector<16xf32>
        %add3A_300 = arith.addf %scan3A_249, %get3A_299 : vector<16xf32>
        %get3A_301 = arith.constant 1 : i32
        %get3A_302 = arith.index_cast %get3A_301 : i32 to index
        %get3A_303 = arith.index_cast %add3A_286 : i32 to index
        %get3A_304 = arith.constant 32 : index
        %get3A_305 = tpu.vector_load %arg10[%get3A_302, %get3A_303, %get3A_304] {strides = array<i32>} : memref<4x128x128xf32, #tpu.memory_space<vmem>>, vector<1x1x16xf32>,
        %get3A_306 = vector.shape_cast %get3A_305 : vector<1x1x16xf32> to vector<16xf32>
        %add3A_307 = arith.addf %scan3A_250, %get3A_306 : vector<16xf32>
        %get3A_308 = arith.constant 1 : i32
        %get3A_309 = arith.index_cast %get3A_308 : i32 to index
        %get3A_310 = arith.index_cast %add3A_286 : i32 to index
        %get3A_311 = arith.constant 48 : index
        %get3A_312 = tpu.vector_load %arg10[%get3A_309, %get3A_310, %get3A_311] {strides = array<i32>} : memref<4x128x128xf32, #tpu.memory_space<vmem>>, vector<1x1x16xf32>,
        %get3A_313 = vector.shape_cast %get3A_312 : vector<1x1x16xf32> to vector<16xf32>
        %add3A_314 = arith.addf %scan3A_251, %get3A_313 : vector<16xf32>
        %mul3A_315 = arith.constant 4 : i32
        %mul3A_316 = arith.muli %scan3A_243, %mul3A_315 : i32
        %add3A_317 = arith.constant 2 : i32
        %add3A_318 = arith.addi %mul3A_316, %add3A_317 : i32
        %get3A_319 = arith.constant 1 : i32
        %get3A_320 = arith.index_cast %get3A_319 : i32 to index
        %get3A_321 = arith.index_cast %add3A_318 : i32 to index
        %get3A_322 = arith.constant 0 : index
        %get3A_323 = tpu.vector_load %arg10[%get3A_320, %get3A_321, %get3A_322] {strides = array<i32>} : memref<4x128x128xf32, #tpu.memory_space<vmem>>, vector<1x1x16xf32>,
        %get3A_324 = vector.shape_cast %get3A_323 : vector<1x1x16xf32> to vector<16xf32>
        %add3A_325 = arith.addf %add3A_261, %get3A_324 : vector<16xf32>
        %get3A_326 = arith.constant 1 : i32
        %get3A_327 = arith.index_cast %get3A_326 : i32 to index
        %get3A_328 = arith.index_cast %add3A_318 : i32 to index
        %get3A_329 = arith.constant 16 : index
        %get3A_330 = tpu.vector_load %arg10[%get3A_327, %get3A_328, %get3A_329] {strides = array<i32>} : memref<4x128x128xf32, #tpu.memory_space<vmem>>, vector<1x1x16xf32>,
        %get3A_331 = vector.shape_cast %get3A_330 : vector<1x1x16xf32> to vector<16xf32>
        %add3A_332 = arith.addf %add3A_268, %get3A_331 : vector<16xf32>
        %get3A_333 = arith.constant 1 : i32
        %get3A_334 = arith.index_cast %get3A_333 : i32 to index
        %get3A_335 = arith.index_cast %add3A_318 : i32 to index
        %get3A_336 = arith.constant 32 : index
        %get3A_337 = tpu.vector_load %arg10[%get3A_334, %get3A_335, %get3A_336] {strides = array<i32>} : memref<4x128x128xf32, #tpu.memory_space<vmem>>, vector<1x1x16xf32>,
        %get3A_338 = vector.shape_cast %get3A_337 : vector<1x1x16xf32> to vector<16xf32>
        %add3A_339 = arith.addf %add3A_275, %get3A_338 : vector<16xf32>
        %get3A_340 = arith.constant 1 : i32
        %get3A_341 = arith.index_cast %get3A_340 : i32 to index
        %get3A_342 = arith.index_cast %add3A_318 : i32 to index
        %get3A_343 = arith.constant 48 : index
        %get3A_344 = tpu.vector_load %arg10[%get3A_341, %get3A_342, %get3A_343] {strides = array<i32>} : memref<4x128x128xf32, #tpu.memory_space<vmem>>, vector<1x1x16xf32>,
        %get3A_345 = vector.shape_cast %get3A_344 : vector<1x1x16xf32> to vector<16xf32>
        %add3A_346 = arith.addf %add3A_282, %get3A_345 : vector<16xf32>
        %mul3A_347 = arith.constant 4 : i32
        %mul3A_348 = arith.muli %scan3A_243, %mul3A_347 : i32
        %add3A_349 = arith.constant 3 : i32
        %add3A_350 = arith.addi %mul3A_348, %add3A_349 : i32
        %get3A_351 = arith.constant 1 : i32
        %get3A_352 = arith.index_cast %get3A_351 : i32 to index
        %get3A_353 = arith.index_cast %add3A_350 : i32 to index
        %get3A_354 = arith.constant 0 : index
        %get3A_355 = tpu.vector_load %arg10[%get3A_352, %get3A_353, %get3A_354] {strides = array<i32>} : memref<4x128x128xf32, #tpu.memory_space<vmem>>, vector<1x1x16xf32>,
        %get3A_356 = vector.shape_cast %get3A_355 : vector<1x1x16xf32> to vector<16xf32>
        %add3A_357 = arith.addf %add3A_293, %get3A_356 : vector<16xf32>
        %get3A_358 = arith.constant 1 : i32
        %get3A_359 = arith.index_cast %get3A_358 : i32 to index
        %get3A_360 = arith.index_cast %add3A_350 : i32 to index
        %get3A_361 = arith.constant 16 : index
        %get3A_362 = tpu.vector_load %arg10[%get3A_359, %get3A_360, %get3A_361] {strides = array<i32>} : memref<4x128x128xf32, #tpu.memory_space<vmem>>, vector<1x1x16xf32>,
        %get3A_363 = vector.shape_cast %get3A_362 : vector<1x1x16xf32> to vector<16xf32>
        %add3A_364 = arith.addf %add3A_300, %get3A_363 : vector<16xf32>
        %get3A_365 = arith.constant 1 : i32
        %get3A_366 = arith.index_cast %get3A_365 : i32 to index
        %get3A_367 = arith.index_cast %add3A_350 : i32 to index
        %get3A_368 = arith.constant 32 : index
        %get3A_369 = tpu.vector_load %arg10[%get3A_366, %get3A_367, %get3A_368] {strides = array<i32>} : memref<4x128x128xf32, #tpu.memory_space<vmem>>, vector<1x1x16xf32>,
        %get3A_370 = vector.shape_cast %get3A_369 : vector<1x1x16xf32> to vector<16xf32>
        %add3A_371 = arith.addf %add3A_307, %get3A_370 : vector<16xf32>
        %get3A_372 = arith.constant 1 : i32
        %get3A_373 = arith.index_cast %get3A_372 : i32 to index
        %get3A_374 = arith.index_cast %add3A_350 : i32 to index
        %get3A_375 = arith.constant 48 : index
        %get3A_376 = tpu.vector_load %arg10[%get3A_373, %get3A_374, %get3A_375] {strides = array<i32>} : memref<4x128x128xf32, #tpu.memory_space<vmem>>, vector<1x1x16xf32>,
        %get3A_377 = vector.shape_cast %get3A_376 : vector<1x1x16xf32> to vector<16xf32>
        %add3A_378 = arith.addf %add3A_314, %get3A_377 : vector<16xf32>
        scf.yield %add3A_325, %add3A_332, %add3A_339, %add3A_346, %add3A_357, %add3A_364, %add3A_371, %add3A_378 : vector<16xf32>, vector<16xf32>, vector<16xf32>, vector<16xf32>, vector<16xf32>, vector<16xf32>, vector<16xf32>, vector<16xf32>
      }
      %scan3A_185 = arith.constant 32 : i32
      %lt3A_186 = arith.constant 19 : i32
      %lt3A_187 = arith.cmpi slt, %scan3A_134, %lt3A_186 : i32
      %convert_element_type3A_188 = arith.extui %lt3A_187 : i1 to i32
      %cond3A_189 = arith.constant 0 : i32
      %cond3A_190 = arith.cmpi ne, %convert_element_type3A_188, %cond3A_189 : i32
      scf.if %cond3A_190 {
        %add3A_243 = arith.constant 1 : i32
        %add3A_244 = arith.addi %scan3A_134, %add3A_243 : i32
        %mul3A_245 = arith.constant 4 : i32
        %mul3A_246 = arith.muli %add3A_244, %mul3A_245 : i32
        %add3A_247 = arith.constant 1 : i32
        %add3A_248 = arith.addi %mul3A_246, %add3A_247 : i32
        %mul3A_249 = arith.constant 128 : i32
        %mul3A_250 = arith.muli %add3A_248, %mul3A_249 : i32
        %dma_start3A_251 = arith.constant 1 : i32
        %dma_start3A_252 = arith.constant 0 : i32
        %dma_start3A_253 = arith.constant 0 : i32
        %dma_start3A_254 = tpu.memref_slice %arg10[%dma_start3A_251, %dma_start3A_252, %dma_start3A_253] : memref<4x128x128xf32, #tpu.memory_space<vmem>> -> memref<1x128x128xf32, #tpu.memory_space<vmem>>
        %dma_start3A_255 = tpu.memref_squeeze %dma_start3A_254 : memref<1x128x128xf32, #tpu.memory_space<vmem>> -> memref<128x128xf32, #tpu.memory_space<vmem>>
        %dma_start3A_256 = tpu.memref_slice %arg9[%mul3A_250] : memref<10240xi32, #tpu.memory_space<vmem>> -> memref<128xi32, #tpu.memory_space<vmem>>
        %dma_start3A_257 = arith.constant 0 : i32
        %dma_start3A_258 = arith.constant 0 : i32
        %dma_start3A_259 = tpu.memref_slice %arg4[%dma_start3A_257, %dma_start3A_258] : memref<1000000x128xf32, #tpu.memory_space<hbm>> -> memref<1000000x128xf32, #tpu.memory_space<hbm>>
        tpu.enqueue_indirect_dma source(%dma_start3A_259 : memref<1000000x128xf32, #tpu.memory_space<hbm>>) target(%dma_start3A_255 : memref<128x128xf32, #tpu.memory_space<vmem>>) offsets(%dma_start3A_256 : memref<128xi32, #tpu.memory_space<vmem>>) semaphore(%arg13 : memref<!tpu.dma_semaphore, #tpu.memory_space<semaphore_mem>>)
      } else {
      }
      %dma_wait3A_191 = arith.constant 2 : i32
      %dma_wait3A_192 = arith.constant 0 : i32
      %dma_wait3A_193 = arith.constant 0 : i32
      %dma_wait3A_194 = tpu.memref_slice %arg10[%dma_wait3A_191, %dma_wait3A_192, %dma_wait3A_193] : memref<4x128x128xf32, #tpu.memory_space<vmem>> -> memref<1x128x128xf32, #tpu.memory_space<vmem>>
      %dma_wait3A_195 = tpu.memref_squeeze %dma_wait3A_194 : memref<1x128x128xf32, #tpu.memory_space<vmem>> -> memref<128x128xf32, #tpu.memory_space<vmem>>
      %dma_wait3A_196 = arith.constant 0 : i32
      %dma_wait3A_197 = arith.constant 0 : i32
      %dma_wait3A_198 = tpu.memref_slice %arg4[%dma_wait3A_196, %dma_wait3A_197] : memref<1000000x128xf32, #tpu.memory_space<hbm>> -> memref<128x128xf32, #tpu.memory_space<hbm>>
      %dma_wait3A_199 = arith.constant 0 : i32
      %dma_wait3A_200 = arith.constant 0 : i32
      %dma_wait3A_201 = tpu.memref_slice %arg10[%dma_wait3A_191, %dma_wait3A_199, %dma_wait3A_200] : memref<4x128x128xf32, #tpu.memory_space<vmem>> -> memref<1x128x128xf32, #tpu.memory_space<vmem>>
      %dma_wait3A_202 = tpu.memref_squeeze %dma_wait3A_201 : memref<1x128x128xf32, #tpu.memory_space<vmem>> -> memref<128x128xf32, #tpu.memory_space<vmem>>
      %dma_wait3A_203 = arith.constant 0 : i32
      %dma_wait3A_204 = arith.constant 0 : i32
      %dma_wait3A_205 = tpu.memref_slice %arg4[%dma_wait3A_203, %dma_wait3A_204] : memref<1000000x128xf32, #tpu.memory_space<hbm>> -> memref<128x128xf32, #tpu.memory_space<hbm>>
      tpu.wait_dma2 semaphore(%arg14 : memref<!tpu.dma_semaphore, #tpu.memory_space<semaphore_mem>>) src(%dma_wait3A_205 : memref<128x128xf32, #tpu.memory_space<hbm>>) dst(%dma_wait3A_202 : memref<128x128xf32, #tpu.memory_space<vmem>>)
      %scan3A_206 = arith.constant 0 : i32
      %scan3A_207 = arith.constant 32 : i32
      %scan3A_208 = arith.addi %scan3A_206, %scan3A_207 : i32
      %scan3A_209 = arith.constant 1 : i32
      %scan3A_210:8 = scf.for %scan3A_243 = %scan3A_206 to %scan3A_208 step %scan3A_209 iter_args(%scan3A_244 = %scan3A_184#0, %scan3A_245 = %scan3A_184#1, %scan3A_246 = %scan3A_184#2, %scan3A_247 = %scan3A_184#3, %scan3A_248 = %scan3A_184#4, %scan3A_249 = %scan3A_184#5, %scan3A_250 = %scan3A_184#6, %scan3A_251 = %scan3A_184#7) -> (vector<16xf32>, vector<16xf32>, vector<16xf32>, vector<16xf32>, vector<16xf32>, vector<16xf32>, vector<16xf32>, vector<16xf32>)  : i32 {
        %mul3A_252 = arith.constant 4 : i32
        %mul3A_253 = arith.muli %scan3A_243, %mul3A_252 : i32
        %add3A_254 = arith.constant 0 : i32
        %add3A_255 = arith.addi %mul3A_253, %add3A_254 : i32
        %get3A = arith.constant 2 : i32
        %get3A_256 = arith.index_cast %get3A : i32 to index
        %get3A_257 = arith.index_cast %add3A_255 : i32 to index
        %get3A_258 = arith.constant 0 : index
        %get3A_259 = tpu.vector_load %arg10[%get3A_256, %get3A_257, %get3A_258] {strides = array<i32>} : memref<4x128x128xf32, #tpu.memory_space<vmem>>, vector<1x1x16xf32>,
        %get3A_260 = vector.shape_cast %get3A_259 : vector<1x1x16xf32> to vector<16xf32>
        %add3A_261 = arith.addf %scan3A_244, %get3A_260 : vector<16xf32>
        %get3A_262 = arith.constant 2 : i32
        %get3A_263 = arith.index_cast %get3A_262 : i32 to index
        %get3A_264 = arith.index_cast %add3A_255 : i32 to index
        %get3A_265 = arith.constant 16 : index
        %get3A_266 = tpu.vector_load %arg10[%get3A_263, %get3A_264, %get3A_265] {strides = array<i32>} : memref<4x128x128xf32, #tpu.memory_space<vmem>>, vector<1x1x16xf32>,
        %get3A_267 = vector.shape_cast %get3A_266 : vector<1x1x16xf32> to vector<16xf32>
        %add3A_268 = arith.addf %scan3A_245, %get3A_267 : vector<16xf32>
        %get3A_269 = arith.constant 2 : i32
        %get3A_270 = arith.index_cast %get3A_269 : i32 to index
        %get3A_271 = arith.index_cast %add3A_255 : i32 to index
        %get3A_272 = arith.constant 32 : index
        %get3A_273 = tpu.vector_load %arg10[%get3A_270, %get3A_271, %get3A_272] {strides = array<i32>} : memref<4x128x128xf32, #tpu.memory_space<vmem>>, vector<1x1x16xf32>,
        %get3A_274 = vector.shape_cast %get3A_273 : vector<1x1x16xf32> to vector<16xf32>
        %add3A_275 = arith.addf %scan3A_246, %get3A_274 : vector<16xf32>
        %get3A_276 = arith.constant 2 : i32
        %get3A_277 = arith.index_cast %get3A_276 : i32 to index
        %get3A_278 = arith.index_cast %add3A_255 : i32 to index
        %get3A_279 = arith.constant 48 : index
        %get3A_280 = tpu.vector_load %arg10[%get3A_277, %get3A_278, %get3A_279] {strides = array<i32>} : memref<4x128x128xf32, #tpu.memory_space<vmem>>, vector<1x1x16xf32>,
        %get3A_281 = vector.shape_cast %get3A_280 : vector<1x1x16xf32> to vector<16xf32>
        %add3A_282 = arith.addf %scan3A_247, %get3A_281 : vector<16xf32>
        %mul3A_283 = arith.constant 4 : i32
        %mul3A_284 = arith.muli %scan3A_243, %mul3A_283 : i32
        %add3A_285 = arith.constant 1 : i32
        %add3A_286 = arith.addi %mul3A_284, %add3A_285 : i32
        %get3A_287 = arith.constant 2 : i32
        %get3A_288 = arith.index_cast %get3A_287 : i32 to index
        %get3A_289 = arith.index_cast %add3A_286 : i32 to index
        %get3A_290 = arith.constant 0 : index
        %get3A_291 = tpu.vector_load %arg10[%get3A_288, %get3A_289, %get3A_290] {strides = array<i32>} : memref<4x128x128xf32, #tpu.memory_space<vmem>>, vector<1x1x16xf32>,
        %get3A_292 = vector.shape_cast %get3A_291 : vector<1x1x16xf32> to vector<16xf32>
        %add3A_293 = arith.addf %scan3A_248, %get3A_292 : vector<16xf32>
        %get3A_294 = arith.constant 2 : i32
        %get3A_295 = arith.index_cast %get3A_294 : i32 to index
        %get3A_296 = arith.index_cast %add3A_286 : i32 to index
        %get3A_297 = arith.constant 16 : index
        %get3A_298 = tpu.vector_load %arg10[%get3A_295, %get3A_296, %get3A_297] {strides = array<i32>} : memref<4x128x128xf32, #tpu.memory_space<vmem>>, vector<1x1x16xf32>,
        %get3A_299 = vector.shape_cast %get3A_298 : vector<1x1x16xf32> to vector<16xf32>
        %add3A_300 = arith.addf %scan3A_249, %get3A_299 : vector<16xf32>
        %get3A_301 = arith.constant 2 : i32
        %get3A_302 = arith.index_cast %get3A_301 : i32 to index
        %get3A_303 = arith.index_cast %add3A_286 : i32 to index
        %get3A_304 = arith.constant 32 : index
        %get3A_305 = tpu.vector_load %arg10[%get3A_302, %get3A_303, %get3A_304] {strides = array<i32>} : memref<4x128x128xf32, #tpu.memory_space<vmem>>, vector<1x1x16xf32>,
        %get3A_306 = vector.shape_cast %get3A_305 : vector<1x1x16xf32> to vector<16xf32>
        %add3A_307 = arith.addf %scan3A_250, %get3A_306 : vector<16xf32>
        %get3A_308 = arith.constant 2 : i32
        %get3A_309 = arith.index_cast %get3A_308 : i32 to index
        %get3A_310 = arith.index_cast %add3A_286 : i32 to index
        %get3A_311 = arith.constant 48 : index
        %get3A_312 = tpu.vector_load %arg10[%get3A_309, %get3A_310, %get3A_311] {strides = array<i32>} : memref<4x128x128xf32, #tpu.memory_space<vmem>>, vector<1x1x16xf32>,
        %get3A_313 = vector.shape_cast %get3A_312 : vector<1x1x16xf32> to vector<16xf32>
        %add3A_314 = arith.addf %scan3A_251, %get3A_313 : vector<16xf32>
        %mul3A_315 = arith.constant 4 : i32
        %mul3A_316 = arith.muli %scan3A_243, %mul3A_315 : i32
        %add3A_317 = arith.constant 2 : i32
        %add3A_318 = arith.addi %mul3A_316, %add3A_317 : i32
        %get3A_319 = arith.constant 2 : i32
        %get3A_320 = arith.index_cast %get3A_319 : i32 to index
        %get3A_321 = arith.index_cast %add3A_318 : i32 to index
        %get3A_322 = arith.constant 0 : index
        %get3A_323 = tpu.vector_load %arg10[%get3A_320, %get3A_321, %get3A_322] {strides = array<i32>} : memref<4x128x128xf32, #tpu.memory_space<vmem>>, vector<1x1x16xf32>,
        %get3A_324 = vector.shape_cast %get3A_323 : vector<1x1x16xf32> to vector<16xf32>
        %add3A_325 = arith.addf %add3A_261, %get3A_324 : vector<16xf32>
        %get3A_326 = arith.constant 2 : i32
        %get3A_327 = arith.index_cast %get3A_326 : i32 to index
        %get3A_328 = arith.index_cast %add3A_318 : i32 to index
        %get3A_329 = arith.constant 16 : index
        %get3A_330 = tpu.vector_load %arg10[%get3A_327, %get3A_328, %get3A_329] {strides = array<i32>} : memref<4x128x128xf32, #tpu.memory_space<vmem>>, vector<1x1x16xf32>,
        %get3A_331 = vector.shape_cast %get3A_330 : vector<1x1x16xf32> to vector<16xf32>
        %add3A_332 = arith.addf %add3A_268, %get3A_331 : vector<16xf32>
        %get3A_333 = arith.constant 2 : i32
        %get3A_334 = arith.index_cast %get3A_333 : i32 to index
        %get3A_335 = arith.index_cast %add3A_318 : i32 to index
        %get3A_336 = arith.constant 32 : index
        %get3A_337 = tpu.vector_load %arg10[%get3A_334, %get3A_335, %get3A_336] {strides = array<i32>} : memref<4x128x128xf32, #tpu.memory_space<vmem>>, vector<1x1x16xf32>,
        %get3A_338 = vector.shape_cast %get3A_337 : vector<1x1x16xf32> to vector<16xf32>
        %add3A_339 = arith.addf %add3A_275, %get3A_338 : vector<16xf32>
        %get3A_340 = arith.constant 2 : i32
        %get3A_341 = arith.index_cast %get3A_340 : i32 to index
        %get3A_342 = arith.index_cast %add3A_318 : i32 to index
        %get3A_343 = arith.constant 48 : index
        %get3A_344 = tpu.vector_load %arg10[%get3A_341, %get3A_342, %get3A_343] {strides = array<i32>} : memref<4x128x128xf32, #tpu.memory_space<vmem>>, vector<1x1x16xf32>,
        %get3A_345 = vector.shape_cast %get3A_344 : vector<1x1x16xf32> to vector<16xf32>
        %add3A_346 = arith.addf %add3A_282, %get3A_345 : vector<16xf32>
        %mul3A_347 = arith.constant 4 : i32
        %mul3A_348 = arith.muli %scan3A_243, %mul3A_347 : i32
        %add3A_349 = arith.constant 3 : i32
        %add3A_350 = arith.addi %mul3A_348, %add3A_349 : i32
        %get3A_351 = arith.constant 2 : i32
        %get3A_352 = arith.index_cast %get3A_351 : i32 to index
        %get3A_353 = arith.index_cast %add3A_350 : i32 to index
        %get3A_354 = arith.constant 0 : index
        %get3A_355 = tpu.vector_load %arg10[%get3A_352, %get3A_353, %get3A_354] {strides = array<i32>} : memref<4x128x128xf32, #tpu.memory_space<vmem>>, vector<1x1x16xf32>,
        %get3A_356 = vector.shape_cast %get3A_355 : vector<1x1x16xf32> to vector<16xf32>
        %add3A_357 = arith.addf %add3A_293, %get3A_356 : vector<16xf32>
        %get3A_358 = arith.constant 2 : i32
        %get3A_359 = arith.index_cast %get3A_358 : i32 to index
        %get3A_360 = arith.index_cast %add3A_350 : i32 to index
        %get3A_361 = arith.constant 16 : index
        %get3A_362 = tpu.vector_load %arg10[%get3A_359, %get3A_360, %get3A_361] {strides = array<i32>} : memref<4x128x128xf32, #tpu.memory_space<vmem>>, vector<1x1x16xf32>,
        %get3A_363 = vector.shape_cast %get3A_362 : vector<1x1x16xf32> to vector<16xf32>
        %add3A_364 = arith.addf %add3A_300, %get3A_363 : vector<16xf32>
        %get3A_365 = arith.constant 2 : i32
        %get3A_366 = arith.index_cast %get3A_365 : i32 to index
        %get3A_367 = arith.index_cast %add3A_350 : i32 to index
        %get3A_368 = arith.constant 32 : index
        %get3A_369 = tpu.vector_load %arg10[%get3A_366, %get3A_367, %get3A_368] {strides = array<i32>} : memref<4x128x128xf32, #tpu.memory_space<vmem>>, vector<1x1x16xf32>,
        %get3A_370 = vector.shape_cast %get3A_369 : vector<1x1x16xf32> to vector<16xf32>
        %add3A_371 = arith.addf %add3A_307, %get3A_370 : vector<16xf32>
        %get3A_372 = arith.constant 2 : i32
        %get3A_373 = arith.index_cast %get3A_372 : i32 to index
        %get3A_374 = arith.index_cast %add3A_350 : i32 to index
        %get3A_375 = arith.constant 48 : index
        %get3A_376 = tpu.vector_load %arg10[%get3A_373, %get3A_374, %get3A_375] {strides = array<i32>} : memref<4x128x128xf32, #tpu.memory_space<vmem>>, vector<1x1x16xf32>,
        %get3A_377 = vector.shape_cast %get3A_376 : vector<1x1x16xf32> to vector<16xf32>
        %add3A_378 = arith.addf %add3A_314, %get3A_377 : vector<16xf32>
        scf.yield %add3A_325, %add3A_332, %add3A_339, %add3A_346, %add3A_357, %add3A_364, %add3A_371, %add3A_378 : vector<16xf32>, vector<16xf32>, vector<16xf32>, vector<16xf32>, vector<16xf32>, vector<16xf32>, vector<16xf32>, vector<16xf32>
      }
      %scan3A_211 = arith.constant 32 : i32
      %lt3A_212 = arith.constant 19 : i32
      %lt3A_213 = arith.cmpi slt, %scan3A_134, %lt3A_212 : i32
      %convert_element_type3A_214 = arith.extui %lt3A_213 : i1 to i32
      %cond3A_215 = arith.constant 0 : i32
      %cond3A_216 = arith.cmpi ne, %convert_element_type3A_214, %cond3A_215 : i32
      scf.if %cond3A_216 {
        %add3A_243 = arith.constant 1 : i32
        %add3A_244 = arith.addi %scan3A_134, %add3A_243 : i32
        %mul3A_245 = arith.constant 4 : i32
        %mul3A_246 = arith.muli %add3A_244, %mul3A_245 : i32
        %add3A_247 = arith.constant 2 : i32
        %add3A_248 = arith.addi %mul3A_246, %add3A_247 : i32
        %mul3A_249 = arith.constant 128 : i32
        %mul3A_250 = arith.muli %add3A_248, %mul3A_249 : i32
        %dma_start3A_251 = arith.constant 2 : i32
        %dma_start3A_252 = arith.constant 0 : i32
        %dma_start3A_253 = arith.constant 0 : i32
        %dma_start3A_254 = tpu.memref_slice %arg10[%dma_start3A_251, %dma_start3A_252, %dma_start3A_253] : memref<4x128x128xf32, #tpu.memory_space<vmem>> -> memref<1x128x128xf32, #tpu.memory_space<vmem>>
        %dma_start3A_255 = tpu.memref_squeeze %dma_start3A_254 : memref<1x128x128xf32, #tpu.memory_space<vmem>> -> memref<128x128xf32, #tpu.memory_space<vmem>>
        %dma_start3A_256 = tpu.memref_slice %arg9[%mul3A_250] : memref<10240xi32, #tpu.memory_space<vmem>> -> memref<128xi32, #tpu.memory_space<vmem>>
        %dma_start3A_257 = arith.constant 0 : i32
        %dma_start3A_258 = arith.constant 0 : i32
        %dma_start3A_259 = tpu.memref_slice %arg4[%dma_start3A_257, %dma_start3A_258] : memref<1000000x128xf32, #tpu.memory_space<hbm>> -> memref<1000000x128xf32, #tpu.memory_space<hbm>>
        tpu.enqueue_indirect_dma source(%dma_start3A_259 : memref<1000000x128xf32, #tpu.memory_space<hbm>>) target(%dma_start3A_255 : memref<128x128xf32, #tpu.memory_space<vmem>>) offsets(%dma_start3A_256 : memref<128xi32, #tpu.memory_space<vmem>>) semaphore(%arg14 : memref<!tpu.dma_semaphore, #tpu.memory_space<semaphore_mem>>)
      } else {
      }
      %dma_wait3A_217 = arith.constant 3 : i32
      %dma_wait3A_218 = arith.constant 0 : i32
      %dma_wait3A_219 = arith.constant 0 : i32
      %dma_wait3A_220 = tpu.memref_slice %arg10[%dma_wait3A_217, %dma_wait3A_218, %dma_wait3A_219] : memref<4x128x128xf32, #tpu.memory_space<vmem>> -> memref<1x128x128xf32, #tpu.memory_space<vmem>>
      %dma_wait3A_221 = tpu.memref_squeeze %dma_wait3A_220 : memref<1x128x128xf32, #tpu.memory_space<vmem>> -> memref<128x128xf32, #tpu.memory_space<vmem>>
      %dma_wait3A_222 = arith.constant 0 : i32
      %dma_wait3A_223 = arith.constant 0 : i32
      %dma_wait3A_224 = tpu.memref_slice %arg4[%dma_wait3A_222, %dma_wait3A_223] : memref<1000000x128xf32, #tpu.memory_space<hbm>> -> memref<128x128xf32, #tpu.memory_space<hbm>>
      %dma_wait3A_225 = arith.constant 0 : i32
      %dma_wait3A_226 = arith.constant 0 : i32
      %dma_wait3A_227 = tpu.memref_slice %arg10[%dma_wait3A_217, %dma_wait3A_225, %dma_wait3A_226] : memref<4x128x128xf32, #tpu.memory_space<vmem>> -> memref<1x128x128xf32, #tpu.memory_space<vmem>>
      %dma_wait3A_228 = tpu.memref_squeeze %dma_wait3A_227 : memref<1x128x128xf32, #tpu.memory_space<vmem>> -> memref<128x128xf32, #tpu.memory_space<vmem>>
      %dma_wait3A_229 = arith.constant 0 : i32
      %dma_wait3A_230 = arith.constant 0 : i32
      %dma_wait3A_231 = tpu.memref_slice %arg4[%dma_wait3A_229, %dma_wait3A_230] : memref<1000000x128xf32, #tpu.memory_space<hbm>> -> memref<128x128xf32, #tpu.memory_space<hbm>>
      tpu.wait_dma2 semaphore(%arg15 : memref<!tpu.dma_semaphore, #tpu.memory_space<semaphore_mem>>) src(%dma_wait3A_231 : memref<128x128xf32, #tpu.memory_space<hbm>>) dst(%dma_wait3A_228 : memref<128x128xf32, #tpu.memory_space<vmem>>)
      %scan3A_232 = arith.constant 0 : i32
      %scan3A_233 = arith.constant 32 : i32
      %scan3A_234 = arith.addi %scan3A_232, %scan3A_233 : i32
      %scan3A_235 = arith.constant 1 : i32
      %scan3A_236:8 = scf.for %scan3A_243 = %scan3A_232 to %scan3A_234 step %scan3A_235 iter_args(%scan3A_244 = %scan3A_210#0, %scan3A_245 = %scan3A_210#1, %scan3A_246 = %scan3A_210#2, %scan3A_247 = %scan3A_210#3, %scan3A_248 = %scan3A_210#4, %scan3A_249 = %scan3A_210#5, %scan3A_250 = %scan3A_210#6, %scan3A_251 = %scan3A_210#7) -> (vector<16xf32>, vector<16xf32>, vector<16xf32>, vector<16xf32>, vector<16xf32>, vector<16xf32>, vector<16xf32>, vector<16xf32>)  : i32 {
        %mul3A_252 = arith.constant 4 : i32
        %mul3A_253 = arith.muli %scan3A_243, %mul3A_252 : i32
        %add3A_254 = arith.constant 0 : i32
        %add3A_255 = arith.addi %mul3A_253, %add3A_254 : i32
        %get3A = arith.constant 3 : i32
        %get3A_256 = arith.index_cast %get3A : i32 to index
        %get3A_257 = arith.index_cast %add3A_255 : i32 to index
        %get3A_258 = arith.constant 0 : index
        %get3A_259 = tpu.vector_load %arg10[%get3A_256, %get3A_257, %get3A_258] {strides = array<i32>} : memref<4x128x128xf32, #tpu.memory_space<vmem>>, vector<1x1x16xf32>,
        %get3A_260 = vector.shape_cast %get3A_259 : vector<1x1x16xf32> to vector<16xf32>
        %add3A_261 = arith.addf %scan3A_244, %get3A_260 : vector<16xf32>
        %get3A_262 = arith.constant 3 : i32
        %get3A_263 = arith.index_cast %get3A_262 : i32 to index
        %get3A_264 = arith.index_cast %add3A_255 : i32 to index
        %get3A_265 = arith.constant 16 : index
        %get3A_266 = tpu.vector_load %arg10[%get3A_263, %get3A_264, %get3A_265] {strides = array<i32>} : memref<4x128x128xf32, #tpu.memory_space<vmem>>, vector<1x1x16xf32>,
        %get3A_267 = vector.shape_cast %get3A_266 : vector<1x1x16xf32> to vector<16xf32>
        %add3A_268 = arith.addf %scan3A_245, %get3A_267 : vector<16xf32>
        %get3A_269 = arith.constant 3 : i32
        %get3A_270 = arith.index_cast %get3A_269 : i32 to index
        %get3A_271 = arith.index_cast %add3A_255 : i32 to index
        %get3A_272 = arith.constant 32 : index
        %get3A_273 = tpu.vector_load %arg10[%get3A_270, %get3A_271, %get3A_272] {strides = array<i32>} : memref<4x128x128xf32, #tpu.memory_space<vmem>>, vector<1x1x16xf32>,
        %get3A_274 = vector.shape_cast %get3A_273 : vector<1x1x16xf32> to vector<16xf32>
        %add3A_275 = arith.addf %scan3A_246, %get3A_274 : vector<16xf32>
        %get3A_276 = arith.constant 3 : i32
        %get3A_277 = arith.index_cast %get3A_276 : i32 to index
        %get3A_278 = arith.index_cast %add3A_255 : i32 to index
        %get3A_279 = arith.constant 48 : index
        %get3A_280 = tpu.vector_load %arg10[%get3A_277, %get3A_278, %get3A_279] {strides = array<i32>} : memref<4x128x128xf32, #tpu.memory_space<vmem>>, vector<1x1x16xf32>,
        %get3A_281 = vector.shape_cast %get3A_280 : vector<1x1x16xf32> to vector<16xf32>
        %add3A_282 = arith.addf %scan3A_247, %get3A_281 : vector<16xf32>
        %mul3A_283 = arith.constant 4 : i32
        %mul3A_284 = arith.muli %scan3A_243, %mul3A_283 : i32
        %add3A_285 = arith.constant 1 : i32
        %add3A_286 = arith.addi %mul3A_284, %add3A_285 : i32
        %get3A_287 = arith.constant 3 : i32
        %get3A_288 = arith.index_cast %get3A_287 : i32 to index
        %get3A_289 = arith.index_cast %add3A_286 : i32 to index
        %get3A_290 = arith.constant 0 : index
        %get3A_291 = tpu.vector_load %arg10[%get3A_288, %get3A_289, %get3A_290] {strides = array<i32>} : memref<4x128x128xf32, #tpu.memory_space<vmem>>, vector<1x1x16xf32>,
        %get3A_292 = vector.shape_cast %get3A_291 : vector<1x1x16xf32> to vector<16xf32>
        %add3A_293 = arith.addf %scan3A_248, %get3A_292 : vector<16xf32>
        %get3A_294 = arith.constant 3 : i32
        %get3A_295 = arith.index_cast %get3A_294 : i32 to index
        %get3A_296 = arith.index_cast %add3A_286 : i32 to index
        %get3A_297 = arith.constant 16 : index
        %get3A_298 = tpu.vector_load %arg10[%get3A_295, %get3A_296, %get3A_297] {strides = array<i32>} : memref<4x128x128xf32, #tpu.memory_space<vmem>>, vector<1x1x16xf32>,
        %get3A_299 = vector.shape_cast %get3A_298 : vector<1x1x16xf32> to vector<16xf32>
        %add3A_300 = arith.addf %scan3A_249, %get3A_299 : vector<16xf32>
        %get3A_301 = arith.constant 3 : i32
        %get3A_302 = arith.index_cast %get3A_301 : i32 to index
        %get3A_303 = arith.index_cast %add3A_286 : i32 to index
        %get3A_304 = arith.constant 32 : index
        %get3A_305 = tpu.vector_load %arg10[%get3A_302, %get3A_303, %get3A_304] {strides = array<i32>} : memref<4x128x128xf32, #tpu.memory_space<vmem>>, vector<1x1x16xf32>,
        %get3A_306 = vector.shape_cast %get3A_305 : vector<1x1x16xf32> to vector<16xf32>
        %add3A_307 = arith.addf %scan3A_250, %get3A_306 : vector<16xf32>
        %get3A_308 = arith.constant 3 : i32
        %get3A_309 = arith.index_cast %get3A_308 : i32 to index
        %get3A_310 = arith.index_cast %add3A_286 : i32 to index
        %get3A_311 = arith.constant 48 : index
        %get3A_312 = tpu.vector_load %arg10[%get3A_309, %get3A_310, %get3A_311] {strides = array<i32>} : memref<4x128x128xf32, #tpu.memory_space<vmem>>, vector<1x1x16xf32>,
        %get3A_313 = vector.shape_cast %get3A_312 : vector<1x1x16xf32> to vector<16xf32>
        %add3A_314 = arith.addf %scan3A_251, %get3A_313 : vector<16xf32>
        %mul3A_315 = arith.constant 4 : i32
        %mul3A_316 = arith.muli %scan3A_243, %mul3A_315 : i32
        %add3A_317 = arith.constant 2 : i32
        %add3A_318 = arith.addi %mul3A_316, %add3A_317 : i32
        %get3A_319 = arith.constant 3 : i32
        %get3A_320 = arith.index_cast %get3A_319 : i32 to index
        %get3A_321 = arith.index_cast %add3A_318 : i32 to index
        %get3A_322 = arith.constant 0 : index
        %get3A_323 = tpu.vector_load %arg10[%get3A_320, %get3A_321, %get3A_322] {strides = array<i32>} : memref<4x128x128xf32, #tpu.memory_space<vmem>>, vector<1x1x16xf32>,
        %get3A_324 = vector.shape_cast %get3A_323 : vector<1x1x16xf32> to vector<16xf32>
        %add3A_325 = arith.addf %add3A_261, %get3A_324 : vector<16xf32>
        %get3A_326 = arith.constant 3 : i32
        %get3A_327 = arith.index_cast %get3A_326 : i32 to index
        %get3A_328 = arith.index_cast %add3A_318 : i32 to index
        %get3A_329 = arith.constant 16 : index
        %get3A_330 = tpu.vector_load %arg10[%get3A_327, %get3A_328, %get3A_329] {strides = array<i32>} : memref<4x128x128xf32, #tpu.memory_space<vmem>>, vector<1x1x16xf32>,
        %get3A_331 = vector.shape_cast %get3A_330 : vector<1x1x16xf32> to vector<16xf32>
        %add3A_332 = arith.addf %add3A_268, %get3A_331 : vector<16xf32>
        %get3A_333 = arith.constant 3 : i32
        %get3A_334 = arith.index_cast %get3A_333 : i32 to index
        %get3A_335 = arith.index_cast %add3A_318 : i32 to index
        %get3A_336 = arith.constant 32 : index
        %get3A_337 = tpu.vector_load %arg10[%get3A_334, %get3A_335, %get3A_336] {strides = array<i32>} : memref<4x128x128xf32, #tpu.memory_space<vmem>>, vector<1x1x16xf32>,
        %get3A_338 = vector.shape_cast %get3A_337 : vector<1x1x16xf32> to vector<16xf32>
        %add3A_339 = arith.addf %add3A_275, %get3A_338 : vector<16xf32>
        %get3A_340 = arith.constant 3 : i32
        %get3A_341 = arith.index_cast %get3A_340 : i32 to index
        %get3A_342 = arith.index_cast %add3A_318 : i32 to index
        %get3A_343 = arith.constant 48 : index
        %get3A_344 = tpu.vector_load %arg10[%get3A_341, %get3A_342, %get3A_343] {strides = array<i32>} : memref<4x128x128xf32, #tpu.memory_space<vmem>>, vector<1x1x16xf32>,
        %get3A_345 = vector.shape_cast %get3A_344 : vector<1x1x16xf32> to vector<16xf32>
        %add3A_346 = arith.addf %add3A_282, %get3A_345 : vector<16xf32>
        %mul3A_347 = arith.constant 4 : i32
        %mul3A_348 = arith.muli %scan3A_243, %mul3A_347 : i32
        %add3A_349 = arith.constant 3 : i32
        %add3A_350 = arith.addi %mul3A_348, %add3A_349 : i32
        %get3A_351 = arith.constant 3 : i32
        %get3A_352 = arith.index_cast %get3A_351 : i32 to index
        %get3A_353 = arith.index_cast %add3A_350 : i32 to index
        %get3A_354 = arith.constant 0 : index
        %get3A_355 = tpu.vector_load %arg10[%get3A_352, %get3A_353, %get3A_354] {strides = array<i32>} : memref<4x128x128xf32, #tpu.memory_space<vmem>>, vector<1x1x16xf32>,
        %get3A_356 = vector.shape_cast %get3A_355 : vector<1x1x16xf32> to vector<16xf32>
        %add3A_357 = arith.addf %add3A_293, %get3A_356 : vector<16xf32>
        %get3A_358 = arith.constant 3 : i32
        %get3A_359 = arith.index_cast %get3A_358 : i32 to index
        %get3A_360 = arith.index_cast %add3A_350 : i32 to index
        %get3A_361 = arith.constant 16 : index
        %get3A_362 = tpu.vector_load %arg10[%get3A_359, %get3A_360, %get3A_361] {strides = array<i32>} : memref<4x128x128xf32, #tpu.memory_space<vmem>>, vector<1x1x16xf32>,
        %get3A_363 = vector.shape_cast %get3A_362 : vector<1x1x16xf32> to vector<16xf32>
        %add3A_364 = arith.addf %add3A_300, %get3A_363 : vector<16xf32>
        %get3A_365 = arith.constant 3 : i32
        %get3A_366 = arith.index_cast %get3A_365 : i32 to index
        %get3A_367 = arith.index_cast %add3A_350 : i32 to index
        %get3A_368 = arith.constant 32 : index
        %get3A_369 = tpu.vector_load %arg10[%get3A_366, %get3A_367, %get3A_368] {strides = array<i32>} : memref<4x128x128xf32, #tpu.memory_space<vmem>>, vector<1x1x16xf32>,
        %get3A_370 = vector.shape_cast %get3A_369 : vector<1x1x16xf32> to vector<16xf32>
        %add3A_371 = arith.addf %add3A_307, %get3A_370 : vector<16xf32>
        %get3A_372 = arith.constant 3 : i32
        %get3A_373 = arith.index_cast %get3A_372 : i32 to index
        %get3A_374 = arith.index_cast %add3A_350 : i32 to index
        %get3A_375 = arith.constant 48 : index
        %get3A_376 = tpu.vector_load %arg10[%get3A_373, %get3A_374, %get3A_375] {strides = array<i32>} : memref<4x128x128xf32, #tpu.memory_space<vmem>>, vector<1x1x16xf32>,
        %get3A_377 = vector.shape_cast %get3A_376 : vector<1x1x16xf32> to vector<16xf32>
        %add3A_378 = arith.addf %add3A_314, %get3A_377 : vector<16xf32>
        scf.yield %add3A_325, %add3A_332, %add3A_339, %add3A_346, %add3A_357, %add3A_364, %add3A_371, %add3A_378 : vector<16xf32>, vector<16xf32>, vector<16xf32>, vector<16xf32>, vector<16xf32>, vector<16xf32>, vector<16xf32>, vector<16xf32>
      }
      %scan3A_237 = arith.constant 32 : i32
      %lt3A_238 = arith.constant 19 : i32
      %lt3A_239 = arith.cmpi slt, %scan3A_134, %lt3A_238 : i32
      %convert_element_type3A_240 = arith.extui %lt3A_239 : i1 to i32
      %cond3A_241 = arith.constant 0 : i32
      %cond3A_242 = arith.cmpi ne, %convert_element_type3A_240, %cond3A_241 : i32
      scf.if %cond3A_242 {
        %add3A_243 = arith.constant 1 : i32
        %add3A_244 = arith.addi %scan3A_134, %add3A_243 : i32
        %mul3A_245 = arith.constant 4 : i32
        %mul3A_246 = arith.muli %add3A_244, %mul3A_245 : i32
        %add3A_247 = arith.constant 3 : i32
        %add3A_248 = arith.addi %mul3A_246, %add3A_247 : i32
        %mul3A_249 = arith.constant 128 : i32
        %mul3A_250 = arith.muli %add3A_248, %mul3A_249 : i32
        %dma_start3A_251 = arith.constant 3 : i32
        %dma_start3A_252 = arith.constant 0 : i32
        %dma_start3A_253 = arith.constant 0 : i32
        %dma_start3A_254 = tpu.memref_slice %arg10[%dma_start3A_251, %dma_start3A_252, %dma_start3A_253] : memref<4x128x128xf32, #tpu.memory_space<vmem>> -> memref<1x128x128xf32, #tpu.memory_space<vmem>>
        %dma_start3A_255 = tpu.memref_squeeze %dma_start3A_254 : memref<1x128x128xf32, #tpu.memory_space<vmem>> -> memref<128x128xf32, #tpu.memory_space<vmem>>
        %dma_start3A_256 = tpu.memref_slice %arg9[%mul3A_250] : memref<10240xi32, #tpu.memory_space<vmem>> -> memref<128xi32, #tpu.memory_space<vmem>>
        %dma_start3A_257 = arith.constant 0 : i32
        %dma_start3A_258 = arith.constant 0 : i32
        %dma_start3A_259 = tpu.memref_slice %arg4[%dma_start3A_257, %dma_start3A_258] : memref<1000000x128xf32, #tpu.memory_space<hbm>> -> memref<1000000x128xf32, #tpu.memory_space<hbm>>
        tpu.enqueue_indirect_dma source(%dma_start3A_259 : memref<1000000x128xf32, #tpu.memory_space<hbm>>) target(%dma_start3A_255 : memref<128x128xf32, #tpu.memory_space<vmem>>) offsets(%dma_start3A_256 : memref<128xi32, #tpu.memory_space<vmem>>) semaphore(%arg15 : memref<!tpu.dma_semaphore, #tpu.memory_space<semaphore_mem>>)
      } else {
      }
      scf.yield %scan3A_236#0, %scan3A_236#1, %scan3A_236#2, %scan3A_236#3, %scan3A_236#4, %scan3A_236#5, %scan3A_236#6, %scan3A_236#7 : vector<16xf32>, vector<16xf32>, vector<16xf32>, vector<16xf32>, vector<16xf32>, vector<16xf32>, vector<16xf32>, vector<16xf32>
    }
    %scan3A_61 = arith.constant 20 : i32
    %mul3A_62 = arith.constant 10240 : i32
    %mul3A_63 = arith.muli %add3A, %mul3A_62 : i32
    "tpu.region"() ({
      %run_scoped3A = tpu.sem_alloc : memref<!tpu.dma_semaphore, #tpu.memory_space<semaphore_mem>>
      %dma_start3A_134 = tpu.memref_slice %arg3[%mul3A_63] : memref<327680xi32, #tpu.memory_space<hbm>> -> memref<10240xi32, #tpu.memory_space<hbm>>
      %dma_start3A_135 = tpu.memref_slice %arg3[%mul3A_63] : memref<327680xi32, #tpu.memory_space<hbm>> -> memref<10240xi32, #tpu.memory_space<hbm>>
      tpu.enqueue_dma source(%dma_start3A_135 : memref<10240xi32, #tpu.memory_space<hbm>>) target(%arg9 : memref<10240xi32, #tpu.memory_space<vmem>>) target_semaphore(%run_scoped3A : memref<!tpu.dma_semaphore, #tpu.memory_space<semaphore_mem>>)
      %dma_wait3A = tpu.memref_slice %arg3[%mul3A_63] : memref<327680xi32, #tpu.memory_space<hbm>> -> memref<10240xi32, #tpu.memory_space<hbm>>
      %dma_wait3A_136 = tpu.memref_slice %arg3[%mul3A_63] : memref<327680xi32, #tpu.memory_space<hbm>> -> memref<10240xi32, #tpu.memory_space<hbm>>
      tpu.wait_dma2 semaphore(%run_scoped3A : memref<!tpu.dma_semaphore, #tpu.memory_space<semaphore_mem>>) src(%dma_wait3A_136 : memref<10240xi32, #tpu.memory_space<hbm>>) dst(%arg9 : memref<10240xi32, #tpu.memory_space<vmem>>)
      tpu.yield
    }) : () -> ()
    %scan3A_64 = arith.constant 0 : i32
    %scan3A_65 = arith.constant 0 : i32
    %scan3A_66 = arith.constant 80 : i32
    %scan3A_67 = arith.addi %scan3A_65, %scan3A_66 : i32
    %scan3A_68 = arith.constant 1 : i32
    scf.for %scan3A_134 = %scan3A_65 to %scan3A_67 step %scan3A_68  : i32 {
      %mul3A_135 = arith.constant 128 : i32
      %mul3A_136 = arith.muli %scan3A_134, %mul3A_135 : i32
      %add3A_137 = arith.constant 0 : i32
      %add3A_138 = arith.addi %mul3A_136, %add3A_137 : i32
      %get3A = arith.index_cast %add3A_138 : i32 to index
      %get3A_139 = tpu.vector_load %arg9[%get3A] {strides = array<i32>} : memref<10240xi32, #tpu.memory_space<vmem>>, vector<16xi32>,
      %get3A_140 = vector.shape_cast %get3A_139 : vector<16xi32> to vector<16xi32>
      %ge3A = arith.constant 2000000 : i32
      %ge3A_141 = vector.broadcast %ge3A : i32 to vector<16xi32>
      %ge3A_142 = arith.cmpi sge, %get3A_140, %ge3A_141 : vector<16xi32>
      %jit3A = arith.constant 2000000 : i32
      %jit3A_143 = arith.constant 0 : i32
      %broadcast_in_dim3A_144 = vector.broadcast %jit3A : i32 to vector<16xi32>
      %broadcast_in_dim3A_145 = vector.broadcast %jit3A_143 : i32 to vector<16xi32>
      %select_n3A = arith.select %ge3A_142, %broadcast_in_dim3A_144, %broadcast_in_dim3A_145 : vector<16xi1>, vector<16xi32>
      %sub3A = arith.subi %get3A_140, %select_n3A : vector<16xi32>
      %ge3A_146 = arith.constant 1000000 : i32
      %ge3A_147 = vector.broadcast %ge3A_146 : i32 to vector<16xi32>
      %ge3A_148 = arith.cmpi sge, %sub3A, %ge3A_147 : vector<16xi32>
      %jit3A_149 = arith.constant 1000000 : i32
      %jit3A_150 = arith.constant 0 : i32
      %broadcast_in_dim3A_151 = vector.broadcast %jit3A_149 : i32 to vector<16xi32>
      %broadcast_in_dim3A_152 = vector.broadcast %jit3A_150 : i32 to vector<16xi32>
      %select_n3A_153 = arith.select %ge3A_148, %broadcast_in_dim3A_151, %broadcast_in_dim3A_152 : vector<16xi1>, vector<16xi32>
      %sub3A_154 = arith.subi %sub3A, %select_n3A_153 : vector<16xi32>
      %swap3A_155 = arith.index_cast %add3A_138 : i32 to index
      %swap3A_156 = tpu.vector_load %arg9[%swap3A_155] {strides = array<i32>} : memref<10240xi32, #tpu.memory_space<vmem>>, vector<16xi32>,
      %swap3A_157 = vector.shape_cast %swap3A_156 : vector<16xi32> to vector<16xi32>
      %swap3A_158 = vector.shape_cast %sub3A_154 : vector<16xi32> to vector<16xi32>
      tpu.vector_store %arg9[%swap3A_155], %swap3A_158 {strides = array<i32>} : memref<10240xi32, #tpu.memory_space<vmem>>, vector<16xi32>,
      %mul3A_159 = arith.constant 128 : i32
      %mul3A_160 = arith.muli %scan3A_134, %mul3A_159 : i32
      %add3A_161 = arith.constant 16 : i32
      %add3A_162 = arith.addi %mul3A_160, %add3A_161 : i32
      %get3A_163 = arith.index_cast %add3A_162 : i32 to index
      %get3A_164 = tpu.vector_load %arg9[%get3A_163] {strides = array<i32>} : memref<10240xi32, #tpu.memory_space<vmem>>, vector<16xi32>,
      %get3A_165 = vector.shape_cast %get3A_164 : vector<16xi32> to vector<16xi32>
      %ge3A_166 = arith.constant 2000000 : i32
      %ge3A_167 = vector.broadcast %ge3A_166 : i32 to vector<16xi32>
      %ge3A_168 = arith.cmpi sge, %get3A_165, %ge3A_167 : vector<16xi32>
      %jit3A_169 = arith.constant 2000000 : i32
      %jit3A_170 = arith.constant 0 : i32
      %broadcast_in_dim3A_171 = vector.broadcast %jit3A_169 : i32 to vector<16xi32>
      %broadcast_in_dim3A_172 = vector.broadcast %jit3A_170 : i32 to vector<16xi32>
      %select_n3A_173 = arith.select %ge3A_168, %broadcast_in_dim3A_171, %broadcast_in_dim3A_172 : vector<16xi1>, vector<16xi32>
      %sub3A_174 = arith.subi %get3A_165, %select_n3A_173 : vector<16xi32>
      %ge3A_175 = arith.constant 1000000 : i32
      %ge3A_176 = vector.broadcast %ge3A_175 : i32 to vector<16xi32>
      %ge3A_177 = arith.cmpi sge, %sub3A_174, %ge3A_176 : vector<16xi32>
      %jit3A_178 = arith.constant 1000000 : i32
      %jit3A_179 = arith.constant 0 : i32
      %broadcast_in_dim3A_180 = vector.broadcast %jit3A_178 : i32 to vector<16xi32>
      %broadcast_in_dim3A_181 = vector.broadcast %jit3A_179 : i32 to vector<16xi32>
      %select_n3A_182 = arith.select %ge3A_177, %broadcast_in_dim3A_180, %broadcast_in_dim3A_181 : vector<16xi1>, vector<16xi32>
      %sub3A_183 = arith.subi %sub3A_174, %select_n3A_182 : vector<16xi32>
      %swap3A_184 = arith.index_cast %add3A_162 : i32 to index
      %swap3A_185 = tpu.vector_load %arg9[%swap3A_184] {strides = array<i32>} : memref<10240xi32, #tpu.memory_space<vmem>>, vector<16xi32>,
      %swap3A_186 = vector.shape_cast %swap3A_185 : vector<16xi32> to vector<16xi32>
      %swap3A_187 = vector.shape_cast %sub3A_183 : vector<16xi32> to vector<16xi32>
      tpu.vector_store %arg9[%swap3A_184], %swap3A_187 {strides = array<i32>} : memref<10240xi32, #tpu.memory_space<vmem>>, vector<16xi32>,
      %mul3A_188 = arith.constant 128 : i32
      %mul3A_189 = arith.muli %scan3A_134, %mul3A_188 : i32
      %add3A_190 = arith.constant 32 : i32
      %add3A_191 = arith.addi %mul3A_189, %add3A_190 : i32
      %get3A_192 = arith.index_cast %add3A_191 : i32 to index
      %get3A_193 = tpu.vector_load %arg9[%get3A_192] {strides = array<i32>} : memref<10240xi32, #tpu.memory_space<vmem>>, vector<16xi32>,
      %get3A_194 = vector.shape_cast %get3A_193 : vector<16xi32> to vector<16xi32>
      %ge3A_195 = arith.constant 2000000 : i32
      %ge3A_196 = vector.broadcast %ge3A_195 : i32 to vector<16xi32>
      %ge3A_197 = arith.cmpi sge, %get3A_194, %ge3A_196 : vector<16xi32>
      %jit3A_198 = arith.constant 2000000 : i32
      %jit3A_199 = arith.constant 0 : i32
      %broadcast_in_dim3A_200 = vector.broadcast %jit3A_198 : i32 to vector<16xi32>
      %broadcast_in_dim3A_201 = vector.broadcast %jit3A_199 : i32 to vector<16xi32>
      %select_n3A_202 = arith.select %ge3A_197, %broadcast_in_dim3A_200, %broadcast_in_dim3A_201 : vector<16xi1>, vector<16xi32>
      %sub3A_203 = arith.subi %get3A_194, %select_n3A_202 : vector<16xi32>
      %ge3A_204 = arith.constant 1000000 : i32
      %ge3A_205 = vector.broadcast %ge3A_204 : i32 to vector<16xi32>
      %ge3A_206 = arith.cmpi sge, %sub3A_203, %ge3A_205 : vector<16xi32>
      %jit3A_207 = arith.constant 1000000 : i32
      %jit3A_208 = arith.constant 0 : i32
      %broadcast_in_dim3A_209 = vector.broadcast %jit3A_207 : i32 to vector<16xi32>
      %broadcast_in_dim3A_210 = vector.broadcast %jit3A_208 : i32 to vector<16xi32>
      %select_n3A_211 = arith.select %ge3A_206, %broadcast_in_dim3A_209, %broadcast_in_dim3A_210 : vector<16xi1>, vector<16xi32>
      %sub3A_212 = arith.subi %sub3A_203, %select_n3A_211 : vector<16xi32>
      %swap3A_213 = arith.index_cast %add3A_191 : i32 to index
      %swap3A_214 = tpu.vector_load %arg9[%swap3A_213] {strides = array<i32>} : memref<10240xi32, #tpu.memory_space<vmem>>, vector<16xi32>,
      %swap3A_215 = vector.shape_cast %swap3A_214 : vector<16xi32> to vector<16xi32>
      %swap3A_216 = vector.shape_cast %sub3A_212 : vector<16xi32> to vector<16xi32>
      tpu.vector_store %arg9[%swap3A_213], %swap3A_216 {strides = array<i32>} : memref<10240xi32, #tpu.memory_space<vmem>>, vector<16xi32>,
      %mul3A_217 = arith.constant 128 : i32
      %mul3A_218 = arith.muli %scan3A_134, %mul3A_217 : i32
      %add3A_219 = arith.constant 48 : i32
      %add3A_220 = arith.addi %mul3A_218, %add3A_219 : i32
      %get3A_221 = arith.index_cast %add3A_220 : i32 to index
      %get3A_222 = tpu.vector_load %arg9[%get3A_221] {strides = array<i32>} : memref<10240xi32, #tpu.memory_space<vmem>>, vector<16xi32>,
      %get3A_223 = vector.shape_cast %get3A_222 : vector<16xi32> to vector<16xi32>
      %ge3A_224 = arith.constant 2000000 : i32
      %ge3A_225 = vector.broadcast %ge3A_224 : i32 to vector<16xi32>
      %ge3A_226 = arith.cmpi sge, %get3A_223, %ge3A_225 : vector<16xi32>
      %jit3A_227 = arith.constant 2000000 : i32
      %jit3A_228 = arith.constant 0 : i32
      %broadcast_in_dim3A_229 = vector.broadcast %jit3A_227 : i32 to vector<16xi32>
      %broadcast_in_dim3A_230 = vector.broadcast %jit3A_228 : i32 to vector<16xi32>
      %select_n3A_231 = arith.select %ge3A_226, %broadcast_in_dim3A_229, %broadcast_in_dim3A_230 : vector<16xi1>, vector<16xi32>
      %sub3A_232 = arith.subi %get3A_223, %select_n3A_231 : vector<16xi32>
      %ge3A_233 = arith.constant 1000000 : i32
      %ge3A_234 = vector.broadcast %ge3A_233 : i32 to vector<16xi32>
      %ge3A_235 = arith.cmpi sge, %sub3A_232, %ge3A_234 : vector<16xi32>
      %jit3A_236 = arith.constant 1000000 : i32
      %jit3A_237 = arith.constant 0 : i32
      %broadcast_in_dim3A_238 = vector.broadcast %jit3A_236 : i32 to vector<16xi32>
      %broadcast_in_dim3A_239 = vector.broadcast %jit3A_237 : i32 to vector<16xi32>
      %select_n3A_240 = arith.select %ge3A_235, %broadcast_in_dim3A_238, %broadcast_in_dim3A_239 : vector<16xi1>, vector<16xi32>
      %sub3A_241 = arith.subi %sub3A_232, %select_n3A_240 : vector<16xi32>
      %swap3A_242 = arith.index_cast %add3A_220 : i32 to index
      %swap3A_243 = tpu.vector_load %arg9[%swap3A_242] {strides = array<i32>} : memref<10240xi32, #tpu.memory_space<vmem>>, vector<16xi32>,
      %swap3A_244 = vector.shape_cast %swap3A_243 : vector<16xi32> to vector<16xi32>
      %swap3A_245 = vector.shape_cast %sub3A_241 : vector<16xi32> to vector<16xi32>
      tpu.vector_store %arg9[%swap3A_242], %swap3A_245 {strides = array<i32>} : memref<10240xi32, #tpu.memory_space<vmem>>, vector<16xi32>,
      %mul3A_246 = arith.constant 128 : i32
      %mul3A_247 = arith.muli %scan3A_134, %mul3A_246 : i32
      %add3A_248 = arith.constant 64 : i32
      %add3A_249 = arith.addi %mul3A_247, %add3A_248 : i32
      %get3A_250 = arith.index_cast %add3A_249 : i32 to index
      %get3A_251 = tpu.vector_load %arg9[%get3A_250] {strides = array<i32>} : memref<10240xi32, #tpu.memory_space<vmem>>, vector<16xi32>,
      %get3A_252 = vector.shape_cast %get3A_251 : vector<16xi32> to vector<16xi32>
      %ge3A_253 = arith.constant 2000000 : i32
      %ge3A_254 = vector.broadcast %ge3A_253 : i32 to vector<16xi32>
      %ge3A_255 = arith.cmpi sge, %get3A_252, %ge3A_254 : vector<16xi32>
      %jit3A_256 = arith.constant 2000000 : i32
      %jit3A_257 = arith.constant 0 : i32
      %broadcast_in_dim3A_258 = vector.broadcast %jit3A_256 : i32 to vector<16xi32>
      %broadcast_in_dim3A_259 = vector.broadcast %jit3A_257 : i32 to vector<16xi32>
      %select_n3A_260 = arith.select %ge3A_255, %broadcast_in_dim3A_258, %broadcast_in_dim3A_259 : vector<16xi1>, vector<16xi32>
      %sub3A_261 = arith.subi %get3A_252, %select_n3A_260 : vector<16xi32>
      %ge3A_262 = arith.constant 1000000 : i32
      %ge3A_263 = vector.broadcast %ge3A_262 : i32 to vector<16xi32>
      %ge3A_264 = arith.cmpi sge, %sub3A_261, %ge3A_263 : vector<16xi32>
      %jit3A_265 = arith.constant 1000000 : i32
      %jit3A_266 = arith.constant 0 : i32
      %broadcast_in_dim3A_267 = vector.broadcast %jit3A_265 : i32 to vector<16xi32>
      %broadcast_in_dim3A_268 = vector.broadcast %jit3A_266 : i32 to vector<16xi32>
      %select_n3A_269 = arith.select %ge3A_264, %broadcast_in_dim3A_267, %broadcast_in_dim3A_268 : vector<16xi1>, vector<16xi32>
      %sub3A_270 = arith.subi %sub3A_261, %select_n3A_269 : vector<16xi32>
      %swap3A_271 = arith.index_cast %add3A_249 : i32 to index
      %swap3A_272 = tpu.vector_load %arg9[%swap3A_271] {strides = array<i32>} : memref<10240xi32, #tpu.memory_space<vmem>>, vector<16xi32>,
      %swap3A_273 = vector.shape_cast %swap3A_272 : vector<16xi32> to vector<16xi32>
      %swap3A_274 = vector.shape_cast %sub3A_270 : vector<16xi32> to vector<16xi32>
      tpu.vector_store %arg9[%swap3A_271], %swap3A_274 {strides = array<i32>} : memref<10240xi32, #tpu.memory_space<vmem>>, vector<16xi32>,
      %mul3A_275 = arith.constant 128 : i32
      %mul3A_276 = arith.muli %scan3A_134, %mul3A_275 : i32
      %add3A_277 = arith.constant 80 : i32
      %add3A_278 = arith.addi %mul3A_276, %add3A_277 : i32
      %get3A_279 = arith.index_cast %add3A_278 : i32 to index
      %get3A_280 = tpu.vector_load %arg9[%get3A_279] {strides = array<i32>} : memref<10240xi32, #tpu.memory_space<vmem>>, vector<16xi32>,
      %get3A_281 = vector.shape_cast %get3A_280 : vector<16xi32> to vector<16xi32>
      %ge3A_282 = arith.constant 2000000 : i32
      %ge3A_283 = vector.broadcast %ge3A_282 : i32 to vector<16xi32>
      %ge3A_284 = arith.cmpi sge, %get3A_281, %ge3A_283 : vector<16xi32>
      %jit3A_285 = arith.constant 2000000 : i32
      %jit3A_286 = arith.constant 0 : i32
      %broadcast_in_dim3A_287 = vector.broadcast %jit3A_285 : i32 to vector<16xi32>
      %broadcast_in_dim3A_288 = vector.broadcast %jit3A_286 : i32 to vector<16xi32>
      %select_n3A_289 = arith.select %ge3A_284, %broadcast_in_dim3A_287, %broadcast_in_dim3A_288 : vector<16xi1>, vector<16xi32>
      %sub3A_290 = arith.subi %get3A_281, %select_n3A_289 : vector<16xi32>
      %ge3A_291 = arith.constant 1000000 : i32
      %ge3A_292 = vector.broadcast %ge3A_291 : i32 to vector<16xi32>
      %ge3A_293 = arith.cmpi sge, %sub3A_290, %ge3A_292 : vector<16xi32>
      %jit3A_294 = arith.constant 1000000 : i32
      %jit3A_295 = arith.constant 0 : i32
      %broadcast_in_dim3A_296 = vector.broadcast %jit3A_294 : i32 to vector<16xi32>
      %broadcast_in_dim3A_297 = vector.broadcast %jit3A_295 : i32 to vector<16xi32>
      %select_n3A_298 = arith.select %ge3A_293, %broadcast_in_dim3A_296, %broadcast_in_dim3A_297 : vector<16xi1>, vector<16xi32>
      %sub3A_299 = arith.subi %sub3A_290, %select_n3A_298 : vector<16xi32>
      %swap3A_300 = arith.index_cast %add3A_278 : i32 to index
      %swap3A_301 = tpu.vector_load %arg9[%swap3A_300] {strides = array<i32>} : memref<10240xi32, #tpu.memory_space<vmem>>, vector<16xi32>,
      %swap3A_302 = vector.shape_cast %swap3A_301 : vector<16xi32> to vector<16xi32>
      %swap3A_303 = vector.shape_cast %sub3A_299 : vector<16xi32> to vector<16xi32>
      tpu.vector_store %arg9[%swap3A_300], %swap3A_303 {strides = array<i32>} : memref<10240xi32, #tpu.memory_space<vmem>>, vector<16xi32>,
      %mul3A_304 = arith.constant 128 : i32
      %mul3A_305 = arith.muli %scan3A_134, %mul3A_304 : i32
      %add3A_306 = arith.constant 96 : i32
      %add3A_307 = arith.addi %mul3A_305, %add3A_306 : i32
      %get3A_308 = arith.index_cast %add3A_307 : i32 to index
      %get3A_309 = tpu.vector_load %arg9[%get3A_308] {strides = array<i32>} : memref<10240xi32, #tpu.memory_space<vmem>>, vector<16xi32>,
      %get3A_310 = vector.shape_cast %get3A_309 : vector<16xi32> to vector<16xi32>
      %ge3A_311 = arith.constant 2000000 : i32
      %ge3A_312 = vector.broadcast %ge3A_311 : i32 to vector<16xi32>
      %ge3A_313 = arith.cmpi sge, %get3A_310, %ge3A_312 : vector<16xi32>
      %jit3A_314 = arith.constant 2000000 : i32
      %jit3A_315 = arith.constant 0 : i32
      %broadcast_in_dim3A_316 = vector.broadcast %jit3A_314 : i32 to vector<16xi32>
      %broadcast_in_dim3A_317 = vector.broadcast %jit3A_315 : i32 to vector<16xi32>
      %select_n3A_318 = arith.select %ge3A_313, %broadcast_in_dim3A_316, %broadcast_in_dim3A_317 : vector<16xi1>, vector<16xi32>
      %sub3A_319 = arith.subi %get3A_310, %select_n3A_318 : vector<16xi32>
      %ge3A_320 = arith.constant 1000000 : i32
      %ge3A_321 = vector.broadcast %ge3A_320 : i32 to vector<16xi32>
      %ge3A_322 = arith.cmpi sge, %sub3A_319, %ge3A_321 : vector<16xi32>
      %jit3A_323 = arith.constant 1000000 : i32
      %jit3A_324 = arith.constant 0 : i32
      %broadcast_in_dim3A_325 = vector.broadcast %jit3A_323 : i32 to vector<16xi32>
      %broadcast_in_dim3A_326 = vector.broadcast %jit3A_324 : i32 to vector<16xi32>
      %select_n3A_327 = arith.select %ge3A_322, %broadcast_in_dim3A_325, %broadcast_in_dim3A_326 : vector<16xi1>, vector<16xi32>
      %sub3A_328 = arith.subi %sub3A_319, %select_n3A_327 : vector<16xi32>
      %swap3A_329 = arith.index_cast %add3A_307 : i32 to index
      %swap3A_330 = tpu.vector_load %arg9[%swap3A_329] {strides = array<i32>} : memref<10240xi32, #tpu.memory_space<vmem>>, vector<16xi32>,
      %swap3A_331 = vector.shape_cast %swap3A_330 : vector<16xi32> to vector<16xi32>
      %swap3A_332 = vector.shape_cast %sub3A_328 : vector<16xi32> to vector<16xi32>
      tpu.vector_store %arg9[%swap3A_329], %swap3A_332 {strides = array<i32>} : memref<10240xi32, #tpu.memory_space<vmem>>, vector<16xi32>,
      %mul3A_333 = arith.constant 128 : i32
      %mul3A_334 = arith.muli %scan3A_134, %mul3A_333 : i32
      %add3A_335 = arith.constant 112 : i32
      %add3A_336 = arith.addi %mul3A_334, %add3A_335 : i32
      %get3A_337 = arith.index_cast %add3A_336 : i32 to index
      %get3A_338 = tpu.vector_load %arg9[%get3A_337] {strides = array<i32>} : memref<10240xi32, #tpu.memory_space<vmem>>, vector<16xi32>,
      %get3A_339 = vector.shape_cast %get3A_338 : vector<16xi32> to vector<16xi32>
      %ge3A_340 = arith.constant 2000000 : i32
      %ge3A_341 = vector.broadcast %ge3A_340 : i32 to vector<16xi32>
      %ge3A_342 = arith.cmpi sge, %get3A_339, %ge3A_341 : vector<16xi32>
      %jit3A_343 = arith.constant 2000000 : i32
      %jit3A_344 = arith.constant 0 : i32
      %broadcast_in_dim3A_345 = vector.broadcast %jit3A_343 : i32 to vector<16xi32>
      %broadcast_in_dim3A_346 = vector.broadcast %jit3A_344 : i32 to vector<16xi32>
      %select_n3A_347 = arith.select %ge3A_342, %broadcast_in_dim3A_345, %broadcast_in_dim3A_346 : vector<16xi1>, vector<16xi32>
      %sub3A_348 = arith.subi %get3A_339, %select_n3A_347 : vector<16xi32>
      %ge3A_349 = arith.constant 1000000 : i32
      %ge3A_350 = vector.broadcast %ge3A_349 : i32 to vector<16xi32>
      %ge3A_351 = arith.cmpi sge, %sub3A_348, %ge3A_350 : vector<16xi32>
      %jit3A_352 = arith.constant 1000000 : i32
      %jit3A_353 = arith.constant 0 : i32
      %broadcast_in_dim3A_354 = vector.broadcast %jit3A_352 : i32 to vector<16xi32>
      %broadcast_in_dim3A_355 = vector.broadcast %jit3A_353 : i32 to vector<16xi32>
      %select_n3A_356 = arith.select %ge3A_351, %broadcast_in_dim3A_354, %broadcast_in_dim3A_355 : vector<16xi1>, vector<16xi32>
      %sub3A_357 = arith.subi %sub3A_348, %select_n3A_356 : vector<16xi32>
      %swap3A_358 = arith.index_cast %add3A_336 : i32 to index
      %swap3A_359 = tpu.vector_load %arg9[%swap3A_358] {strides = array<i32>} : memref<10240xi32, #tpu.memory_space<vmem>>, vector<16xi32>,
      %swap3A_360 = vector.shape_cast %swap3A_359 : vector<16xi32> to vector<16xi32>
      %swap3A_361 = vector.shape_cast %sub3A_357 : vector<16xi32> to vector<16xi32>
      tpu.vector_store %arg9[%swap3A_358], %swap3A_361 {strides = array<i32>} : memref<10240xi32, #tpu.memory_space<vmem>>, vector<16xi32>,
    }
    %scan3A_69 = arith.constant 80 : i32
    "tpu.region"() ({
      %run_scoped3A = tpu.sem_alloc : memref<!tpu.dma_semaphore, #tpu.memory_space<semaphore_mem>>
      %dma_start3A_134 = tpu.memref_slice %arg7[%mul3A_63] : memref<327680xi32, #tpu.memory_space<hbm>> -> memref<10240xi32, #tpu.memory_space<hbm>>
      %dma_start3A_135 = tpu.memref_slice %arg7[%mul3A_63] : memref<327680xi32, #tpu.memory_space<hbm>> -> memref<10240xi32, #tpu.memory_space<hbm>>
      tpu.enqueue_dma source(%arg9 : memref<10240xi32, #tpu.memory_space<vmem>>) target(%dma_start3A_135 : memref<10240xi32, #tpu.memory_space<hbm>>) target_semaphore(%run_scoped3A : memref<!tpu.dma_semaphore, #tpu.memory_space<semaphore_mem>>)
      %dma_wait3A = tpu.memref_slice %arg7[%mul3A_63] : memref<327680xi32, #tpu.memory_space<hbm>> -> memref<10240xi32, #tpu.memory_space<hbm>>
      %dma_wait3A_136 = tpu.memref_slice %arg7[%mul3A_63] : memref<327680xi32, #tpu.memory_space<hbm>> -> memref<10240xi32, #tpu.memory_space<hbm>>
      tpu.wait_dma2 semaphore(%run_scoped3A : memref<!tpu.dma_semaphore, #tpu.memory_space<semaphore_mem>>) src(%arg9 : memref<10240xi32, #tpu.memory_space<vmem>>) dst(%dma_wait3A_136 : memref<10240xi32, #tpu.memory_space<hbm>>)
      tpu.yield
    }) : () -> ()
    %mul3A_70 = arith.constant 0 : i32
    %mul3A_71 = arith.constant 128 : i32
    %mul3A_72 = arith.muli %mul3A_70, %mul3A_71 : i32
    %dma_start3A_73 = arith.constant 0 : i32
    %dma_start3A_74 = arith.constant 0 : i32
    %dma_start3A_75 = arith.constant 0 : i32
    %dma_start3A_76 = tpu.memref_slice %arg10[%dma_start3A_73, %dma_start3A_74, %dma_start3A_75] : memref<4x128x128xf32, #tpu.memory_space<vmem>> -> memref<1x128x128xf32, #tpu.memory_space<vmem>>
    %dma_start3A_77 = tpu.memref_squeeze %dma_start3A_76 : memref<1x128x128xf32, #tpu.memory_space<vmem>> -> memref<128x128xf32, #tpu.memory_space<vmem>>
    %dma_start3A_78 = tpu.memref_slice %arg9[%mul3A_72] : memref<10240xi32, #tpu.memory_space<vmem>> -> memref<128xi32, #tpu.memory_space<vmem>>
    %dma_start3A_79 = arith.constant 0 : i32
    %dma_start3A_80 = arith.constant 0 : i32
    %dma_start3A_81 = tpu.memref_slice %arg5[%dma_start3A_79, %dma_start3A_80] : memref<1000000x128xf32, #tpu.memory_space<hbm>> -> memref<1000000x128xf32, #tpu.memory_space<hbm>>
    tpu.enqueue_indirect_dma source(%dma_start3A_81 : memref<1000000x128xf32, #tpu.memory_space<hbm>>) target(%dma_start3A_77 : memref<128x128xf32, #tpu.memory_space<vmem>>) offsets(%dma_start3A_78 : memref<128xi32, #tpu.memory_space<vmem>>) semaphore(%arg12 : memref<!tpu.dma_semaphore, #tpu.memory_space<semaphore_mem>>)
    %mul3A_82 = arith.constant 1 : i32
    %mul3A_83 = arith.constant 128 : i32
    %mul3A_84 = arith.muli %mul3A_82, %mul3A_83 : i32
    %dma_start3A_85 = arith.constant 1 : i32
    %dma_start3A_86 = arith.constant 0 : i32
    %dma_start3A_87 = arith.constant 0 : i32
    %dma_start3A_88 = tpu.memref_slice %arg10[%dma_start3A_85, %dma_start3A_86, %dma_start3A_87] : memref<4x128x128xf32, #tpu.memory_space<vmem>> -> memref<1x128x128xf32, #tpu.memory_space<vmem>>
    %dma_start3A_89 = tpu.memref_squeeze %dma_start3A_88 : memref<1x128x128xf32, #tpu.memory_space<vmem>> -> memref<128x128xf32, #tpu.memory_space<vmem>>
    %dma_start3A_90 = tpu.memref_slice %arg9[%mul3A_84] : memref<10240xi32, #tpu.memory_space<vmem>> -> memref<128xi32, #tpu.memory_space<vmem>>
    %dma_start3A_91 = arith.constant 0 : i32
    %dma_start3A_92 = arith.constant 0 : i32
    %dma_start3A_93 = tpu.memref_slice %arg5[%dma_start3A_91, %dma_start3A_92] : memref<1000000x128xf32, #tpu.memory_space<hbm>> -> memref<1000000x128xf32, #tpu.memory_space<hbm>>
    tpu.enqueue_indirect_dma source(%dma_start3A_93 : memref<1000000x128xf32, #tpu.memory_space<hbm>>) target(%dma_start3A_89 : memref<128x128xf32, #tpu.memory_space<vmem>>) offsets(%dma_start3A_90 : memref<128xi32, #tpu.memory_space<vmem>>) semaphore(%arg13 : memref<!tpu.dma_semaphore, #tpu.memory_space<semaphore_mem>>)
    %mul3A_94 = arith.constant 2 : i32
    %mul3A_95 = arith.constant 128 : i32
    %mul3A_96 = arith.muli %mul3A_94, %mul3A_95 : i32
    %dma_start3A_97 = arith.constant 2 : i32
    %dma_start3A_98 = arith.constant 0 : i32
    %dma_start3A_99 = arith.constant 0 : i32
    %dma_start3A_100 = tpu.memref_slice %arg10[%dma_start3A_97, %dma_start3A_98, %dma_start3A_99] : memref<4x128x128xf32, #tpu.memory_space<vmem>> -> memref<1x128x128xf32, #tpu.memory_space<vmem>>
    %dma_start3A_101 = tpu.memref_squeeze %dma_start3A_100 : memref<1x128x128xf32, #tpu.memory_space<vmem>> -> memref<128x128xf32, #tpu.memory_space<vmem>>
    %dma_start3A_102 = tpu.memref_slice %arg9[%mul3A_96] : memref<10240xi32, #tpu.memory_space<vmem>> -> memref<128xi32, #tpu.memory_space<vmem>>
    %dma_start3A_103 = arith.constant 0 : i32
    %dma_start3A_104 = arith.constant 0 : i32
    %dma_start3A_105 = tpu.memref_slice %arg5[%dma_start3A_103, %dma_start3A_104] : memref<1000000x128xf32, #tpu.memory_space<hbm>> -> memref<1000000x128xf32, #tpu.memory_space<hbm>>
    tpu.enqueue_indirect_dma source(%dma_start3A_105 : memref<1000000x128xf32, #tpu.memory_space<hbm>>) target(%dma_start3A_101 : memref<128x128xf32, #tpu.memory_space<vmem>>) offsets(%dma_start3A_102 : memref<128xi32, #tpu.memory_space<vmem>>) semaphore(%arg14 : memref<!tpu.dma_semaphore, #tpu.memory_space<semaphore_mem>>)
    %mul3A_106 = arith.constant 3 : i32
    %mul3A_107 = arith.constant 128 : i32
    %mul3A_108 = arith.muli %mul3A_106, %mul3A_107 : i32
    %dma_start3A_109 = arith.constant 3 : i32
    %dma_start3A_110 = arith.constant 0 : i32
    %dma_start3A_111 = arith.constant 0 : i32
    %dma_start3A_112 = tpu.memref_slice %arg10[%dma_start3A_109, %dma_start3A_110, %dma_start3A_111] : memref<4x128x128xf32, #tpu.memory_space<vmem>> -> memref<1x128x128xf32, #tpu.memory_space<vmem>>
    %dma_start3A_113 = tpu.memref_squeeze %dma_start3A_112 : memref<1x128x128xf32, #tpu.memory_space<vmem>> -> memref<128x128xf32, #tpu.memory_space<vmem>>
    %dma_start3A_114 = tpu.memref_slice %arg9[%mul3A_108] : memref<10240xi32, #tpu.memory_space<vmem>> -> memref<128xi32, #tpu.memory_space<vmem>>
    %dma_start3A_115 = arith.constant 0 : i32
    %dma_start3A_116 = arith.constant 0 : i32
    %dma_start3A_117 = tpu.memref_slice %arg5[%dma_start3A_115, %dma_start3A_116] : memref<1000000x128xf32, #tpu.memory_space<hbm>> -> memref<1000000x128xf32, #tpu.memory_space<hbm>>
    tpu.enqueue_indirect_dma source(%dma_start3A_117 : memref<1000000x128xf32, #tpu.memory_space<hbm>>) target(%dma_start3A_113 : memref<128x128xf32, #tpu.memory_space<vmem>>) offsets(%dma_start3A_114 : memref<128xi32, #tpu.memory_space<vmem>>) semaphore(%arg15 : memref<!tpu.dma_semaphore, #tpu.memory_space<semaphore_mem>>)
    %scan3A_118 = arith.constant 0 : i32
    %scan3A_119 = arith.constant 20 : i32
    %scan3A_120 = arith.addi %scan3A_118, %scan3A_119 : i32
    %scan3A_121 = arith.constant 1 : i32
    %scan3A_122:8 = scf.for %scan3A_134 = %scan3A_118 to %scan3A_120 step %scan3A_121 iter_args(%scan3A_135 = %scan3A_60#0, %scan3A_136 = %scan3A_60#1, %scan3A_137 = %scan3A_60#2, %scan3A_138 = %scan3A_60#3, %scan3A_139 = %scan3A_60#4, %scan3A_140 = %scan3A_60#5, %scan3A_141 = %scan3A_60#6, %scan3A_142 = %scan3A_60#7) -> (vector<16xf32>, vector<16xf32>, vector<16xf32>, vector<16xf32>, vector<16xf32>, vector<16xf32>, vector<16xf32>, vector<16xf32>)  : i32 {
      %dma_wait3A = arith.constant 0 : i32
      %dma_wait3A_143 = arith.constant 0 : i32
      %dma_wait3A_144 = arith.constant 0 : i32
      %dma_wait3A_145 = tpu.memref_slice %arg10[%dma_wait3A, %dma_wait3A_143, %dma_wait3A_144] : memref<4x128x128xf32, #tpu.memory_space<vmem>> -> memref<1x128x128xf32, #tpu.memory_space<vmem>>
      %dma_wait3A_146 = tpu.memref_squeeze %dma_wait3A_145 : memref<1x128x128xf32, #tpu.memory_space<vmem>> -> memref<128x128xf32, #tpu.memory_space<vmem>>
      %dma_wait3A_147 = arith.constant 0 : i32
      %dma_wait3A_148 = arith.constant 0 : i32
      %dma_wait3A_149 = tpu.memref_slice %arg5[%dma_wait3A_147, %dma_wait3A_148] : memref<1000000x128xf32, #tpu.memory_space<hbm>> -> memref<128x128xf32, #tpu.memory_space<hbm>>
      %dma_wait3A_150 = arith.constant 0 : i32
      %dma_wait3A_151 = arith.constant 0 : i32
      %dma_wait3A_152 = tpu.memref_slice %arg10[%dma_wait3A, %dma_wait3A_150, %dma_wait3A_151] : memref<4x128x128xf32, #tpu.memory_space<vmem>> -> memref<1x128x128xf32, #tpu.memory_space<vmem>>
      %dma_wait3A_153 = tpu.memref_squeeze %dma_wait3A_152 : memref<1x128x128xf32, #tpu.memory_space<vmem>> -> memref<128x128xf32, #tpu.memory_space<vmem>>
      %dma_wait3A_154 = arith.constant 0 : i32
      %dma_wait3A_155 = arith.constant 0 : i32
      %dma_wait3A_156 = tpu.memref_slice %arg5[%dma_wait3A_154, %dma_wait3A_155] : memref<1000000x128xf32, #tpu.memory_space<hbm>> -> memref<128x128xf32, #tpu.memory_space<hbm>>
      tpu.wait_dma2 semaphore(%arg12 : memref<!tpu.dma_semaphore, #tpu.memory_space<semaphore_mem>>) src(%dma_wait3A_156 : memref<128x128xf32, #tpu.memory_space<hbm>>) dst(%dma_wait3A_153 : memref<128x128xf32, #tpu.memory_space<vmem>>)
      %scan3A_157 = arith.constant 0 : i32
      %scan3A_158 = arith.constant 32 : i32
      %scan3A_159 = arith.addi %scan3A_157, %scan3A_158 : i32
      %scan3A_160 = arith.constant 1 : i32
      %scan3A_161:8 = scf.for %scan3A_243 = %scan3A_157 to %scan3A_159 step %scan3A_160 iter_args(%scan3A_244 = %scan3A_135, %scan3A_245 = %scan3A_136, %scan3A_246 = %scan3A_137, %scan3A_247 = %scan3A_138, %scan3A_248 = %scan3A_139, %scan3A_249 = %scan3A_140, %scan3A_250 = %scan3A_141, %scan3A_251 = %scan3A_142) -> (vector<16xf32>, vector<16xf32>, vector<16xf32>, vector<16xf32>, vector<16xf32>, vector<16xf32>, vector<16xf32>, vector<16xf32>)  : i32 {
        %mul3A_252 = arith.constant 4 : i32
        %mul3A_253 = arith.muli %scan3A_243, %mul3A_252 : i32
        %add3A_254 = arith.constant 0 : i32
        %add3A_255 = arith.addi %mul3A_253, %add3A_254 : i32
        %get3A = arith.constant 0 : i32
        %get3A_256 = arith.index_cast %get3A : i32 to index
        %get3A_257 = arith.index_cast %add3A_255 : i32 to index
        %get3A_258 = arith.constant 0 : index
        %get3A_259 = tpu.vector_load %arg10[%get3A_256, %get3A_257, %get3A_258] {strides = array<i32>} : memref<4x128x128xf32, #tpu.memory_space<vmem>>, vector<1x1x16xf32>,
        %get3A_260 = vector.shape_cast %get3A_259 : vector<1x1x16xf32> to vector<16xf32>
        %add3A_261 = arith.addf %scan3A_244, %get3A_260 : vector<16xf32>
        %get3A_262 = arith.constant 0 : i32
        %get3A_263 = arith.index_cast %get3A_262 : i32 to index
        %get3A_264 = arith.index_cast %add3A_255 : i32 to index
        %get3A_265 = arith.constant 16 : index
        %get3A_266 = tpu.vector_load %arg10[%get3A_263, %get3A_264, %get3A_265] {strides = array<i32>} : memref<4x128x128xf32, #tpu.memory_space<vmem>>, vector<1x1x16xf32>,
        %get3A_267 = vector.shape_cast %get3A_266 : vector<1x1x16xf32> to vector<16xf32>
        %add3A_268 = arith.addf %scan3A_245, %get3A_267 : vector<16xf32>
        %get3A_269 = arith.constant 0 : i32
        %get3A_270 = arith.index_cast %get3A_269 : i32 to index
        %get3A_271 = arith.index_cast %add3A_255 : i32 to index
        %get3A_272 = arith.constant 32 : index
        %get3A_273 = tpu.vector_load %arg10[%get3A_270, %get3A_271, %get3A_272] {strides = array<i32>} : memref<4x128x128xf32, #tpu.memory_space<vmem>>, vector<1x1x16xf32>,
        %get3A_274 = vector.shape_cast %get3A_273 : vector<1x1x16xf32> to vector<16xf32>
        %add3A_275 = arith.addf %scan3A_246, %get3A_274 : vector<16xf32>
        %get3A_276 = arith.constant 0 : i32
        %get3A_277 = arith.index_cast %get3A_276 : i32 to index
        %get3A_278 = arith.index_cast %add3A_255 : i32 to index
        %get3A_279 = arith.constant 48 : index
        %get3A_280 = tpu.vector_load %arg10[%get3A_277, %get3A_278, %get3A_279] {strides = array<i32>} : memref<4x128x128xf32, #tpu.memory_space<vmem>>, vector<1x1x16xf32>,
        %get3A_281 = vector.shape_cast %get3A_280 : vector<1x1x16xf32> to vector<16xf32>
        %add3A_282 = arith.addf %scan3A_247, %get3A_281 : vector<16xf32>
        %mul3A_283 = arith.constant 4 : i32
        %mul3A_284 = arith.muli %scan3A_243, %mul3A_283 : i32
        %add3A_285 = arith.constant 1 : i32
        %add3A_286 = arith.addi %mul3A_284, %add3A_285 : i32
        %get3A_287 = arith.constant 0 : i32
        %get3A_288 = arith.index_cast %get3A_287 : i32 to index
        %get3A_289 = arith.index_cast %add3A_286 : i32 to index
        %get3A_290 = arith.constant 0 : index
        %get3A_291 = tpu.vector_load %arg10[%get3A_288, %get3A_289, %get3A_290] {strides = array<i32>} : memref<4x128x128xf32, #tpu.memory_space<vmem>>, vector<1x1x16xf32>,
        %get3A_292 = vector.shape_cast %get3A_291 : vector<1x1x16xf32> to vector<16xf32>
        %add3A_293 = arith.addf %scan3A_248, %get3A_292 : vector<16xf32>
        %get3A_294 = arith.constant 0 : i32
        %get3A_295 = arith.index_cast %get3A_294 : i32 to index
        %get3A_296 = arith.index_cast %add3A_286 : i32 to index
        %get3A_297 = arith.constant 16 : index
        %get3A_298 = tpu.vector_load %arg10[%get3A_295, %get3A_296, %get3A_297] {strides = array<i32>} : memref<4x128x128xf32, #tpu.memory_space<vmem>>, vector<1x1x16xf32>,
        %get3A_299 = vector.shape_cast %get3A_298 : vector<1x1x16xf32> to vector<16xf32>
        %add3A_300 = arith.addf %scan3A_249, %get3A_299 : vector<16xf32>
        %get3A_301 = arith.constant 0 : i32
        %get3A_302 = arith.index_cast %get3A_301 : i32 to index
        %get3A_303 = arith.index_cast %add3A_286 : i32 to index
        %get3A_304 = arith.constant 32 : index
        %get3A_305 = tpu.vector_load %arg10[%get3A_302, %get3A_303, %get3A_304] {strides = array<i32>} : memref<4x128x128xf32, #tpu.memory_space<vmem>>, vector<1x1x16xf32>,
        %get3A_306 = vector.shape_cast %get3A_305 : vector<1x1x16xf32> to vector<16xf32>
        %add3A_307 = arith.addf %scan3A_250, %get3A_306 : vector<16xf32>
        %get3A_308 = arith.constant 0 : i32
        %get3A_309 = arith.index_cast %get3A_308 : i32 to index
        %get3A_310 = arith.index_cast %add3A_286 : i32 to index
        %get3A_311 = arith.constant 48 : index
        %get3A_312 = tpu.vector_load %arg10[%get3A_309, %get3A_310, %get3A_311] {strides = array<i32>} : memref<4x128x128xf32, #tpu.memory_space<vmem>>, vector<1x1x16xf32>,
        %get3A_313 = vector.shape_cast %get3A_312 : vector<1x1x16xf32> to vector<16xf32>
        %add3A_314 = arith.addf %scan3A_251, %get3A_313 : vector<16xf32>
        %mul3A_315 = arith.constant 4 : i32
        %mul3A_316 = arith.muli %scan3A_243, %mul3A_315 : i32
        %add3A_317 = arith.constant 2 : i32
        %add3A_318 = arith.addi %mul3A_316, %add3A_317 : i32
        %get3A_319 = arith.constant 0 : i32
        %get3A_320 = arith.index_cast %get3A_319 : i32 to index
        %get3A_321 = arith.index_cast %add3A_318 : i32 to index
        %get3A_322 = arith.constant 0 : index
        %get3A_323 = tpu.vector_load %arg10[%get3A_320, %get3A_321, %get3A_322] {strides = array<i32>} : memref<4x128x128xf32, #tpu.memory_space<vmem>>, vector<1x1x16xf32>,
        %get3A_324 = vector.shape_cast %get3A_323 : vector<1x1x16xf32> to vector<16xf32>
        %add3A_325 = arith.addf %add3A_261, %get3A_324 : vector<16xf32>
        %get3A_326 = arith.constant 0 : i32
        %get3A_327 = arith.index_cast %get3A_326 : i32 to index
        %get3A_328 = arith.index_cast %add3A_318 : i32 to index
        %get3A_329 = arith.constant 16 : index
        %get3A_330 = tpu.vector_load %arg10[%get3A_327, %get3A_328, %get3A_329] {strides = array<i32>} : memref<4x128x128xf32, #tpu.memory_space<vmem>>, vector<1x1x16xf32>,
        %get3A_331 = vector.shape_cast %get3A_330 : vector<1x1x16xf32> to vector<16xf32>
        %add3A_332 = arith.addf %add3A_268, %get3A_331 : vector<16xf32>
        %get3A_333 = arith.constant 0 : i32
        %get3A_334 = arith.index_cast %get3A_333 : i32 to index
        %get3A_335 = arith.index_cast %add3A_318 : i32 to index
        %get3A_336 = arith.constant 32 : index
        %get3A_337 = tpu.vector_load %arg10[%get3A_334, %get3A_335, %get3A_336] {strides = array<i32>} : memref<4x128x128xf32, #tpu.memory_space<vmem>>, vector<1x1x16xf32>,
        %get3A_338 = vector.shape_cast %get3A_337 : vector<1x1x16xf32> to vector<16xf32>
        %add3A_339 = arith.addf %add3A_275, %get3A_338 : vector<16xf32>
        %get3A_340 = arith.constant 0 : i32
        %get3A_341 = arith.index_cast %get3A_340 : i32 to index
        %get3A_342 = arith.index_cast %add3A_318 : i32 to index
        %get3A_343 = arith.constant 48 : index
        %get3A_344 = tpu.vector_load %arg10[%get3A_341, %get3A_342, %get3A_343] {strides = array<i32>} : memref<4x128x128xf32, #tpu.memory_space<vmem>>, vector<1x1x16xf32>,
        %get3A_345 = vector.shape_cast %get3A_344 : vector<1x1x16xf32> to vector<16xf32>
        %add3A_346 = arith.addf %add3A_282, %get3A_345 : vector<16xf32>
        %mul3A_347 = arith.constant 4 : i32
        %mul3A_348 = arith.muli %scan3A_243, %mul3A_347 : i32
        %add3A_349 = arith.constant 3 : i32
        %add3A_350 = arith.addi %mul3A_348, %add3A_349 : i32
        %get3A_351 = arith.constant 0 : i32
        %get3A_352 = arith.index_cast %get3A_351 : i32 to index
        %get3A_353 = arith.index_cast %add3A_350 : i32 to index
        %get3A_354 = arith.constant 0 : index
        %get3A_355 = tpu.vector_load %arg10[%get3A_352, %get3A_353, %get3A_354] {strides = array<i32>} : memref<4x128x128xf32, #tpu.memory_space<vmem>>, vector<1x1x16xf32>,
        %get3A_356 = vector.shape_cast %get3A_355 : vector<1x1x16xf32> to vector<16xf32>
        %add3A_357 = arith.addf %add3A_293, %get3A_356 : vector<16xf32>
        %get3A_358 = arith.constant 0 : i32
        %get3A_359 = arith.index_cast %get3A_358 : i32 to index
        %get3A_360 = arith.index_cast %add3A_350 : i32 to index
        %get3A_361 = arith.constant 16 : index
        %get3A_362 = tpu.vector_load %arg10[%get3A_359, %get3A_360, %get3A_361] {strides = array<i32>} : memref<4x128x128xf32, #tpu.memory_space<vmem>>, vector<1x1x16xf32>,
        %get3A_363 = vector.shape_cast %get3A_362 : vector<1x1x16xf32> to vector<16xf32>
        %add3A_364 = arith.addf %add3A_300, %get3A_363 : vector<16xf32>
        %get3A_365 = arith.constant 0 : i32
        %get3A_366 = arith.index_cast %get3A_365 : i32 to index
        %get3A_367 = arith.index_cast %add3A_350 : i32 to index
        %get3A_368 = arith.constant 32 : index
        %get3A_369 = tpu.vector_load %arg10[%get3A_366, %get3A_367, %get3A_368] {strides = array<i32>} : memref<4x128x128xf32, #tpu.memory_space<vmem>>, vector<1x1x16xf32>,
        %get3A_370 = vector.shape_cast %get3A_369 : vector<1x1x16xf32> to vector<16xf32>
        %add3A_371 = arith.addf %add3A_307, %get3A_370 : vector<16xf32>
        %get3A_372 = arith.constant 0 : i32
        %get3A_373 = arith.index_cast %get3A_372 : i32 to index
        %get3A_374 = arith.index_cast %add3A_350 : i32 to index
        %get3A_375 = arith.constant 48 : index
        %get3A_376 = tpu.vector_load %arg10[%get3A_373, %get3A_374, %get3A_375] {strides = array<i32>} : memref<4x128x128xf32, #tpu.memory_space<vmem>>, vector<1x1x16xf32>,
        %get3A_377 = vector.shape_cast %get3A_376 : vector<1x1x16xf32> to vector<16xf32>
        %add3A_378 = arith.addf %add3A_314, %get3A_377 : vector<16xf32>
        scf.yield %add3A_325, %add3A_332, %add3A_339, %add3A_346, %add3A_357, %add3A_364, %add3A_371, %add3A_378 : vector<16xf32>, vector<16xf32>, vector<16xf32>, vector<16xf32>, vector<16xf32>, vector<16xf32>, vector<16xf32>, vector<16xf32>
      }
      %scan3A_162 = arith.constant 32 : i32
      %lt3A = arith.constant 19 : i32
      %lt3A_163 = arith.cmpi slt, %scan3A_134, %lt3A : i32
      %convert_element_type3A = arith.extui %lt3A_163 : i1 to i32
      %cond3A = arith.constant 0 : i32
      %cond3A_164 = arith.cmpi ne, %convert_element_type3A, %cond3A : i32
      scf.if %cond3A_164 {
        %add3A_243 = arith.constant 1 : i32
        %add3A_244 = arith.addi %scan3A_134, %add3A_243 : i32
        %mul3A_245 = arith.constant 4 : i32
        %mul3A_246 = arith.muli %add3A_244, %mul3A_245 : i32
        %add3A_247 = arith.constant 0 : i32
        %add3A_248 = arith.addi %mul3A_246, %add3A_247 : i32
        %mul3A_249 = arith.constant 128 : i32
        %mul3A_250 = arith.muli %add3A_248, %mul3A_249 : i32
        %dma_start3A_251 = arith.constant 0 : i32
        %dma_start3A_252 = arith.constant 0 : i32
        %dma_start3A_253 = arith.constant 0 : i32
        %dma_start3A_254 = tpu.memref_slice %arg10[%dma_start3A_251, %dma_start3A_252, %dma_start3A_253] : memref<4x128x128xf32, #tpu.memory_space<vmem>> -> memref<1x128x128xf32, #tpu.memory_space<vmem>>
        %dma_start3A_255 = tpu.memref_squeeze %dma_start3A_254 : memref<1x128x128xf32, #tpu.memory_space<vmem>> -> memref<128x128xf32, #tpu.memory_space<vmem>>
        %dma_start3A_256 = tpu.memref_slice %arg9[%mul3A_250] : memref<10240xi32, #tpu.memory_space<vmem>> -> memref<128xi32, #tpu.memory_space<vmem>>
        %dma_start3A_257 = arith.constant 0 : i32
        %dma_start3A_258 = arith.constant 0 : i32
        %dma_start3A_259 = tpu.memref_slice %arg5[%dma_start3A_257, %dma_start3A_258] : memref<1000000x128xf32, #tpu.memory_space<hbm>> -> memref<1000000x128xf32, #tpu.memory_space<hbm>>
        tpu.enqueue_indirect_dma source(%dma_start3A_259 : memref<1000000x128xf32, #tpu.memory_space<hbm>>) target(%dma_start3A_255 : memref<128x128xf32, #tpu.memory_space<vmem>>) offsets(%dma_start3A_256 : memref<128xi32, #tpu.memory_space<vmem>>) semaphore(%arg12 : memref<!tpu.dma_semaphore, #tpu.memory_space<semaphore_mem>>)
      } else {
      }
      %dma_wait3A_165 = arith.constant 1 : i32
      %dma_wait3A_166 = arith.constant 0 : i32
      %dma_wait3A_167 = arith.constant 0 : i32
      %dma_wait3A_168 = tpu.memref_slice %arg10[%dma_wait3A_165, %dma_wait3A_166, %dma_wait3A_167] : memref<4x128x128xf32, #tpu.memory_space<vmem>> -> memref<1x128x128xf32, #tpu.memory_space<vmem>>
      %dma_wait3A_169 = tpu.memref_squeeze %dma_wait3A_168 : memref<1x128x128xf32, #tpu.memory_space<vmem>> -> memref<128x128xf32, #tpu.memory_space<vmem>>
      %dma_wait3A_170 = arith.constant 0 : i32
      %dma_wait3A_171 = arith.constant 0 : i32
      %dma_wait3A_172 = tpu.memref_slice %arg5[%dma_wait3A_170, %dma_wait3A_171] : memref<1000000x128xf32, #tpu.memory_space<hbm>> -> memref<128x128xf32, #tpu.memory_space<hbm>>
      %dma_wait3A_173 = arith.constant 0 : i32
      %dma_wait3A_174 = arith.constant 0 : i32
      %dma_wait3A_175 = tpu.memref_slice %arg10[%dma_wait3A_165, %dma_wait3A_173, %dma_wait3A_174] : memref<4x128x128xf32, #tpu.memory_space<vmem>> -> memref<1x128x128xf32, #tpu.memory_space<vmem>>
      %dma_wait3A_176 = tpu.memref_squeeze %dma_wait3A_175 : memref<1x128x128xf32, #tpu.memory_space<vmem>> -> memref<128x128xf32, #tpu.memory_space<vmem>>
      %dma_wait3A_177 = arith.constant 0 : i32
      %dma_wait3A_178 = arith.constant 0 : i32
      %dma_wait3A_179 = tpu.memref_slice %arg5[%dma_wait3A_177, %dma_wait3A_178] : memref<1000000x128xf32, #tpu.memory_space<hbm>> -> memref<128x128xf32, #tpu.memory_space<hbm>>
      tpu.wait_dma2 semaphore(%arg13 : memref<!tpu.dma_semaphore, #tpu.memory_space<semaphore_mem>>) src(%dma_wait3A_179 : memref<128x128xf32, #tpu.memory_space<hbm>>) dst(%dma_wait3A_176 : memref<128x128xf32, #tpu.memory_space<vmem>>)
      %scan3A_180 = arith.constant 0 : i32
      %scan3A_181 = arith.constant 32 : i32
      %scan3A_182 = arith.addi %scan3A_180, %scan3A_181 : i32
      %scan3A_183 = arith.constant 1 : i32
      %scan3A_184:8 = scf.for %scan3A_243 = %scan3A_180 to %scan3A_182 step %scan3A_183 iter_args(%scan3A_244 = %scan3A_161#0, %scan3A_245 = %scan3A_161#1, %scan3A_246 = %scan3A_161#2, %scan3A_247 = %scan3A_161#3, %scan3A_248 = %scan3A_161#4, %scan3A_249 = %scan3A_161#5, %scan3A_250 = %scan3A_161#6, %scan3A_251 = %scan3A_161#7) -> (vector<16xf32>, vector<16xf32>, vector<16xf32>, vector<16xf32>, vector<16xf32>, vector<16xf32>, vector<16xf32>, vector<16xf32>)  : i32 {
        %mul3A_252 = arith.constant 4 : i32
        %mul3A_253 = arith.muli %scan3A_243, %mul3A_252 : i32
        %add3A_254 = arith.constant 0 : i32
        %add3A_255 = arith.addi %mul3A_253, %add3A_254 : i32
        %get3A = arith.constant 1 : i32
        %get3A_256 = arith.index_cast %get3A : i32 to index
        %get3A_257 = arith.index_cast %add3A_255 : i32 to index
        %get3A_258 = arith.constant 0 : index
        %get3A_259 = tpu.vector_load %arg10[%get3A_256, %get3A_257, %get3A_258] {strides = array<i32>} : memref<4x128x128xf32, #tpu.memory_space<vmem>>, vector<1x1x16xf32>,
        %get3A_260 = vector.shape_cast %get3A_259 : vector<1x1x16xf32> to vector<16xf32>
        %add3A_261 = arith.addf %scan3A_244, %get3A_260 : vector<16xf32>
        %get3A_262 = arith.constant 1 : i32
        %get3A_263 = arith.index_cast %get3A_262 : i32 to index
        %get3A_264 = arith.index_cast %add3A_255 : i32 to index
        %get3A_265 = arith.constant 16 : index
        %get3A_266 = tpu.vector_load %arg10[%get3A_263, %get3A_264, %get3A_265] {strides = array<i32>} : memref<4x128x128xf32, #tpu.memory_space<vmem>>, vector<1x1x16xf32>,
        %get3A_267 = vector.shape_cast %get3A_266 : vector<1x1x16xf32> to vector<16xf32>
        %add3A_268 = arith.addf %scan3A_245, %get3A_267 : vector<16xf32>
        %get3A_269 = arith.constant 1 : i32
        %get3A_270 = arith.index_cast %get3A_269 : i32 to index
        %get3A_271 = arith.index_cast %add3A_255 : i32 to index
        %get3A_272 = arith.constant 32 : index
        %get3A_273 = tpu.vector_load %arg10[%get3A_270, %get3A_271, %get3A_272] {strides = array<i32>} : memref<4x128x128xf32, #tpu.memory_space<vmem>>, vector<1x1x16xf32>,
        %get3A_274 = vector.shape_cast %get3A_273 : vector<1x1x16xf32> to vector<16xf32>
        %add3A_275 = arith.addf %scan3A_246, %get3A_274 : vector<16xf32>
        %get3A_276 = arith.constant 1 : i32
        %get3A_277 = arith.index_cast %get3A_276 : i32 to index
        %get3A_278 = arith.index_cast %add3A_255 : i32 to index
        %get3A_279 = arith.constant 48 : index
        %get3A_280 = tpu.vector_load %arg10[%get3A_277, %get3A_278, %get3A_279] {strides = array<i32>} : memref<4x128x128xf32, #tpu.memory_space<vmem>>, vector<1x1x16xf32>,
        %get3A_281 = vector.shape_cast %get3A_280 : vector<1x1x16xf32> to vector<16xf32>
        %add3A_282 = arith.addf %scan3A_247, %get3A_281 : vector<16xf32>
        %mul3A_283 = arith.constant 4 : i32
        %mul3A_284 = arith.muli %scan3A_243, %mul3A_283 : i32
        %add3A_285 = arith.constant 1 : i32
        %add3A_286 = arith.addi %mul3A_284, %add3A_285 : i32
        %get3A_287 = arith.constant 1 : i32
        %get3A_288 = arith.index_cast %get3A_287 : i32 to index
        %get3A_289 = arith.index_cast %add3A_286 : i32 to index
        %get3A_290 = arith.constant 0 : index
        %get3A_291 = tpu.vector_load %arg10[%get3A_288, %get3A_289, %get3A_290] {strides = array<i32>} : memref<4x128x128xf32, #tpu.memory_space<vmem>>, vector<1x1x16xf32>,
        %get3A_292 = vector.shape_cast %get3A_291 : vector<1x1x16xf32> to vector<16xf32>
        %add3A_293 = arith.addf %scan3A_248, %get3A_292 : vector<16xf32>
        %get3A_294 = arith.constant 1 : i32
        %get3A_295 = arith.index_cast %get3A_294 : i32 to index
        %get3A_296 = arith.index_cast %add3A_286 : i32 to index
        %get3A_297 = arith.constant 16 : index
        %get3A_298 = tpu.vector_load %arg10[%get3A_295, %get3A_296, %get3A_297] {strides = array<i32>} : memref<4x128x128xf32, #tpu.memory_space<vmem>>, vector<1x1x16xf32>,
        %get3A_299 = vector.shape_cast %get3A_298 : vector<1x1x16xf32> to vector<16xf32>
        %add3A_300 = arith.addf %scan3A_249, %get3A_299 : vector<16xf32>
        %get3A_301 = arith.constant 1 : i32
        %get3A_302 = arith.index_cast %get3A_301 : i32 to index
        %get3A_303 = arith.index_cast %add3A_286 : i32 to index
        %get3A_304 = arith.constant 32 : index
        %get3A_305 = tpu.vector_load %arg10[%get3A_302, %get3A_303, %get3A_304] {strides = array<i32>} : memref<4x128x128xf32, #tpu.memory_space<vmem>>, vector<1x1x16xf32>,
        %get3A_306 = vector.shape_cast %get3A_305 : vector<1x1x16xf32> to vector<16xf32>
        %add3A_307 = arith.addf %scan3A_250, %get3A_306 : vector<16xf32>
        %get3A_308 = arith.constant 1 : i32
        %get3A_309 = arith.index_cast %get3A_308 : i32 to index
        %get3A_310 = arith.index_cast %add3A_286 : i32 to index
        %get3A_311 = arith.constant 48 : index
        %get3A_312 = tpu.vector_load %arg10[%get3A_309, %get3A_310, %get3A_311] {strides = array<i32>} : memref<4x128x128xf32, #tpu.memory_space<vmem>>, vector<1x1x16xf32>,
        %get3A_313 = vector.shape_cast %get3A_312 : vector<1x1x16xf32> to vector<16xf32>
        %add3A_314 = arith.addf %scan3A_251, %get3A_313 : vector<16xf32>
        %mul3A_315 = arith.constant 4 : i32
        %mul3A_316 = arith.muli %scan3A_243, %mul3A_315 : i32
        %add3A_317 = arith.constant 2 : i32
        %add3A_318 = arith.addi %mul3A_316, %add3A_317 : i32
        %get3A_319 = arith.constant 1 : i32
        %get3A_320 = arith.index_cast %get3A_319 : i32 to index
        %get3A_321 = arith.index_cast %add3A_318 : i32 to index
        %get3A_322 = arith.constant 0 : index
        %get3A_323 = tpu.vector_load %arg10[%get3A_320, %get3A_321, %get3A_322] {strides = array<i32>} : memref<4x128x128xf32, #tpu.memory_space<vmem>>, vector<1x1x16xf32>,
        %get3A_324 = vector.shape_cast %get3A_323 : vector<1x1x16xf32> to vector<16xf32>
        %add3A_325 = arith.addf %add3A_261, %get3A_324 : vector<16xf32>
        %get3A_326 = arith.constant 1 : i32
        %get3A_327 = arith.index_cast %get3A_326 : i32 to index
        %get3A_328 = arith.index_cast %add3A_318 : i32 to index
        %get3A_329 = arith.constant 16 : index
        %get3A_330 = tpu.vector_load %arg10[%get3A_327, %get3A_328, %get3A_329] {strides = array<i32>} : memref<4x128x128xf32, #tpu.memory_space<vmem>>, vector<1x1x16xf32>,
        %get3A_331 = vector.shape_cast %get3A_330 : vector<1x1x16xf32> to vector<16xf32>
        %add3A_332 = arith.addf %add3A_268, %get3A_331 : vector<16xf32>
        %get3A_333 = arith.constant 1 : i32
        %get3A_334 = arith.index_cast %get3A_333 : i32 to index
        %get3A_335 = arith.index_cast %add3A_318 : i32 to index
        %get3A_336 = arith.constant 32 : index
        %get3A_337 = tpu.vector_load %arg10[%get3A_334, %get3A_335, %get3A_336] {strides = array<i32>} : memref<4x128x128xf32, #tpu.memory_space<vmem>>, vector<1x1x16xf32>,
        %get3A_338 = vector.shape_cast %get3A_337 : vector<1x1x16xf32> to vector<16xf32>
        %add3A_339 = arith.addf %add3A_275, %get3A_338 : vector<16xf32>
        %get3A_340 = arith.constant 1 : i32
        %get3A_341 = arith.index_cast %get3A_340 : i32 to index
        %get3A_342 = arith.index_cast %add3A_318 : i32 to index
        %get3A_343 = arith.constant 48 : index
        %get3A_344 = tpu.vector_load %arg10[%get3A_341, %get3A_342, %get3A_343] {strides = array<i32>} : memref<4x128x128xf32, #tpu.memory_space<vmem>>, vector<1x1x16xf32>,
        %get3A_345 = vector.shape_cast %get3A_344 : vector<1x1x16xf32> to vector<16xf32>
        %add3A_346 = arith.addf %add3A_282, %get3A_345 : vector<16xf32>
        %mul3A_347 = arith.constant 4 : i32
        %mul3A_348 = arith.muli %scan3A_243, %mul3A_347 : i32
        %add3A_349 = arith.constant 3 : i32
        %add3A_350 = arith.addi %mul3A_348, %add3A_349 : i32
        %get3A_351 = arith.constant 1 : i32
        %get3A_352 = arith.index_cast %get3A_351 : i32 to index
        %get3A_353 = arith.index_cast %add3A_350 : i32 to index
        %get3A_354 = arith.constant 0 : index
        %get3A_355 = tpu.vector_load %arg10[%get3A_352, %get3A_353, %get3A_354] {strides = array<i32>} : memref<4x128x128xf32, #tpu.memory_space<vmem>>, vector<1x1x16xf32>,
        %get3A_356 = vector.shape_cast %get3A_355 : vector<1x1x16xf32> to vector<16xf32>
        %add3A_357 = arith.addf %add3A_293, %get3A_356 : vector<16xf32>
        %get3A_358 = arith.constant 1 : i32
        %get3A_359 = arith.index_cast %get3A_358 : i32 to index
        %get3A_360 = arith.index_cast %add3A_350 : i32 to index
        %get3A_361 = arith.constant 16 : index
        %get3A_362 = tpu.vector_load %arg10[%get3A_359, %get3A_360, %get3A_361] {strides = array<i32>} : memref<4x128x128xf32, #tpu.memory_space<vmem>>, vector<1x1x16xf32>,
        %get3A_363 = vector.shape_cast %get3A_362 : vector<1x1x16xf32> to vector<16xf32>
        %add3A_364 = arith.addf %add3A_300, %get3A_363 : vector<16xf32>
        %get3A_365 = arith.constant 1 : i32
        %get3A_366 = arith.index_cast %get3A_365 : i32 to index
        %get3A_367 = arith.index_cast %add3A_350 : i32 to index
        %get3A_368 = arith.constant 32 : index
        %get3A_369 = tpu.vector_load %arg10[%get3A_366, %get3A_367, %get3A_368] {strides = array<i32>} : memref<4x128x128xf32, #tpu.memory_space<vmem>>, vector<1x1x16xf32>,
        %get3A_370 = vector.shape_cast %get3A_369 : vector<1x1x16xf32> to vector<16xf32>
        %add3A_371 = arith.addf %add3A_307, %get3A_370 : vector<16xf32>
        %get3A_372 = arith.constant 1 : i32
        %get3A_373 = arith.index_cast %get3A_372 : i32 to index
        %get3A_374 = arith.index_cast %add3A_350 : i32 to index
        %get3A_375 = arith.constant 48 : index
        %get3A_376 = tpu.vector_load %arg10[%get3A_373, %get3A_374, %get3A_375] {strides = array<i32>} : memref<4x128x128xf32, #tpu.memory_space<vmem>>, vector<1x1x16xf32>,
        %get3A_377 = vector.shape_cast %get3A_376 : vector<1x1x16xf32> to vector<16xf32>
        %add3A_378 = arith.addf %add3A_314, %get3A_377 : vector<16xf32>
        scf.yield %add3A_325, %add3A_332, %add3A_339, %add3A_346, %add3A_357, %add3A_364, %add3A_371, %add3A_378 : vector<16xf32>, vector<16xf32>, vector<16xf32>, vector<16xf32>, vector<16xf32>, vector<16xf32>, vector<16xf32>, vector<16xf32>
      }
      %scan3A_185 = arith.constant 32 : i32
      %lt3A_186 = arith.constant 19 : i32
      %lt3A_187 = arith.cmpi slt, %scan3A_134, %lt3A_186 : i32
      %convert_element_type3A_188 = arith.extui %lt3A_187 : i1 to i32
      %cond3A_189 = arith.constant 0 : i32
      %cond3A_190 = arith.cmpi ne, %convert_element_type3A_188, %cond3A_189 : i32
      scf.if %cond3A_190 {
        %add3A_243 = arith.constant 1 : i32
        %add3A_244 = arith.addi %scan3A_134, %add3A_243 : i32
        %mul3A_245 = arith.constant 4 : i32
        %mul3A_246 = arith.muli %add3A_244, %mul3A_245 : i32
        %add3A_247 = arith.constant 1 : i32
        %add3A_248 = arith.addi %mul3A_246, %add3A_247 : i32
        %mul3A_249 = arith.constant 128 : i32
        %mul3A_250 = arith.muli %add3A_248, %mul3A_249 : i32
        %dma_start3A_251 = arith.constant 1 : i32
        %dma_start3A_252 = arith.constant 0 : i32
        %dma_start3A_253 = arith.constant 0 : i32
        %dma_start3A_254 = tpu.memref_slice %arg10[%dma_start3A_251, %dma_start3A_252, %dma_start3A_253] : memref<4x128x128xf32, #tpu.memory_space<vmem>> -> memref<1x128x128xf32, #tpu.memory_space<vmem>>
        %dma_start3A_255 = tpu.memref_squeeze %dma_start3A_254 : memref<1x128x128xf32, #tpu.memory_space<vmem>> -> memref<128x128xf32, #tpu.memory_space<vmem>>
        %dma_start3A_256 = tpu.memref_slice %arg9[%mul3A_250] : memref<10240xi32, #tpu.memory_space<vmem>> -> memref<128xi32, #tpu.memory_space<vmem>>
        %dma_start3A_257 = arith.constant 0 : i32
        %dma_start3A_258 = arith.constant 0 : i32
        %dma_start3A_259 = tpu.memref_slice %arg5[%dma_start3A_257, %dma_start3A_258] : memref<1000000x128xf32, #tpu.memory_space<hbm>> -> memref<1000000x128xf32, #tpu.memory_space<hbm>>
        tpu.enqueue_indirect_dma source(%dma_start3A_259 : memref<1000000x128xf32, #tpu.memory_space<hbm>>) target(%dma_start3A_255 : memref<128x128xf32, #tpu.memory_space<vmem>>) offsets(%dma_start3A_256 : memref<128xi32, #tpu.memory_space<vmem>>) semaphore(%arg13 : memref<!tpu.dma_semaphore, #tpu.memory_space<semaphore_mem>>)
      } else {
      }
      %dma_wait3A_191 = arith.constant 2 : i32
      %dma_wait3A_192 = arith.constant 0 : i32
      %dma_wait3A_193 = arith.constant 0 : i32
      %dma_wait3A_194 = tpu.memref_slice %arg10[%dma_wait3A_191, %dma_wait3A_192, %dma_wait3A_193] : memref<4x128x128xf32, #tpu.memory_space<vmem>> -> memref<1x128x128xf32, #tpu.memory_space<vmem>>
      %dma_wait3A_195 = tpu.memref_squeeze %dma_wait3A_194 : memref<1x128x128xf32, #tpu.memory_space<vmem>> -> memref<128x128xf32, #tpu.memory_space<vmem>>
      %dma_wait3A_196 = arith.constant 0 : i32
      %dma_wait3A_197 = arith.constant 0 : i32
      %dma_wait3A_198 = tpu.memref_slice %arg5[%dma_wait3A_196, %dma_wait3A_197] : memref<1000000x128xf32, #tpu.memory_space<hbm>> -> memref<128x128xf32, #tpu.memory_space<hbm>>
      %dma_wait3A_199 = arith.constant 0 : i32
      %dma_wait3A_200 = arith.constant 0 : i32
      %dma_wait3A_201 = tpu.memref_slice %arg10[%dma_wait3A_191, %dma_wait3A_199, %dma_wait3A_200] : memref<4x128x128xf32, #tpu.memory_space<vmem>> -> memref<1x128x128xf32, #tpu.memory_space<vmem>>
      %dma_wait3A_202 = tpu.memref_squeeze %dma_wait3A_201 : memref<1x128x128xf32, #tpu.memory_space<vmem>> -> memref<128x128xf32, #tpu.memory_space<vmem>>
      %dma_wait3A_203 = arith.constant 0 : i32
      %dma_wait3A_204 = arith.constant 0 : i32
      %dma_wait3A_205 = tpu.memref_slice %arg5[%dma_wait3A_203, %dma_wait3A_204] : memref<1000000x128xf32, #tpu.memory_space<hbm>> -> memref<128x128xf32, #tpu.memory_space<hbm>>
      tpu.wait_dma2 semaphore(%arg14 : memref<!tpu.dma_semaphore, #tpu.memory_space<semaphore_mem>>) src(%dma_wait3A_205 : memref<128x128xf32, #tpu.memory_space<hbm>>) dst(%dma_wait3A_202 : memref<128x128xf32, #tpu.memory_space<vmem>>)
      %scan3A_206 = arith.constant 0 : i32
      %scan3A_207 = arith.constant 32 : i32
      %scan3A_208 = arith.addi %scan3A_206, %scan3A_207 : i32
      %scan3A_209 = arith.constant 1 : i32
      %scan3A_210:8 = scf.for %scan3A_243 = %scan3A_206 to %scan3A_208 step %scan3A_209 iter_args(%scan3A_244 = %scan3A_184#0, %scan3A_245 = %scan3A_184#1, %scan3A_246 = %scan3A_184#2, %scan3A_247 = %scan3A_184#3, %scan3A_248 = %scan3A_184#4, %scan3A_249 = %scan3A_184#5, %scan3A_250 = %scan3A_184#6, %scan3A_251 = %scan3A_184#7) -> (vector<16xf32>, vector<16xf32>, vector<16xf32>, vector<16xf32>, vector<16xf32>, vector<16xf32>, vector<16xf32>, vector<16xf32>)  : i32 {
        %mul3A_252 = arith.constant 4 : i32
        %mul3A_253 = arith.muli %scan3A_243, %mul3A_252 : i32
        %add3A_254 = arith.constant 0 : i32
        %add3A_255 = arith.addi %mul3A_253, %add3A_254 : i32
        %get3A = arith.constant 2 : i32
        %get3A_256 = arith.index_cast %get3A : i32 to index
        %get3A_257 = arith.index_cast %add3A_255 : i32 to index
        %get3A_258 = arith.constant 0 : index
        %get3A_259 = tpu.vector_load %arg10[%get3A_256, %get3A_257, %get3A_258] {strides = array<i32>} : memref<4x128x128xf32, #tpu.memory_space<vmem>>, vector<1x1x16xf32>,
        %get3A_260 = vector.shape_cast %get3A_259 : vector<1x1x16xf32> to vector<16xf32>
        %add3A_261 = arith.addf %scan3A_244, %get3A_260 : vector<16xf32>
        %get3A_262 = arith.constant 2 : i32
        %get3A_263 = arith.index_cast %get3A_262 : i32 to index
        %get3A_264 = arith.index_cast %add3A_255 : i32 to index
        %get3A_265 = arith.constant 16 : index
        %get3A_266 = tpu.vector_load %arg10[%get3A_263, %get3A_264, %get3A_265] {strides = array<i32>} : memref<4x128x128xf32, #tpu.memory_space<vmem>>, vector<1x1x16xf32>,
        %get3A_267 = vector.shape_cast %get3A_266 : vector<1x1x16xf32> to vector<16xf32>
        %add3A_268 = arith.addf %scan3A_245, %get3A_267 : vector<16xf32>
        %get3A_269 = arith.constant 2 : i32
        %get3A_270 = arith.index_cast %get3A_269 : i32 to index
        %get3A_271 = arith.index_cast %add3A_255 : i32 to index
        %get3A_272 = arith.constant 32 : index
        %get3A_273 = tpu.vector_load %arg10[%get3A_270, %get3A_271, %get3A_272] {strides = array<i32>} : memref<4x128x128xf32, #tpu.memory_space<vmem>>, vector<1x1x16xf32>,
        %get3A_274 = vector.shape_cast %get3A_273 : vector<1x1x16xf32> to vector<16xf32>
        %add3A_275 = arith.addf %scan3A_246, %get3A_274 : vector<16xf32>
        %get3A_276 = arith.constant 2 : i32
        %get3A_277 = arith.index_cast %get3A_276 : i32 to index
        %get3A_278 = arith.index_cast %add3A_255 : i32 to index
        %get3A_279 = arith.constant 48 : index
        %get3A_280 = tpu.vector_load %arg10[%get3A_277, %get3A_278, %get3A_279] {strides = array<i32>} : memref<4x128x128xf32, #tpu.memory_space<vmem>>, vector<1x1x16xf32>,
        %get3A_281 = vector.shape_cast %get3A_280 : vector<1x1x16xf32> to vector<16xf32>
        %add3A_282 = arith.addf %scan3A_247, %get3A_281 : vector<16xf32>
        %mul3A_283 = arith.constant 4 : i32
        %mul3A_284 = arith.muli %scan3A_243, %mul3A_283 : i32
        %add3A_285 = arith.constant 1 : i32
        %add3A_286 = arith.addi %mul3A_284, %add3A_285 : i32
        %get3A_287 = arith.constant 2 : i32
        %get3A_288 = arith.index_cast %get3A_287 : i32 to index
        %get3A_289 = arith.index_cast %add3A_286 : i32 to index
        %get3A_290 = arith.constant 0 : index
        %get3A_291 = tpu.vector_load %arg10[%get3A_288, %get3A_289, %get3A_290] {strides = array<i32>} : memref<4x128x128xf32, #tpu.memory_space<vmem>>, vector<1x1x16xf32>,
        %get3A_292 = vector.shape_cast %get3A_291 : vector<1x1x16xf32> to vector<16xf32>
        %add3A_293 = arith.addf %scan3A_248, %get3A_292 : vector<16xf32>
        %get3A_294 = arith.constant 2 : i32
        %get3A_295 = arith.index_cast %get3A_294 : i32 to index
        %get3A_296 = arith.index_cast %add3A_286 : i32 to index
        %get3A_297 = arith.constant 16 : index
        %get3A_298 = tpu.vector_load %arg10[%get3A_295, %get3A_296, %get3A_297] {strides = array<i32>} : memref<4x128x128xf32, #tpu.memory_space<vmem>>, vector<1x1x16xf32>,
        %get3A_299 = vector.shape_cast %get3A_298 : vector<1x1x16xf32> to vector<16xf32>
        %add3A_300 = arith.addf %scan3A_249, %get3A_299 : vector<16xf32>
        %get3A_301 = arith.constant 2 : i32
        %get3A_302 = arith.index_cast %get3A_301 : i32 to index
        %get3A_303 = arith.index_cast %add3A_286 : i32 to index
        %get3A_304 = arith.constant 32 : index
        %get3A_305 = tpu.vector_load %arg10[%get3A_302, %get3A_303, %get3A_304] {strides = array<i32>} : memref<4x128x128xf32, #tpu.memory_space<vmem>>, vector<1x1x16xf32>,
        %get3A_306 = vector.shape_cast %get3A_305 : vector<1x1x16xf32> to vector<16xf32>
        %add3A_307 = arith.addf %scan3A_250, %get3A_306 : vector<16xf32>
        %get3A_308 = arith.constant 2 : i32
        %get3A_309 = arith.index_cast %get3A_308 : i32 to index
        %get3A_310 = arith.index_cast %add3A_286 : i32 to index
        %get3A_311 = arith.constant 48 : index
        %get3A_312 = tpu.vector_load %arg10[%get3A_309, %get3A_310, %get3A_311] {strides = array<i32>} : memref<4x128x128xf32, #tpu.memory_space<vmem>>, vector<1x1x16xf32>,
        %get3A_313 = vector.shape_cast %get3A_312 : vector<1x1x16xf32> to vector<16xf32>
        %add3A_314 = arith.addf %scan3A_251, %get3A_313 : vector<16xf32>
        %mul3A_315 = arith.constant 4 : i32
        %mul3A_316 = arith.muli %scan3A_243, %mul3A_315 : i32
        %add3A_317 = arith.constant 2 : i32
        %add3A_318 = arith.addi %mul3A_316, %add3A_317 : i32
        %get3A_319 = arith.constant 2 : i32
        %get3A_320 = arith.index_cast %get3A_319 : i32 to index
        %get3A_321 = arith.index_cast %add3A_318 : i32 to index
        %get3A_322 = arith.constant 0 : index
        %get3A_323 = tpu.vector_load %arg10[%get3A_320, %get3A_321, %get3A_322] {strides = array<i32>} : memref<4x128x128xf32, #tpu.memory_space<vmem>>, vector<1x1x16xf32>,
        %get3A_324 = vector.shape_cast %get3A_323 : vector<1x1x16xf32> to vector<16xf32>
        %add3A_325 = arith.addf %add3A_261, %get3A_324 : vector<16xf32>
        %get3A_326 = arith.constant 2 : i32
        %get3A_327 = arith.index_cast %get3A_326 : i32 to index
        %get3A_328 = arith.index_cast %add3A_318 : i32 to index
        %get3A_329 = arith.constant 16 : index
        %get3A_330 = tpu.vector_load %arg10[%get3A_327, %get3A_328, %get3A_329] {strides = array<i32>} : memref<4x128x128xf32, #tpu.memory_space<vmem>>, vector<1x1x16xf32>,
        %get3A_331 = vector.shape_cast %get3A_330 : vector<1x1x16xf32> to vector<16xf32>
        %add3A_332 = arith.addf %add3A_268, %get3A_331 : vector<16xf32>
        %get3A_333 = arith.constant 2 : i32
        %get3A_334 = arith.index_cast %get3A_333 : i32 to index
        %get3A_335 = arith.index_cast %add3A_318 : i32 to index
        %get3A_336 = arith.constant 32 : index
        %get3A_337 = tpu.vector_load %arg10[%get3A_334, %get3A_335, %get3A_336] {strides = array<i32>} : memref<4x128x128xf32, #tpu.memory_space<vmem>>, vector<1x1x16xf32>,
        %get3A_338 = vector.shape_cast %get3A_337 : vector<1x1x16xf32> to vector<16xf32>
        %add3A_339 = arith.addf %add3A_275, %get3A_338 : vector<16xf32>
        %get3A_340 = arith.constant 2 : i32
        %get3A_341 = arith.index_cast %get3A_340 : i32 to index
        %get3A_342 = arith.index_cast %add3A_318 : i32 to index
        %get3A_343 = arith.constant 48 : index
        %get3A_344 = tpu.vector_load %arg10[%get3A_341, %get3A_342, %get3A_343] {strides = array<i32>} : memref<4x128x128xf32, #tpu.memory_space<vmem>>, vector<1x1x16xf32>,
        %get3A_345 = vector.shape_cast %get3A_344 : vector<1x1x16xf32> to vector<16xf32>
        %add3A_346 = arith.addf %add3A_282, %get3A_345 : vector<16xf32>
        %mul3A_347 = arith.constant 4 : i32
        %mul3A_348 = arith.muli %scan3A_243, %mul3A_347 : i32
        %add3A_349 = arith.constant 3 : i32
        %add3A_350 = arith.addi %mul3A_348, %add3A_349 : i32
        %get3A_351 = arith.constant 2 : i32
        %get3A_352 = arith.index_cast %get3A_351 : i32 to index
        %get3A_353 = arith.index_cast %add3A_350 : i32 to index
        %get3A_354 = arith.constant 0 : index
        %get3A_355 = tpu.vector_load %arg10[%get3A_352, %get3A_353, %get3A_354] {strides = array<i32>} : memref<4x128x128xf32, #tpu.memory_space<vmem>>, vector<1x1x16xf32>,
        %get3A_356 = vector.shape_cast %get3A_355 : vector<1x1x16xf32> to vector<16xf32>
        %add3A_357 = arith.addf %add3A_293, %get3A_356 : vector<16xf32>
        %get3A_358 = arith.constant 2 : i32
        %get3A_359 = arith.index_cast %get3A_358 : i32 to index
        %get3A_360 = arith.index_cast %add3A_350 : i32 to index
        %get3A_361 = arith.constant 16 : index
        %get3A_362 = tpu.vector_load %arg10[%get3A_359, %get3A_360, %get3A_361] {strides = array<i32>} : memref<4x128x128xf32, #tpu.memory_space<vmem>>, vector<1x1x16xf32>,
        %get3A_363 = vector.shape_cast %get3A_362 : vector<1x1x16xf32> to vector<16xf32>
        %add3A_364 = arith.addf %add3A_300, %get3A_363 : vector<16xf32>
        %get3A_365 = arith.constant 2 : i32
        %get3A_366 = arith.index_cast %get3A_365 : i32 to index
        %get3A_367 = arith.index_cast %add3A_350 : i32 to index
        %get3A_368 = arith.constant 32 : index
        %get3A_369 = tpu.vector_load %arg10[%get3A_366, %get3A_367, %get3A_368] {strides = array<i32>} : memref<4x128x128xf32, #tpu.memory_space<vmem>>, vector<1x1x16xf32>,
        %get3A_370 = vector.shape_cast %get3A_369 : vector<1x1x16xf32> to vector<16xf32>
        %add3A_371 = arith.addf %add3A_307, %get3A_370 : vector<16xf32>
        %get3A_372 = arith.constant 2 : i32
        %get3A_373 = arith.index_cast %get3A_372 : i32 to index
        %get3A_374 = arith.index_cast %add3A_350 : i32 to index
        %get3A_375 = arith.constant 48 : index
        %get3A_376 = tpu.vector_load %arg10[%get3A_373, %get3A_374, %get3A_375] {strides = array<i32>} : memref<4x128x128xf32, #tpu.memory_space<vmem>>, vector<1x1x16xf32>,
        %get3A_377 = vector.shape_cast %get3A_376 : vector<1x1x16xf32> to vector<16xf32>
        %add3A_378 = arith.addf %add3A_314, %get3A_377 : vector<16xf32>
        scf.yield %add3A_325, %add3A_332, %add3A_339, %add3A_346, %add3A_357, %add3A_364, %add3A_371, %add3A_378 : vector<16xf32>, vector<16xf32>, vector<16xf32>, vector<16xf32>, vector<16xf32>, vector<16xf32>, vector<16xf32>, vector<16xf32>
      }
      %scan3A_211 = arith.constant 32 : i32
      %lt3A_212 = arith.constant 19 : i32
      %lt3A_213 = arith.cmpi slt, %scan3A_134, %lt3A_212 : i32
      %convert_element_type3A_214 = arith.extui %lt3A_213 : i1 to i32
      %cond3A_215 = arith.constant 0 : i32
      %cond3A_216 = arith.cmpi ne, %convert_element_type3A_214, %cond3A_215 : i32
      scf.if %cond3A_216 {
        %add3A_243 = arith.constant 1 : i32
        %add3A_244 = arith.addi %scan3A_134, %add3A_243 : i32
        %mul3A_245 = arith.constant 4 : i32
        %mul3A_246 = arith.muli %add3A_244, %mul3A_245 : i32
        %add3A_247 = arith.constant 2 : i32
        %add3A_248 = arith.addi %mul3A_246, %add3A_247 : i32
        %mul3A_249 = arith.constant 128 : i32
        %mul3A_250 = arith.muli %add3A_248, %mul3A_249 : i32
        %dma_start3A_251 = arith.constant 2 : i32
        %dma_start3A_252 = arith.constant 0 : i32
        %dma_start3A_253 = arith.constant 0 : i32
        %dma_start3A_254 = tpu.memref_slice %arg10[%dma_start3A_251, %dma_start3A_252, %dma_start3A_253] : memref<4x128x128xf32, #tpu.memory_space<vmem>> -> memref<1x128x128xf32, #tpu.memory_space<vmem>>
        %dma_start3A_255 = tpu.memref_squeeze %dma_start3A_254 : memref<1x128x128xf32, #tpu.memory_space<vmem>> -> memref<128x128xf32, #tpu.memory_space<vmem>>
        %dma_start3A_256 = tpu.memref_slice %arg9[%mul3A_250] : memref<10240xi32, #tpu.memory_space<vmem>> -> memref<128xi32, #tpu.memory_space<vmem>>
        %dma_start3A_257 = arith.constant 0 : i32
        %dma_start3A_258 = arith.constant 0 : i32
        %dma_start3A_259 = tpu.memref_slice %arg5[%dma_start3A_257, %dma_start3A_258] : memref<1000000x128xf32, #tpu.memory_space<hbm>> -> memref<1000000x128xf32, #tpu.memory_space<hbm>>
        tpu.enqueue_indirect_dma source(%dma_start3A_259 : memref<1000000x128xf32, #tpu.memory_space<hbm>>) target(%dma_start3A_255 : memref<128x128xf32, #tpu.memory_space<vmem>>) offsets(%dma_start3A_256 : memref<128xi32, #tpu.memory_space<vmem>>) semaphore(%arg14 : memref<!tpu.dma_semaphore, #tpu.memory_space<semaphore_mem>>)
      } else {
      }
      %dma_wait3A_217 = arith.constant 3 : i32
      %dma_wait3A_218 = arith.constant 0 : i32
      %dma_wait3A_219 = arith.constant 0 : i32
      %dma_wait3A_220 = tpu.memref_slice %arg10[%dma_wait3A_217, %dma_wait3A_218, %dma_wait3A_219] : memref<4x128x128xf32, #tpu.memory_space<vmem>> -> memref<1x128x128xf32, #tpu.memory_space<vmem>>
      %dma_wait3A_221 = tpu.memref_squeeze %dma_wait3A_220 : memref<1x128x128xf32, #tpu.memory_space<vmem>> -> memref<128x128xf32, #tpu.memory_space<vmem>>
      %dma_wait3A_222 = arith.constant 0 : i32
      %dma_wait3A_223 = arith.constant 0 : i32
      %dma_wait3A_224 = tpu.memref_slice %arg5[%dma_wait3A_222, %dma_wait3A_223] : memref<1000000x128xf32, #tpu.memory_space<hbm>> -> memref<128x128xf32, #tpu.memory_space<hbm>>
      %dma_wait3A_225 = arith.constant 0 : i32
      %dma_wait3A_226 = arith.constant 0 : i32
      %dma_wait3A_227 = tpu.memref_slice %arg10[%dma_wait3A_217, %dma_wait3A_225, %dma_wait3A_226] : memref<4x128x128xf32, #tpu.memory_space<vmem>> -> memref<1x128x128xf32, #tpu.memory_space<vmem>>
      %dma_wait3A_228 = tpu.memref_squeeze %dma_wait3A_227 : memref<1x128x128xf32, #tpu.memory_space<vmem>> -> memref<128x128xf32, #tpu.memory_space<vmem>>
      %dma_wait3A_229 = arith.constant 0 : i32
      %dma_wait3A_230 = arith.constant 0 : i32
      %dma_wait3A_231 = tpu.memref_slice %arg5[%dma_wait3A_229, %dma_wait3A_230] : memref<1000000x128xf32, #tpu.memory_space<hbm>> -> memref<128x128xf32, #tpu.memory_space<hbm>>
      tpu.wait_dma2 semaphore(%arg15 : memref<!tpu.dma_semaphore, #tpu.memory_space<semaphore_mem>>) src(%dma_wait3A_231 : memref<128x128xf32, #tpu.memory_space<hbm>>) dst(%dma_wait3A_228 : memref<128x128xf32, #tpu.memory_space<vmem>>)
      %scan3A_232 = arith.constant 0 : i32
      %scan3A_233 = arith.constant 32 : i32
      %scan3A_234 = arith.addi %scan3A_232, %scan3A_233 : i32
      %scan3A_235 = arith.constant 1 : i32
      %scan3A_236:8 = scf.for %scan3A_243 = %scan3A_232 to %scan3A_234 step %scan3A_235 iter_args(%scan3A_244 = %scan3A_210#0, %scan3A_245 = %scan3A_210#1, %scan3A_246 = %scan3A_210#2, %scan3A_247 = %scan3A_210#3, %scan3A_248 = %scan3A_210#4, %scan3A_249 = %scan3A_210#5, %scan3A_250 = %scan3A_210#6, %scan3A_251 = %scan3A_210#7) -> (vector<16xf32>, vector<16xf32>, vector<16xf32>, vector<16xf32>, vector<16xf32>, vector<16xf32>, vector<16xf32>, vector<16xf32>)  : i32 {
        %mul3A_252 = arith.constant 4 : i32
        %mul3A_253 = arith.muli %scan3A_243, %mul3A_252 : i32
        %add3A_254 = arith.constant 0 : i32
        %add3A_255 = arith.addi %mul3A_253, %add3A_254 : i32
        %get3A = arith.constant 3 : i32
        %get3A_256 = arith.index_cast %get3A : i32 to index
        %get3A_257 = arith.index_cast %add3A_255 : i32 to index
        %get3A_258 = arith.constant 0 : index
        %get3A_259 = tpu.vector_load %arg10[%get3A_256, %get3A_257, %get3A_258] {strides = array<i32>} : memref<4x128x128xf32, #tpu.memory_space<vmem>>, vector<1x1x16xf32>,
        %get3A_260 = vector.shape_cast %get3A_259 : vector<1x1x16xf32> to vector<16xf32>
        %add3A_261 = arith.addf %scan3A_244, %get3A_260 : vector<16xf32>
        %get3A_262 = arith.constant 3 : i32
        %get3A_263 = arith.index_cast %get3A_262 : i32 to index
        %get3A_264 = arith.index_cast %add3A_255 : i32 to index
        %get3A_265 = arith.constant 16 : index
        %get3A_266 = tpu.vector_load %arg10[%get3A_263, %get3A_264, %get3A_265] {strides = array<i32>} : memref<4x128x128xf32, #tpu.memory_space<vmem>>, vector<1x1x16xf32>,
        %get3A_267 = vector.shape_cast %get3A_266 : vector<1x1x16xf32> to vector<16xf32>
        %add3A_268 = arith.addf %scan3A_245, %get3A_267 : vector<16xf32>
        %get3A_269 = arith.constant 3 : i32
        %get3A_270 = arith.index_cast %get3A_269 : i32 to index
        %get3A_271 = arith.index_cast %add3A_255 : i32 to index
        %get3A_272 = arith.constant 32 : index
        %get3A_273 = tpu.vector_load %arg10[%get3A_270, %get3A_271, %get3A_272] {strides = array<i32>} : memref<4x128x128xf32, #tpu.memory_space<vmem>>, vector<1x1x16xf32>,
        %get3A_274 = vector.shape_cast %get3A_273 : vector<1x1x16xf32> to vector<16xf32>
        %add3A_275 = arith.addf %scan3A_246, %get3A_274 : vector<16xf32>
        %get3A_276 = arith.constant 3 : i32
        %get3A_277 = arith.index_cast %get3A_276 : i32 to index
        %get3A_278 = arith.index_cast %add3A_255 : i32 to index
        %get3A_279 = arith.constant 48 : index
        %get3A_280 = tpu.vector_load %arg10[%get3A_277, %get3A_278, %get3A_279] {strides = array<i32>} : memref<4x128x128xf32, #tpu.memory_space<vmem>>, vector<1x1x16xf32>,
        %get3A_281 = vector.shape_cast %get3A_280 : vector<1x1x16xf32> to vector<16xf32>
        %add3A_282 = arith.addf %scan3A_247, %get3A_281 : vector<16xf32>
        %mul3A_283 = arith.constant 4 : i32
        %mul3A_284 = arith.muli %scan3A_243, %mul3A_283 : i32
        %add3A_285 = arith.constant 1 : i32
        %add3A_286 = arith.addi %mul3A_284, %add3A_285 : i32
        %get3A_287 = arith.constant 3 : i32
        %get3A_288 = arith.index_cast %get3A_287 : i32 to index
        %get3A_289 = arith.index_cast %add3A_286 : i32 to index
        %get3A_290 = arith.constant 0 : index
        %get3A_291 = tpu.vector_load %arg10[%get3A_288, %get3A_289, %get3A_290] {strides = array<i32>} : memref<4x128x128xf32, #tpu.memory_space<vmem>>, vector<1x1x16xf32>,
        %get3A_292 = vector.shape_cast %get3A_291 : vector<1x1x16xf32> to vector<16xf32>
        %add3A_293 = arith.addf %scan3A_248, %get3A_292 : vector<16xf32>
        %get3A_294 = arith.constant 3 : i32
        %get3A_295 = arith.index_cast %get3A_294 : i32 to index
        %get3A_296 = arith.index_cast %add3A_286 : i32 to index
        %get3A_297 = arith.constant 16 : index
        %get3A_298 = tpu.vector_load %arg10[%get3A_295, %get3A_296, %get3A_297] {strides = array<i32>} : memref<4x128x128xf32, #tpu.memory_space<vmem>>, vector<1x1x16xf32>,
        %get3A_299 = vector.shape_cast %get3A_298 : vector<1x1x16xf32> to vector<16xf32>
        %add3A_300 = arith.addf %scan3A_249, %get3A_299 : vector<16xf32>
        %get3A_301 = arith.constant 3 : i32
        %get3A_302 = arith.index_cast %get3A_301 : i32 to index
        %get3A_303 = arith.index_cast %add3A_286 : i32 to index
        %get3A_304 = arith.constant 32 : index
        %get3A_305 = tpu.vector_load %arg10[%get3A_302, %get3A_303, %get3A_304] {strides = array<i32>} : memref<4x128x128xf32, #tpu.memory_space<vmem>>, vector<1x1x16xf32>,
        %get3A_306 = vector.shape_cast %get3A_305 : vector<1x1x16xf32> to vector<16xf32>
        %add3A_307 = arith.addf %scan3A_250, %get3A_306 : vector<16xf32>
        %get3A_308 = arith.constant 3 : i32
        %get3A_309 = arith.index_cast %get3A_308 : i32 to index
        %get3A_310 = arith.index_cast %add3A_286 : i32 to index
        %get3A_311 = arith.constant 48 : index
        %get3A_312 = tpu.vector_load %arg10[%get3A_309, %get3A_310, %get3A_311] {strides = array<i32>} : memref<4x128x128xf32, #tpu.memory_space<vmem>>, vector<1x1x16xf32>,
        %get3A_313 = vector.shape_cast %get3A_312 : vector<1x1x16xf32> to vector<16xf32>
        %add3A_314 = arith.addf %scan3A_251, %get3A_313 : vector<16xf32>
        %mul3A_315 = arith.constant 4 : i32
        %mul3A_316 = arith.muli %scan3A_243, %mul3A_315 : i32
        %add3A_317 = arith.constant 2 : i32
        %add3A_318 = arith.addi %mul3A_316, %add3A_317 : i32
        %get3A_319 = arith.constant 3 : i32
        %get3A_320 = arith.index_cast %get3A_319 : i32 to index
        %get3A_321 = arith.index_cast %add3A_318 : i32 to index
        %get3A_322 = arith.constant 0 : index
        %get3A_323 = tpu.vector_load %arg10[%get3A_320, %get3A_321, %get3A_322] {strides = array<i32>} : memref<4x128x128xf32, #tpu.memory_space<vmem>>, vector<1x1x16xf32>,
        %get3A_324 = vector.shape_cast %get3A_323 : vector<1x1x16xf32> to vector<16xf32>
        %add3A_325 = arith.addf %add3A_261, %get3A_324 : vector<16xf32>
        %get3A_326 = arith.constant 3 : i32
        %get3A_327 = arith.index_cast %get3A_326 : i32 to index
        %get3A_328 = arith.index_cast %add3A_318 : i32 to index
        %get3A_329 = arith.constant 16 : index
        %get3A_330 = tpu.vector_load %arg10[%get3A_327, %get3A_328, %get3A_329] {strides = array<i32>} : memref<4x128x128xf32, #tpu.memory_space<vmem>>, vector<1x1x16xf32>,
        %get3A_331 = vector.shape_cast %get3A_330 : vector<1x1x16xf32> to vector<16xf32>
        %add3A_332 = arith.addf %add3A_268, %get3A_331 : vector<16xf32>
        %get3A_333 = arith.constant 3 : i32
        %get3A_334 = arith.index_cast %get3A_333 : i32 to index
        %get3A_335 = arith.index_cast %add3A_318 : i32 to index
        %get3A_336 = arith.constant 32 : index
        %get3A_337 = tpu.vector_load %arg10[%get3A_334, %get3A_335, %get3A_336] {strides = array<i32>} : memref<4x128x128xf32, #tpu.memory_space<vmem>>, vector<1x1x16xf32>,
        %get3A_338 = vector.shape_cast %get3A_337 : vector<1x1x16xf32> to vector<16xf32>
        %add3A_339 = arith.addf %add3A_275, %get3A_338 : vector<16xf32>
        %get3A_340 = arith.constant 3 : i32
        %get3A_341 = arith.index_cast %get3A_340 : i32 to index
        %get3A_342 = arith.index_cast %add3A_318 : i32 to index
        %get3A_343 = arith.constant 48 : index
        %get3A_344 = tpu.vector_load %arg10[%get3A_341, %get3A_342, %get3A_343] {strides = array<i32>} : memref<4x128x128xf32, #tpu.memory_space<vmem>>, vector<1x1x16xf32>,
        %get3A_345 = vector.shape_cast %get3A_344 : vector<1x1x16xf32> to vector<16xf32>
        %add3A_346 = arith.addf %add3A_282, %get3A_345 : vector<16xf32>
        %mul3A_347 = arith.constant 4 : i32
        %mul3A_348 = arith.muli %scan3A_243, %mul3A_347 : i32
        %add3A_349 = arith.constant 3 : i32
        %add3A_350 = arith.addi %mul3A_348, %add3A_349 : i32
        %get3A_351 = arith.constant 3 : i32
        %get3A_352 = arith.index_cast %get3A_351 : i32 to index
        %get3A_353 = arith.index_cast %add3A_350 : i32 to index
        %get3A_354 = arith.constant 0 : index
        %get3A_355 = tpu.vector_load %arg10[%get3A_352, %get3A_353, %get3A_354] {strides = array<i32>} : memref<4x128x128xf32, #tpu.memory_space<vmem>>, vector<1x1x16xf32>,
        %get3A_356 = vector.shape_cast %get3A_355 : vector<1x1x16xf32> to vector<16xf32>
        %add3A_357 = arith.addf %add3A_293, %get3A_356 : vector<16xf32>
        %get3A_358 = arith.constant 3 : i32
        %get3A_359 = arith.index_cast %get3A_358 : i32 to index
        %get3A_360 = arith.index_cast %add3A_350 : i32 to index
        %get3A_361 = arith.constant 16 : index
        %get3A_362 = tpu.vector_load %arg10[%get3A_359, %get3A_360, %get3A_361] {strides = array<i32>} : memref<4x128x128xf32, #tpu.memory_space<vmem>>, vector<1x1x16xf32>,
        %get3A_363 = vector.shape_cast %get3A_362 : vector<1x1x16xf32> to vector<16xf32>
        %add3A_364 = arith.addf %add3A_300, %get3A_363 : vector<16xf32>
        %get3A_365 = arith.constant 3 : i32
        %get3A_366 = arith.index_cast %get3A_365 : i32 to index
        %get3A_367 = arith.index_cast %add3A_350 : i32 to index
        %get3A_368 = arith.constant 32 : index
        %get3A_369 = tpu.vector_load %arg10[%get3A_366, %get3A_367, %get3A_368] {strides = array<i32>} : memref<4x128x128xf32, #tpu.memory_space<vmem>>, vector<1x1x16xf32>,
        %get3A_370 = vector.shape_cast %get3A_369 : vector<1x1x16xf32> to vector<16xf32>
        %add3A_371 = arith.addf %add3A_307, %get3A_370 : vector<16xf32>
        %get3A_372 = arith.constant 3 : i32
        %get3A_373 = arith.index_cast %get3A_372 : i32 to index
        %get3A_374 = arith.index_cast %add3A_350 : i32 to index
        %get3A_375 = arith.constant 48 : index
        %get3A_376 = tpu.vector_load %arg10[%get3A_373, %get3A_374, %get3A_375] {strides = array<i32>} : memref<4x128x128xf32, #tpu.memory_space<vmem>>, vector<1x1x16xf32>,
        %get3A_377 = vector.shape_cast %get3A_376 : vector<1x1x16xf32> to vector<16xf32>
        %add3A_378 = arith.addf %add3A_314, %get3A_377 : vector<16xf32>
        scf.yield %add3A_325, %add3A_332, %add3A_339, %add3A_346, %add3A_357, %add3A_364, %add3A_371, %add3A_378 : vector<16xf32>, vector<16xf32>, vector<16xf32>, vector<16xf32>, vector<16xf32>, vector<16xf32>, vector<16xf32>, vector<16xf32>
      }
      %scan3A_237 = arith.constant 32 : i32
      %lt3A_238 = arith.constant 19 : i32
      %lt3A_239 = arith.cmpi slt, %scan3A_134, %lt3A_238 : i32
      %convert_element_type3A_240 = arith.extui %lt3A_239 : i1 to i32
      %cond3A_241 = arith.constant 0 : i32
      %cond3A_242 = arith.cmpi ne, %convert_element_type3A_240, %cond3A_241 : i32
      scf.if %cond3A_242 {
        %add3A_243 = arith.constant 1 : i32
        %add3A_244 = arith.addi %scan3A_134, %add3A_243 : i32
        %mul3A_245 = arith.constant 4 : i32
        %mul3A_246 = arith.muli %add3A_244, %mul3A_245 : i32
        %add3A_247 = arith.constant 3 : i32
        %add3A_248 = arith.addi %mul3A_246, %add3A_247 : i32
        %mul3A_249 = arith.constant 128 : i32
        %mul3A_250 = arith.muli %add3A_248, %mul3A_249 : i32
        %dma_start3A_251 = arith.constant 3 : i32
        %dma_start3A_252 = arith.constant 0 : i32
        %dma_start3A_253 = arith.constant 0 : i32
        %dma_start3A_254 = tpu.memref_slice %arg10[%dma_start3A_251, %dma_start3A_252, %dma_start3A_253] : memref<4x128x128xf32, #tpu.memory_space<vmem>> -> memref<1x128x128xf32, #tpu.memory_space<vmem>>
        %dma_start3A_255 = tpu.memref_squeeze %dma_start3A_254 : memref<1x128x128xf32, #tpu.memory_space<vmem>> -> memref<128x128xf32, #tpu.memory_space<vmem>>
        %dma_start3A_256 = tpu.memref_slice %arg9[%mul3A_250] : memref<10240xi32, #tpu.memory_space<vmem>> -> memref<128xi32, #tpu.memory_space<vmem>>
        %dma_start3A_257 = arith.constant 0 : i32
        %dma_start3A_258 = arith.constant 0 : i32
        %dma_start3A_259 = tpu.memref_slice %arg5[%dma_start3A_257, %dma_start3A_258] : memref<1000000x128xf32, #tpu.memory_space<hbm>> -> memref<1000000x128xf32, #tpu.memory_space<hbm>>
        tpu.enqueue_indirect_dma source(%dma_start3A_259 : memref<1000000x128xf32, #tpu.memory_space<hbm>>) target(%dma_start3A_255 : memref<128x128xf32, #tpu.memory_space<vmem>>) offsets(%dma_start3A_256 : memref<128xi32, #tpu.memory_space<vmem>>) semaphore(%arg15 : memref<!tpu.dma_semaphore, #tpu.memory_space<semaphore_mem>>)
      } else {
      }
      scf.yield %scan3A_236#0, %scan3A_236#1, %scan3A_236#2, %scan3A_236#3, %scan3A_236#4, %scan3A_236#5, %scan3A_236#6, %scan3A_236#7 : vector<16xf32>, vector<16xf32>, vector<16xf32>, vector<16xf32>, vector<16xf32>, vector<16xf32>, vector<16xf32>, vector<16xf32>
    }
    %scan3A_123 = arith.constant 20 : i32
    %add3A_124 = arith.addf %scan3A_122#0, %scan3A_122#1 : vector<16xf32>
    %add3A_125 = arith.addf %add3A_124, %scan3A_122#2 : vector<16xf32>
    %add3A_126 = arith.addf %add3A_125, %scan3A_122#3 : vector<16xf32>
    %add3A_127 = arith.addf %add3A_126, %scan3A_122#4 : vector<16xf32>
    %add3A_128 = arith.addf %add3A_127, %scan3A_122#5 : vector<16xf32>
    %add3A_129 = arith.addf %add3A_128, %scan3A_122#6 : vector<16xf32>
    %add3A_130 = arith.addf %add3A_129, %scan3A_122#7 : vector<16xf32>
    %swap3A = arith.constant 0 : index
    %swap3A_131 = tpu.vector_load %arg11[%swap3A] {strides = array<i32>} : memref<16xf32, #tpu.memory_space<vmem>>, vector<16xf32>,
    %swap3A_132 = vector.shape_cast %swap3A_131 : vector<16xf32> to vector<16xf32>
    %swap3A_133 = vector.shape_cast %add3A_130 : vector<16xf32> to vector<16xf32>
    tpu.vector_store %arg11[%swap3A], %swap3A_133 {strides = array<i32>} : memref<16xf32, #tpu.memory_space<vmem>>, vector<16xf32>,
    "tpu.region"() ({
      %run_scoped3A = tpu.sem_alloc : memref<!tpu.dma_semaphore, #tpu.memory_space<semaphore_mem>>
      %dma_start3A_134 = arith.constant 0 : i32
      %dma_start3A_135 = tpu.memref_slice %arg8[%add3A, %dma_start3A_134] : memref<32x16xf32, #tpu.memory_space<hbm>> -> memref<1x16xf32, #tpu.memory_space<hbm>>
      %dma_start3A_136 = tpu.memref_squeeze %dma_start3A_135 : memref<1x16xf32, #tpu.memory_space<hbm>> -> memref<16xf32, #tpu.memory_space<hbm>>
      %dma_start3A_137 = arith.constant 0 : i32
      %dma_start3A_138 = tpu.memref_slice %arg8[%add3A, %dma_start3A_137] : memref<32x16xf32, #tpu.memory_space<hbm>> -> memref<1x16xf32, #tpu.memory_space<hbm>>
      %dma_start3A_139 = tpu.memref_squeeze %dma_start3A_138 : memref<1x16xf32, #tpu.memory_space<hbm>> -> memref<16xf32, #tpu.memory_space<hbm>>
      tpu.enqueue_dma source(%arg11 : memref<16xf32, #tpu.memory_space<vmem>>) target(%dma_start3A_139 : memref<16xf32, #tpu.memory_space<hbm>>) target_semaphore(%run_scoped3A : memref<!tpu.dma_semaphore, #tpu.memory_space<semaphore_mem>>)
      %dma_wait3A = arith.constant 0 : i32
      %dma_wait3A_140 = tpu.memref_slice %arg8[%add3A, %dma_wait3A] : memref<32x16xf32, #tpu.memory_space<hbm>> -> memref<1x16xf32, #tpu.memory_space<hbm>>
      %dma_wait3A_141 = tpu.memref_squeeze %dma_wait3A_140 : memref<1x16xf32, #tpu.memory_space<hbm>> -> memref<16xf32, #tpu.memory_space<hbm>>
      %dma_wait3A_142 = arith.constant 0 : i32
      %dma_wait3A_143 = tpu.memref_slice %arg8[%add3A, %dma_wait3A_142] : memref<32x16xf32, #tpu.memory_space<hbm>> -> memref<1x16xf32, #tpu.memory_space<hbm>>
      %dma_wait3A_144 = tpu.memref_squeeze %dma_wait3A_143 : memref<1x16xf32, #tpu.memory_space<hbm>> -> memref<16xf32, #tpu.memory_space<hbm>>
      tpu.wait_dma2 semaphore(%run_scoped3A : memref<!tpu.dma_semaphore, #tpu.memory_space<semaphore_mem>>) src(%arg11 : memref<16xf32, #tpu.memory_space<vmem>>) dst(%dma_wait3A_144 : memref<16xf32, #tpu.memory_space<hbm>>)
      tpu.yield
    }) : () -> ()
    return
  }
}

</mosaic_0001>

<sc_bundles>
// kernel: kernel.3.cloned.1.call-start
scs
__scs_entry_jumppad:
0x0: {  	(pc) =	sbr.rel $0x88, $3  }
0x1: {  	(tag) =	ssettag $0x0;
	lr =	simm.s32 $0x1  }
0x2: {  	[smem:$0x3F9D] =	sst lr;
	_ =	strace $0xD0000000  }
0x3: {  	_ = 	snop  }
0x4: {  	_ = 	snop  }
0x5: {  	_ = 	snop  }
0x6: {  	_ = 	snop  }
0x7: {  	_ = 	snop  }
__scs_overlays_trampoline_lowered:
0x8: {  	[smem:$0x3FAC] =	sst s0  }
0x9: {  	[smem:$0x3FAD] =	sst s1  }
0xa: {  	[smem:$0x3FAE] =	sst s2  }
0xb: {  	[smem:$0x3FAF] =	sst s3  }
0xc: {  	[smem:$0x3FB0] =	sst s4  }
0xd: {  	[smem:$0x3FB1] =	sst s5  }
0xe: {  	[smem:$0x3FB2] =	sst s6  }
0xf: {  	[smem:$0x3FB3] =	sst s7  }
0x10: {  	[smem:$0x3FB4] =	sst s8  }
0x11: {  	[smem:$0x3FB5] =	sst s9;
	s0 =	simm.s32 @!p0 $0x0  }
0x12: {  	s1 =	sld [smem:$0x3F9B];
	s0 =	simm.s32 @p0 $0x1  }
0x13: {  	[smem:$0x3FB6] =	sst s0;
	s0 =	simm.s32 @!p1 $0x0  }
0x14: {  	s2 =	sld [smem:$0x3F9A];
	s0 =	simm.s32 @p1 $0x1  }
0x15: {  	[smem:$0x3FB7] =	sst s0;
	s0 =	simm.s32 @!p2 $0x0  }
0x16: {  	s3 =	sld [smem:$0x3FDB];
	s0 =	simm.s32 @p2 $0x1  }
0x17: {  	s4 =	simm.s32 $0x1BF5;
	[smem:$0x3FB9] =	sst s0  }
0x18: {  	s0 =	sld [smem:$0x3F9C];
	_ =	swait.ge [sflag:s4], $0x0  }
0x19: {  	s7 =	sld [smem:$0x3F9D]  }
0x1a: {  	s8 =	sadd.s32 $0xFFFFE003, lr  }
0x1b: {  	s9 =	sadd.s32 $0xFFFFFEF7, lr;
	s5 =	simm.s32 $0xFFFFFFFF;
	p2 =	slt.u32 s8, $0xFFFFF086  }
0x1c: {  	p1 =	slt.u32 s9, $0xF7A;
	s5 =	simm.s32 @!p2 $0x0  }
0x1d: {  	s5 =	simm.s32 @p1 $0x1;
	p0 =	seq.s32 s7, s2  }
0x1e: {  	s7 =	smul.u32 @!p0 $0xF7A, s2;
	p2 =	seq.s32 @!p0 s5, $0x0  }
0x1f: {  	s9 =	smul.u32 $0xF7A, s1;
	s8 =	simm.s32 @!p0 $0x1BF5;
	p2 =	por !p2, p0  }
0x20: {  	[sflag:s8] =	ssyncset.s32 @!p0 $0xFFFFF086;
	s6 =	sadd.s32 @!p0 s3, s7;
	s7 =	simm.s32 @!p0 $0x108  }
0x21: {  	s3 =	sadd.s32 s3, s9;
	s6 =	sadd.s32 @!p0 $0x88, s6;
	s7 =	simm.s32 @p2 $0x1082  }
0x22: {  	[simem:s7], [sflag:s8] =	dma.local @!p0 [hbm:s6], $0xF7A  }
0x23: {  	s9 =	sor.u32 $0xD0000000, s2;
	s6 =	simm.s32 $0x108;
	_ =	swait.ge @!p0 [sflag:s8], $0x0  }
0x24: {  	s3 =	sadd.s32 $0x88, s3;
	s6 =	simm.s32 @!p1 $0x1082;
	[sflag:s4] =	ssyncset.s32 $0xFFFFF086  }
0x25: {  	[simem:s6], [sflag:s4] =	dma.local [hbm:s3], $0xF7A  }
0x26: {  	[smem:$0x3F9D] =	sst s1;
	(tag) =	ssettag s2;
	_ =	strace s9  }
0x27: {  	s1 =	sld [smem:$0x3FAD]  }
0x28: {  	s2 =	sld [smem:$0x3FAE]  }
0x29: {  	s4 =	sld [smem:$0x3FB0]  }
0x2a: {  	p0 =	seq.s32 s5, $0x0;
	s5 =	sld [smem:$0x3FB1]  }
0x2b: {  	s6 =	sld [smem:$0x3FB2]  }
0x2c: {  	s7 =	sld [smem:$0x3FB3]  }
0x2d: {  	s3 =	simm.s32 $0x108;
	s8 =	sld [smem:$0x3FB4]  }
0x2e: {  	s3 =	simm.s32 @!p0 $0x1082;
	s9 =	sld [smem:$0x3FB5]  }
0x2f: {  	lr =	sadd.s32 s0, s3;
	s0 =	sld [smem:$0x3FAC]  }
0x30: {  	s3 =	sld [smem:$0x3FAF]  }
0x31: {  	[smem:$0x3FB8] =	sst s10  }
0x32: {  	s10 =	sld [smem:$0x3FB6];
	_ =	sdelay $0x3  }
0x33: {  	p0 =	seq.s32 s10, $0x1;
	s10 =	sld [smem:$0x3FB8];
	_ =	sdelay $0x3  }
0x34: {  	[smem:$0x3FB8] =	sst s10  }
0x35: {  	s10 =	sld [smem:$0x3FB7];
	_ =	sdelay $0x3  }
0x36: {  	p1 =	seq.s32 s10, $0x1;
	s10 =	sld [smem:$0x3FB8];
	_ =	sdelay $0x3  }
0x37: {  	[smem:$0x3FB8] =	sst s10  }
0x38: {  	s10 =	sld [smem:$0x3FB9]  }
0x39: {  	_ = 	snop;
	(pc) =	sbr.ind lr, $3  }
0x3a: {  	_ = 	snop  }
0x3b: {  	_ = 	snop  }
0x3c: {  	p2 =	seq.s32 s10, $0x1;
	s10 =	sld [smem:$0x3FB8]  }
0x3d: {  	_ =	shalt  }
0x3e: {  	_ =	shalt  }
0x3f: {  	_ =	shalt  }
0x40: {  	_ =	shalt  }
0x41: {  	_ =	shalt  }
0x42: {  	_ =	shalt  }
0x43: {  	_ =	shalt  }
0x44: {  	_ =	shalt  }
0x45: {  	_ =	shalt  }
0x46: {  	_ =	shalt  }
0x47: {  	_ =	shalt  }
0x48: {  	_ =	shalt  }
0x49: {  	_ =	shalt  }
0x4a: {  	_ =	shalt  }
0x4b: {  	_ =	shalt  }
0x4c: {  	_ =	shalt  }
0x4d: {  	_ =	shalt  }
0x4e: {  	_ =	shalt  }
0x4f: {  	_ =	shalt  }
0x50: {  	_ =	shalt  }
0x51: {  	_ =	shalt  }
0x52: {  	_ =	shalt  }
0x53: {  	_ =	shalt  }
0x54: {  	_ =	shalt  }
0x55: {  	_ =	shalt  }
0x56: {  	_ =	shalt  }
0x57: {  	_ =	shalt  }
0x58: {  	_ =	shalt  }
0x59: {  	_ =	shalt  }
0x5a: {  	_ =	shalt  }
0x5b: {  	_ =	shalt  }
0x5c: {  	_ =	shalt  }
0x5d: {  	_ =	shalt  }
0x5e: {  	_ =	shalt  }
0x5f: {  	_ =	shalt  }
0x60: {  	_ =	shalt  }
0x61: {  	_ =	shalt  }
0x62: {  	_ =	shalt  }
0x63: {  	_ =	shalt  }
0x64: {  	_ =	shalt  }
0x65: {  	_ =	shalt  }
0x66: {  	_ =	shalt  }
0x67: {  	_ =	shalt  }
0x68: {  	_ =	shalt  }
0x69: {  	_ =	shalt  }
0x6a: {  	_ =	shalt  }
0x6b: {  	_ =	shalt  }
0x6c: {  	_ =	shalt  }
0x6d: {  	_ =	shalt  }
0x6e: {  	_ =	shalt  }
0x6f: {  	_ =	shalt  }
0x70: {  	_ =	shalt  }
0x71: {  	_ =	shalt  }
0x72: {  	_ =	shalt  }
0x73: {  	_ =	shalt  }
0x74: {  	_ =	shalt  }
0x75: {  	_ =	shalt  }
0x76: {  	_ =	shalt  }
0x77: {  	_ =	shalt  }
0x78: {  	_ =	shalt  }
0x79: {  	_ =	shalt  }
0x7a: {  	_ =	shalt  }
0x7b: {  	_ =	shalt  }
0x7c: {  	_ =	shalt  }
0x7d: {  	_ =	shalt  }
0x7e: {  	_ =	shalt  }
0x7f: {  	_ =	shalt  }
0x80: {  	_ =	shalt  }
0x81: {  	_ =	shalt  }
0x82: {  	_ =	shalt  }
0x83: {  	_ =	shalt  }
0x84: {  	_ =	shalt  }
0x85: {  	_ =	shalt  }
0x86: {  	_ =	shalt  }
0x87: {  	_ =	shalt  }
.Lfunc_end0:
.L_simem_size_0:
called_computation_lowered:
.L_overlay_start_0:
0x88: {  	s2 =	sld [smem:$0x3FD9]  }
0x89: {  	s3 =	sld [smem:$0x3FFE];
	_ =	sdelay $0x1  }
0x8a: {  	s1 =	srdreg.scid  }
0x8b: {  	s0 =	sand.u32 $0x1, s1  }
0x8c: {  	s14 =	sshll.u32 s0, $0xA;
	s2 =	sadd.s32 s3, s2  }
0x8d: {  	s2 =	sadd.s32 s2, s14  }
0x8e: {  	[smem:$0x3FC4] =	sst s2  }
0x8f: {  	_ = 	snop  }
0x90: {  	s2 =	sld [smem:$0x3FD0];
	_ =	sdelay $0x1  }
0x91: {  	s15 =	sld [smem:$0x3FC9]  }
0x92: {  	s5 =	simm.s32 $0xA;
	s6 =	simm.s32 $0x10;
	s4 =	sld [smem:$0x3FC8]  }
0x93: {  	[smem:s6], [sflag:s5] =	dma.local [hbm:s2], $0x1  }
0x94: {  	_ =	swait.eq [sflag:s5], $0x1  }
0x95: {  	[sflag:s5] =	ssyncset.done $0x0  }
0x96: {  	s16 =	sld [smem:$0x11];
	[sflag:s5] =	ssyncadd.s32 $0xFFFFFFFF  }
0x97: {  	s17 =	sld [smem:$0x12];
	(tm) =	ssettm $0x1  }
0x98: {  	s18 =	sld [smem:$0x3FFB];
	_ =	sdelay $0x3  }
0x99: {  	_ =	strace s18  }
0x9a: {  	s6 =	sld [smem:$0x3FFC];
	_ =	sdelay $0x3  }
0x9b: {  	_ =	strace s6  }
0x9c: {  	s6 =	sld [smem:$0x3FFD];
	_ =	sdelay $0x3  }
0x9d: {  	_ =	strace s6  }
0x9e: {  	_ =	strace $0x8FFFFFFF  }
0x9f: {  	s19 =	sld [smem:$0x3FDB];
	_ =	sdelay $0x1  }
0xa0: {  	s7 =	simm.s32 $_scs_section_size  }
0xa1: {  	s8 =	simm.s32 $_size__tile_overlayer_lowered;
	s9 =	simm.s32 $_tile_overlayer_lowered  }
0xa2: {  	s22 =	simm.s32 $0x1BFF;
	s21 =	sshll.u32 s9, $0x1;
	s6 =	sadd.s32 s7, s19  }
0xa3: {  	s10 =	simm.s32 $0x0;
	s20 =	sshll.u32 s8, $0x1;
	s8 =	sadd.s32 s21, s6  }
0xa4: {  	[timem:s10], [sflag:s22] =	dma.local [hbm:s8], s20  }
0xa5: {  	_ =	swait.ge [sflag:s22], s20  }
0xa6: {  	s7 =	ssub.s32 $0x0, s20;
	[sflag:s22] =	ssyncset.done $0x0  }
0xa7: {  	[sflag:s22] =	ssyncadd.s32 s7;
	_ =	sdelay $0x1  }
0xa8: {  	s23 =	simm.s32 $0x1B8B  }
0xa9: {  	_ =	swait.ge [sflag:s23], $0x1  }
0xaa: {  	[sflag:s23] =	ssyncset.done $0x0  }
0xab: {  	s25 =	simm.s32 $0x1B8E;
	s24 =	sld [smem:$0x3FFE];
	[sflag:s23] =	ssyncadd.s32 $0xFFFFFFFF  }
0xac: {  	s26 =	simm.s32 $execute0_lowered;
	[smem:$0x3FD2] =	sst s25  }
0xad: {  	s8 =	sshll.u32 s26, $0x1;
	_ =	strace $0x80000046;
	[dreg:$0x1] =	wrdreg $0xFFFFFFFF  }
0xae: {  	s28 =	simm.s32 $_size_execute0_lowered;
	s6 =	sadd.s32 s6, s8;
	[dreg:$0x0] =	wrdreg $0x0  }
0xaf: {  	s8 =	sshll.u32 s28, $0x1;
	[dreg:$0x2] =	wrdreg s6  }
0xb0: {  	[dreg:$0x3] =	wrdreg s8  }
0xb1: {  	[dreg:$0x4] =	wrdreg $0xC0  }
0xb2: {  	_ =	task [dreg:s10], $0x5FFFF  }
0xb3: {  	[dreg:$0x1] =	wrdreg $0xFFFFFFFF  }
0xb4: {  	[dreg:$0x0] =	wrdreg $0x60  }
0xb5: {  	[dreg:$0x2] =	wrdreg s15  }
0xb6: {  	[dreg:$0x3] =	wrdreg s4  }
0xb7: {  	[dreg:$0x4] =	wrdreg s24  }
0xb8: {  	[dreg:$0x5] =	wrdreg s16  }
0xb9: {  	[dreg:$0x6] =	wrdreg s17  }
0xba: {  	[dreg:$0x7] =	wrdreg $0x9  }
0xbb: {  	_ =	task.clear_ibuf [dreg:s10], $0x8FFFF;
	_ =	strace $0x90000046  }
0xbc: {  	s29 =	simm.s32 $0x9;
	_ =	strace $0x80000048  }
0xbd: {  	_ =	swait.ge [sflag:s29], $0x1  }
0xbe: {  	[sflag:s29] =	ssyncadd.s32 $0xFFFFFFFF  }
0xbf: {  	_ =	strace $0x90000048  }
0xc0: {  	_ =	sfence  }
0xc1: {  	s30 =	sld [smem:$0x0];
	_ =	sdelay $0x2  }
0xc2: {  	s31 =	sshll.u32 s1, $0xD;
	s1 =	sshrl.u32 s1, $0x2  }
0xc3: {  	s3 =	sand.u32 $0x4000, s31;
	s1 =	sadd.s32 s1, s30  }
0xc4: {  	s0 =	sor.u32 s3, s0;
	s1 =	sshll.u32 s1, $0x11  }
0xc5: {  	s0 =	sor.u32 s1, s0  }
0xc6: {  	s0 =	sadd.s32 $0x8F2B, s0  }
0xc7: {  	[sflag:s0] =	ssyncadd.remote.s32 $0x1  }
0xc8: {  	_ =	sfence.sel $0xFFFF  }
0xc9: {  	[dreg:$0x0] =	wrdreg $0xFFFFFFFF;
	(pc) =	sbr.abs _section_cstart, $3  }
0xca: {  	[dreg:$0x1] =	wrdreg $0xFFFFFFFF  }
0xcb: {  	_ =	task.clear_ibuf [dreg:s10], $0x2FFFF;
	_ =	strace $0x9FFFFFFF  }
0xcc: {  	(tm) =	ssettm $0x7FFFFFFF  }
0xcd: {  	_ =	shalt  }
tec
execute0_lowered:
.L_overlay_start_1:
0x0: {  	(tag) =	ssettag $0x1  }
0x1: {  	s5 =	rddreg [dreg:$0x0]  }
0x2: {  	s7 =	rddreg [dreg:$0x1]  }
0x3: {  	s6 =	rddreg [dreg:$0x2]  }
0x4: {  	s8 =	rddreg [dreg:$0x3]  }
0x5: {  	s9 =	rddreg [dreg:$0x4]  }
0x6: {  	s0 =	rddreg [dreg:$0x5];
	s2 =	simm.s32 $0x0  }
0x7: {  	s3 =	srdreg.scid;
	s1 =	stileid.u32;
	s13 =	simm.s32 $0x2800  }
0x8: {  	s14 =	simm.s32 $0x6800;
	s15 =	simm.s32 $0x100;
	s16 =	simm.s32 $0xA800  }
0x9: {  	s17 =	simm.s32 $0x180;
	s18 =	simm.s32 $0xE800;
	s19 =	simm.s32 $0x1  }
0xa: {  	s20 =	simm.s32 $0x2;
	s21 =	simm.s32 $0x3;
	s22 =	simm.s32 $0x4  }
0xb: {  	s23 =	simm.s32 $0x12800;
	s4 =	sand.u32 $0x1, s3;
	s10 =	sshll.u32 s1, $0x1  }
0xc: {  	s24 =	simm.s32 $0x0;
	[smem:$0x7FF] =	sst s2;
	s10 =	sor.u32 s4, s10  }
0xd: {  	s3 =	sadd.s32 $0x1E84C00, s6;
	s11 =	sshll.u32 s10, $0x4;
	s10 =	smul.u32 $0x500, s10  }
.Ltmp0:
0xe: {  	_ =	strace $0x80000047;
	s12 =	ssub.s32 $0x2, s4;
	(pc) =	sbr.rel .LBB2_1-.Ltmp0, $4  }
0xf: {  	s4 =	sadd.s32 $0x400, s6;
	s31 =	sshrl.u32 s12, $0x1;
	s11 =	sadd.s32 s11, s6  }
0x10: {  	s12 =	ssub.s32 s12, s31;
	s5 =	sadd.s32 s5, s10;
	s6 =	sadd.s32 s8, s10  }
0x11: {  	s7 =	sadd.s32 s7, s10;
	s8 =	sadd.s32 s9, s10;
	s9 =	sadd.s32 $0xF42800, s11  }
0x12: {  	v0 =	vimm.s32 $0xFFE17B80;
	v1 =	vimm.s32 $0xFFF0BDC0;
	s10 =	smax.u32 s12, $0x1;
	s11 =	simm.s32 $0x5;
	s12 =	simm.s32 $0x80  }
.LBB2_27:
0x13: {  	v6 =	vadd.f32 v6, v8;
	_ =	sdelay $0x1  }
0x14: {  	v6 =	vadd.f32 v9, v6;
	_ =	sdelay $0x1  }
0x15: {  	v6 =	vadd.f32 v7, v6;
	_ =	sdelay $0x1  }
0x16: {  	v5 =	vadd.f32 v5, v6;
	_ =	sdelay $0x1  }
0x17: {  	v4 =	vadd.f32 v4, v5;
	_ =	sdelay $0x1  }
0x18: {  	v3 =	vadd.f32 v3, v4;
	_ =	sdelay $0x1  }
0x19: {  	s24 =	sadd.s32 $0x1, s24;
	v2 =	vadd.f32 v2, v3  }
0x1a: {  	p0 =	sne.s32 s24, s10  }
.Ltmp1:
0x1b: {  	[tilespmem:$0x12800] =	vst v2;
	(pc) =	sbr.rel @!p0 .LBB2_28-.Ltmp1, $4  }
0x1c: {  	[hbm4b:s9+s2] =	stream.linear.scatter [tilespmem:s23], [sflag:$0x5], $0x80, $0x38;
	[tilespmem:$0x12880] =	vst v63  }
0x1d: {  	_ =	swait.ge [sflag:s11], $0x80  }
0x1e: {  	[sflag:s11] =	ssyncset.done $0x0  }
0x1f: {  	[sflag:s11] =	ssyncadd.s32 $0xFFFFFF80  }
.LBB2_1:
0x20: {  	[tilespmem:s2], [sflag:$0x5] =	stream.linear.gather [hbm4b:s5+s2], $0x2800, $0x38;
	[tilespmem:$0x12880] =	vst v63  }
0x21: {  	_ =	swait.ge [sflag:s11], $0x2800  }
0x22: {  	[sflag:s11] =	ssyncset.done $0x0  }
0x23: {  	s25 =	simm.s32 $0x0;
	[sflag:s11] =	ssyncadd.s32 $0xFFFFD800  }
0x24: {  	v4 =	vld [tilespmem:s25+$0x70]  }
0x25: {  	v5 =	vld [tilespmem:s25+$0x60]  }
0x26: {  	v6 =	vld [tilespmem:s25+$0x20]  }
0x27: {  	v7 =	vld [tilespmem:s25+$0x50];
	_ =	sdelay $0x1  }
0x28: {  	v3 =	vld [tilespmem:s25+$0x30]  }
0x29: {  	vm0 =	vlt.s32 v5, $0x1E8480  }
0x2a: {  	vm1 =	vlt.s32 v4, $0x1E8480;
	vm2 =	vlt.s32 v6, $0x1E8480;
	v8 =	vsel vm0, $0x0, v0  }
0x2b: {  	v2 =	vld [tilespmem:s25+$0x10];
	v9 =	vsel vm2, $0x0, v0;
	vm0 =	vlt.s32 v7, $0x1E8480;
	v10 =	vsel vm1, $0x0, v0  }
0x2c: {  	v9 =	vadd.s32 v6, v9;
	v6 =	vsel vm0, $0x0, v0;
	v11 =	vadd.s32 v5, v8;
	v5 =	vld [tilespmem:s25+$0x0]  }
0x2d: {  	vm1 =	vlt.s32 v3, $0x1E8480;
	v6 =	vadd.s32 v7, v6;
	v7 =	vadd.s32 v4, v10;
	v4 =	vld [tilespmem:s25+$0x40]  }
0x2e: {  	vm0 =	vlt.s32 v9, $0xF4240;
	vm3 =	vlt.s32 v11, $0xF4240;
	vm4 =	vlt.s32 v7, $0xF4240  }
0x2f: {  	vm2 =	vlt.s32 v6, $0xF4240;
	v8 =	vsel vm0, $0x0, v1;
	v10 =	vsel vm4, $0x0, v1  }
0x30: {  	vm0 =	vlt.s32 v2, $0x1E8480;
	v12 =	vsel vm3, $0x0, v1;
	v10 =	vadd.s32 v7, v10  }
0x31: {  	s26 =	simm.s32 $0x200;
	v7 =	vadd.s32 v9, v8;
	v8 =	vsel vm2, $0x0, v1;
	v9 =	vadd.s32 v11, v12;
	[tilespmem:s25+$0x70] =	vst v10  }
.LBB2_2:
0x32: {  	s28 =	sshra.s32 s26, $0x2;
	p0 =	sne.s32 s26, $0x9E00;
	s26 =	sadd.s32 $0x200, s26;
	vm2 =	vlt.s32 v5, $0x1E8480;
	v10 =	vsel vm1, $0x0, v0;
	vm1 =	vlt.s32 v4, $0x1E8480  }
0x33: {  	v11 =	vld [tilespmem:s28+$0x70];
	v12 =	vsel vm2, $0x0, v0;
	v3 =	vadd.s32 v3, v10;
	v10 =	vsel vm1, $0x0, v0;
	[tilespmem:s25+$0x60] =	vst v9  }
0x34: {  	v13 =	vsel vm0, $0x0, v0;
	v6 =	vadd.s32 v6, v8;
	v9 =	vld [tilespmem:s28+$0x60];
	[tilespmem:s25+$0x20] =	vst v7;
	vm0 =	vlt.s32 v3, $0xF4240  }
0x35: {  	v2 =	vadd.s32 v2, v13;
	v4 =	vadd.s32 v4, v10;
	v7 =	vld [tilespmem:s28+$0x20];
	v8 =	vsel vm0, $0x0, v1;
	[tilespmem:s25+$0x50] =	vst v6  }
0x36: {  	v5 =	vadd.s32 v5, v12;
	vm0 =	vlt.s32 v4, $0xF4240;
	v6 =	vld [tilespmem:s28+$0x50];
	v3 =	vadd.s32 v3, v8  }
0x37: {  	vm2 =	vlt.s32 v2, $0xF4240;
	vm1 =	vlt.s32 v5, $0xF4240;
	[tilespmem:s25+$0x30] =	vst v3;
	v3 =	vsel vm0, $0x0, v1  }
0x38: {  	v10 =	vsel vm2, $0x0, v1;
	v8 =	vsel vm1, $0x0, v1;
	v3 =	vadd.s32 v4, v3  }
0x39: {  	v2 =	vadd.s32 v2, v10;
	vm1 =	vlt.s32 v11, $0x1E8480;
	vm0 =	vlt.s32 v9, $0x1E8480;
	[tilespmem:s25+$0x40] =	vst v3  }
0x3a: {  	v4 =	vadd.s32 v5, v8;
	vm2 =	vlt.s32 v7, $0x1E8480;
	v3 =	vld [tilespmem:s28+$0x30];
	v10 =	vsel vm0, $0x0, v0;
	[tilespmem:s25+$0x10] =	vst v2  }
0x3b: {  	v8 =	vsel vm1, $0x0, v0;
	v2 =	vld [tilespmem:s28+$0x10];
	v5 =	vsel vm2, $0x0, v0;
	vm0 =	vlt.s32 v6, $0x1E8480;
	[tilespmem:s25+$0x0] =	vst v4;
	s25 =	smov.u32 s28  }
0x3c: {  	v9 =	vadd.s32 v9, v10;
	v7 =	vadd.s32 v7, v5;
	v4 =	vld [tilespmem:s25+$0x40];
	v12 =	vsel vm0, $0x0, v0  }
.Ltmp2:
0x3d: {  	v8 =	vadd.s32 v11, v8;
	v5 =	vld [tilespmem:s25+$0x0];
	vm0 =	vlt.s32 v7, $0xF4240;
	v6 =	vadd.s32 v6, v12;
	(pc) =	sbr.rel @p0 .LBB2_2-.Ltmp2, $4  }
0x3e: {  	vm4 =	vlt.s32 v8, $0xF4240;
	vm3 =	vlt.s32 v9, $0xF4240;
	vm2 =	vlt.s32 v6, $0xF4240  }
0x3f: {  	v11 =	vsel vm4, $0x0, v1;
	v10 =	vsel vm0, $0x0, v1;
	vm1 =	vlt.s32 v3, $0x1E8480  }
0x40: {  	v12 =	vsel vm3, $0x0, v1;
	v11 =	vadd.s32 v8, v11;
	vm0 =	vlt.s32 v2, $0x1E8480  }
0x41: {  	v9 =	vadd.s32 v9, v12;
	v7 =	vadd.s32 v7, v10;
	v8 =	vsel vm2, $0x0, v1;
	[tilespmem:s25+$0x70] =	vst v11  }
0x42: {  	vm2 =	vlt.s32 v5, $0x1E8480;
	v10 =	vsel vm1, $0x0, v0  }
0x43: {  	vm11 =	vlt.s32 v4, $0x1E8480;
	v12 =	vsel vm0, $0x0, v0;
	v6 =	vadd.s32 v6, v8  }
0x44: {  	v11 =	vsel vm2, $0x0, v0;
	v3 =	vadd.s32 v3, v10;
	v10 =	vsel vm11, $0x0, v0  }
0x45: {  	[tilespmem:s25+$0x60] =	vst v9;
	v2 =	vadd.s32 v2, v12;
	vm12 =	vlt.s32 v3, $0xF4240;
	v4 =	vadd.s32 v4, v10  }
0x46: {  	[tilespmem:s25+$0x20] =	vst v7;
	v5 =	vadd.s32 v5, v11;
	v7 =	vsel vm12, $0x0, v1;
	vm13 =	vlt.s32 v4, $0xF4240  }
0x47: {  	[tilespmem:s25+$0x50] =	vst v6;
	vm14 =	vlt.s32 v2, $0xF4240;
	v3 =	vadd.s32 v3, v7;
	v6 =	vsel vm13, $0x0, v1  }
0x48: {  	vm15 =	vlt.s32 v5, $0xF4240;
	[tilespmem:s25+$0x30] =	vst v3;
	v3 =	vsel vm14, $0x0, v1;
	v4 =	vadd.s32 v4, v6  }
0x49: {  	v6 =	vsel vm15, $0x0, v1;
	v2 =	vadd.s32 v2, v3;
	[tilespmem:s25+$0x40] =	vst v4  }
0x4a: {  	v3 =	vadd.s32 v5, v6;
	[tilespmem:s25+$0x10] =	vst v2  }
0x4b: {  	[tilespmem:s25+$0x0] =	vst v3;
	s25 =	simm.s32 $0x0  }
0x4c: {  	[hbm4b:s6+s25] =	stream.linear.scatter [tilespmem:s25], [sflag:$0x5], $0x2800, $0x38;
	[tilespmem:$0x12880] =	vst v63  }
0x4d: {  	_ =	swait.ge [sflag:s11], $0x2800  }
0x4e: {  	[sflag:s11] =	ssyncset.done $0x0  }
0x4f: {  	[sflag:s11] =	ssyncadd.s32 $0xFFFFD800  }
0x50: {  	[tilespmem:s13], [sflag:$0x1] =	stream.indirect.gather [hbm4b:s3+s12], $0x80, s25, s12, $0xb8;
	[tilespmem:$0x12880] =	vst v63  }
0x51: {  	_ = 	snop  }
0x52: {  	[tilespmem:s14], [sflag:$0x2] =	stream.indirect.gather [hbm4b:s3+s12], $0x80, s12, s12, $0xb8;
	[tilespmem:$0x12880] =	vst v63  }
0x53: {  	_ = 	snop  }
0x54: {  	v9 =	vimm.f32 $0.0e+00;
	v8 =	vimm.f32 $0.0e+00;
	[tilespmem:s16], [sflag:$0x3] =	stream.indirect.gather [hbm4b:s3+s12], $0x80, s15, s12, $0xb8;
	[tilespmem:$0x12880] =	vst v63  }
0x55: {  	v7 =	vimm.f32 $0.0e+00;
	v4 =	vimm.f32 $0.0e+00;
	v5 =	vimm.f32 $0.0e+00  }
0x56: {  	v6 =	vimm.f32 $0.0e+00;
	v2 =	vimm.f32 $0.0e+00;
	v3 =	vimm.f32 $0.0e+00;
	[tilespmem:s18], [sflag:$0x4] =	stream.indirect.gather [hbm4b:s3+s12], $0x80, s17, s12, $0xb8;
	[tilespmem:$0x12880] =	vst v63  }
.LBB2_4:
0x57: {  	_ =	swait.ge [sflag:s19], $0x4000  }
0x58: {  	[sflag:s19] =	ssyncset.done $0x0  }
0x59: {  	s28 =	simm.s32 $0x0;
	[sflag:s19] =	ssyncadd.s32 $0xFFFFC000  }
0x5a: {  	v17 =	vld [tilespmem:s28+$0x2900]  }
0x5b: {  	v19 =	vld [tilespmem:s28+$0x2910]  }
0x5c: {  	v18 =	vld [tilespmem:s28+$0x2920]  }
0x5d: {  	v20 =	vld [tilespmem:s28+$0x2930]  }
0x5e: {  	v13 =	vld [tilespmem:s28+$0x2980]  }
0x5f: {  	v16 =	vld [tilespmem:s28+$0x2990]  }
0x60: {  	v25 =	vld [tilespmem:s28+$0x2800]  }
0x61: {  	v27 =	vld [tilespmem:s28+$0x2810]  }
0x62: {  	v21 =	vld [tilespmem:s28+$0x2820]  }
0x63: {  	v26 =	vld [tilespmem:s28+$0x2830]  }
0x64: {  	v23 =	vld [tilespmem:s28+$0x2880]  }
0x65: {  	v24 =	vld [tilespmem:s28+$0x2890]  }
0x66: {  	s26 =	simm.s32 $0x800;
	v22 =	vld [tilespmem:s28+$0x28A0]  }
.LBB2_5:
0x67: {  	p0 =	sne.s32 s26, $0xF800;
	v8 =	vadd.f32 v25, v8;
	v6 =	vadd.f32 v27, v6;
	v10 =	vld [tilespmem:s28+$0x28B0]  }
0x68: {  	v9 =	vadd.f32 v21, v9;
	v7 =	vadd.f32 v26, v7;
	v11 =	vld [tilespmem:s28+$0x29A0]  }
0x69: {  	v8 =	vadd.f32 v17, v8;
	v6 =	vadd.f32 v19, v6;
	v12 =	vld [tilespmem:s28+$0x29B0];
	s28 =	sshra.s32 s26, $0x2  }
0x6a: {  	v9 =	vadd.f32 v18, v9;
	v17 =	vld [tilespmem:s28+$0x2900];
	v7 =	vadd.f32 v20, v7  }
0x6b: {  	v5 =	vadd.f32 v23, v5;
	v4 =	vadd.f32 v24, v4;
	v19 =	vld [tilespmem:s28+$0x2910]  }
0x6c: {  	v3 =	vadd.f32 v22, v3;
	v18 =	vld [tilespmem:s28+$0x2920];
	v2 =	vadd.f32 v10, v2  }
0x6d: {  	v5 =	vadd.f32 v13, v5;
	v4 =	vadd.f32 v16, v4;
	v20 =	vld [tilespmem:s28+$0x2930]  }
0x6e: {  	v3 =	vadd.f32 v11, v3;
	v13 =	vld [tilespmem:s28+$0x2980];
	v2 =	vadd.f32 v12, v2  }
0x6f: {  	v16 =	vld [tilespmem:s28+$0x2990]  }
0x70: {  	v25 =	vld [tilespmem:s28+$0x2800]  }
0x71: {  	v27 =	vld [tilespmem:s28+$0x2810]  }
.Ltmp3:
0x72: {  	v21 =	vld [tilespmem:s28+$0x2820];
	(pc) =	sbr.rel @p0 .LBB2_5-.Ltmp3, $4  }
0x73: {  	v26 =	vld [tilespmem:s28+$0x2830]  }
0x74: {  	v23 =	vld [tilespmem:s28+$0x2880]  }
0x75: {  	v24 =	vld [tilespmem:s28+$0x2890]  }
0x76: {  	s26 =	sadd.s32 $0x800, s26;
	v22 =	vld [tilespmem:s28+$0x28A0]  }
0x77: {  	p0 =	seq.s32 s25, $0x13  }
0x78: {  	v29 =	vld [tilespmem:s28+$0x28B0];
	s26 =	sshll.u32 @!p0 s25, $0x9  }
0x79: {  	v30 =	vld [tilespmem:s28+$0x29A0];
	s26 =	sand.u32 @!p0 $0x3FFFFE00, s26  }
0x7a: {  	v31 =	vld [tilespmem:s28+$0x29B0];
	s29 =	simm.s32 @!p0 $0x80;
	s30 =	simm.s32 @!p0 $0x2800;
	s28 =	sadd.s32 @!p0 $0x200, s26  }
0x7b: {  	[tilespmem:s30], [sflag:$0x1] =	stream.indirect.gather @!p0 [hbm4b:s3+s29], $0x80, s28, s29, $0xb8;
	[tilespmem:$0x12880] =	vst v63  }
0x7c: {  	_ =	swait.ge [sflag:s20], $0x4000  }
0x7d: {  	[sflag:s20] =	ssyncset.done $0x0  }
0x7e: {  	s28 =	simm.s32 $0x0;
	[sflag:s20] =	ssyncadd.s32 $0xFFFFC000  }
0x7f: {  	v11 =	vld [tilespmem:s28+$0x6900]  }
0x80: {  	v14 =	vld [tilespmem:s28+$0x6910]  }
0x81: {  	v12 =	vld [tilespmem:s28+$0x6920]  }
0x82: {  	v15 =	vld [tilespmem:s28+$0x6930]  }
0x83: {  	v10 =	vld [tilespmem:s28+$0x6980]  }
0x84: {  	v8 =	vadd.f32 v25, v8;
	v27 =	vadd.f32 v27, v6;
	v6 =	vld [tilespmem:s28+$0x6990]  }
0x85: {  	v21 =	vadd.f32 v21, v9;
	v7 =	vadd.f32 v26, v7;
	v25 =	vld [tilespmem:s28+$0x6800]  }
0x86: {  	v9 =	vadd.f32 v17, v8;
	v17 =	vadd.f32 v19, v27;
	v26 =	vld [tilespmem:s28+$0x6810]  }
0x87: {  	v21 =	vadd.f32 v18, v21;
	v5 =	vadd.f32 v23, v5;
	v27 =	vld [tilespmem:s28+$0x6820]  }
0x88: {  	v20 =	vadd.f32 v20, v7;
	v4 =	vadd.f32 v24, v4;
	v28 =	vld [tilespmem:s28+$0x6830]  }
0x89: {  	v3 =	vadd.f32 v22, v3;
	v2 =	vadd.f32 v29, v2;
	v22 =	vld [tilespmem:s28+$0x6880]  }
0x8a: {  	v13 =	vadd.f32 v13, v5;
	v16 =	vadd.f32 v16, v4;
	v23 =	vld [tilespmem:s28+$0x6890]  }
0x8b: {  	s29 =	simm.s32 $0x800;
	v18 =	vadd.f32 v30, v3;
	v19 =	vadd.f32 v31, v2;
	v24 =	vld [tilespmem:s28+$0x68A0]  }
.LBB2_7:
0x8c: {  	p1 =	sne.s32 s29, $0xF800;
	v2 =	vadd.f32 v25, v9;
	v3 =	vadd.f32 v26, v17;
	v4 =	vld [tilespmem:s28+$0x68B0]  }
0x8d: {  	v5 =	vadd.f32 v27, v21;
	v7 =	vadd.f32 v28, v20;
	v8 =	vld [tilespmem:s28+$0x69A0]  }
0x8e: {  	v9 =	vadd.f32 v11, v2;
	v17 =	vadd.f32 v14, v3;
	v2 =	vld [tilespmem:s28+$0x69B0];
	s28 =	sshra.s32 s29, $0x2  }
0x8f: {  	v21 =	vadd.f32 v12, v5;
	v11 =	vld [tilespmem:s28+$0x6900];
	v20 =	vadd.f32 v15, v7  }
0x90: {  	v3 =	vadd.f32 v22, v13;
	v5 =	vadd.f32 v23, v16;
	v14 =	vld [tilespmem:s28+$0x6910]  }
0x91: {  	v7 =	vadd.f32 v24, v18;
	v12 =	vld [tilespmem:s28+$0x6920];
	v4 =	vadd.f32 v4, v19  }
0x92: {  	v13 =	vadd.f32 v10, v3;
	v16 =	vadd.f32 v6, v5;
	v15 =	vld [tilespmem:s28+$0x6930]  }
0x93: {  	v18 =	vadd.f32 v8, v7;
	v10 =	vld [tilespmem:s28+$0x6980];
	v19 =	vadd.f32 v2, v4  }
0x94: {  	v6 =	vld [tilespmem:s28+$0x6990]  }
0x95: {  	v25 =	vld [tilespmem:s28+$0x6800]  }
0x96: {  	v26 =	vld [tilespmem:s28+$0x6810]  }
.Ltmp4:
0x97: {  	v27 =	vld [tilespmem:s28+$0x6820];
	(pc) =	sbr.rel @p1 .LBB2_7-.Ltmp4, $4  }
0x98: {  	v28 =	vld [tilespmem:s28+$0x6830]  }
0x99: {  	v22 =	vld [tilespmem:s28+$0x6880]  }
0x9a: {  	v23 =	vld [tilespmem:s28+$0x6890]  }
0x9b: {  	s29 =	sadd.s32 $0x800, s29;
	v24 =	vld [tilespmem:s28+$0x68A0]  }
0x9c: {  	v29 =	vld [tilespmem:s28+$0x68B0]  }
0x9d: {  	v30 =	vld [tilespmem:s28+$0x69A0]  }
0x9e: {  	v31 =	vld [tilespmem:s28+$0x69B0];
	s28 =	sadd.s32 @!p0 $0x280, s26;
	s29 =	simm.s32 @!p0 $0x80;
	s30 =	simm.s32 @!p0 $0x6800  }
0x9f: {  	[tilespmem:s30], [sflag:$0x2] =	stream.indirect.gather @!p0 [hbm4b:s3+s29], $0x80, s28, s29, $0xb8;
	[tilespmem:$0x12880] =	vst v63  }
0xa0: {  	_ =	swait.ge [sflag:s21], $0x4000  }
0xa1: {  	[sflag:s21] =	ssyncset.done $0x0  }
0xa2: {  	s28 =	simm.s32 $0x0;
	[sflag:s21] =	ssyncadd.s32 $0xFFFFC000  }
0xa3: {  	v4 =	vld [tilespmem:s28+$0xA900]  }
0xa4: {  	v7 =	vld [tilespmem:s28+$0xA910]  }
0xa5: {  	v5 =	vld [tilespmem:s28+$0xA920]  }
0xa6: {  	v8 =	vld [tilespmem:s28+$0xA930]  }
0xa7: {  	v2 =	vld [tilespmem:s28+$0xA980]  }
0xa8: {  	v9 =	vadd.f32 v25, v9;
	v17 =	vadd.f32 v26, v17;
	v3 =	vld [tilespmem:s28+$0xA990]  }
0xa9: {  	v21 =	vadd.f32 v27, v21;
	v27 =	vadd.f32 v28, v20;
	v25 =	vld [tilespmem:s28+$0xA800]  }
0xaa: {  	v11 =	vadd.f32 v11, v9;
	v14 =	vadd.f32 v14, v17;
	v26 =	vld [tilespmem:s28+$0xA810]  }
0xab: {  	v20 =	vadd.f32 v12, v21;
	v21 =	vadd.f32 v15, v27;
	v27 =	vld [tilespmem:s28+$0xA820]  }
0xac: {  	v9 =	vadd.f32 v22, v13;
	v12 =	vadd.f32 v23, v16;
	v28 =	vld [tilespmem:s28+$0xA830]  }
0xad: {  	v16 =	vadd.f32 v24, v18;
	v17 =	vadd.f32 v29, v19;
	v19 =	vld [tilespmem:s28+$0xA880]  }
0xae: {  	v13 =	vadd.f32 v10, v9;
	v15 =	vadd.f32 v6, v12;
	v22 =	vld [tilespmem:s28+$0xA890]  }
0xaf: {  	s29 =	simm.s32 $0x800;
	v23 =	vld [tilespmem:s28+$0xA8A0];
	v16 =	vadd.f32 v30, v16;
	v17 =	vadd.f32 v31, v17  }
.LBB2_9:
0xb0: {  	p1 =	sne.s32 s29, $0xF800;
	v6 =	vadd.f32 v25, v11;
	v9 =	vadd.f32 v26, v14;
	v10 =	vld [tilespmem:s28+$0xA8B0]  }
0xb1: {  	v12 =	vadd.f32 v27, v20;
	v18 =	vadd.f32 v28, v21;
	v24 =	vld [tilespmem:s28+$0xA9A0]  }
0xb2: {  	v11 =	vadd.f32 v4, v6;
	v14 =	vadd.f32 v7, v9;
	v6 =	vld [tilespmem:s28+$0xA9B0];
	s28 =	sshra.s32 s29, $0x2  }
0xb3: {  	v20 =	vadd.f32 v5, v12;
	v4 =	vld [tilespmem:s28+$0xA900];
	v21 =	vadd.f32 v8, v18  }
0xb4: {  	v9 =	vadd.f32 v19, v13;
	v12 =	vadd.f32 v22, v15;
	v7 =	vld [tilespmem:s28+$0xA910]  }
0xb5: {  	v16 =	vadd.f32 v23, v16;
	v5 =	vld [tilespmem:s28+$0xA920];
	v10 =	vadd.f32 v10, v17  }
0xb6: {  	v13 =	vadd.f32 v2, v9;
	v15 =	vadd.f32 v3, v12;
	v8 =	vld [tilespmem:s28+$0xA930]  }
0xb7: {  	v16 =	vadd.f32 v24, v16;
	v2 =	vld [tilespmem:s28+$0xA980];
	v17 =	vadd.f32 v6, v10  }
0xb8: {  	v3 =	vld [tilespmem:s28+$0xA990]  }
0xb9: {  	v25 =	vld [tilespmem:s28+$0xA800]  }
0xba: {  	v26 =	vld [tilespmem:s28+$0xA810]  }
.Ltmp5:
0xbb: {  	v27 =	vld [tilespmem:s28+$0xA820];
	(pc) =	sbr.rel @p1 .LBB2_9-.Ltmp5, $4  }
0xbc: {  	v28 =	vld [tilespmem:s28+$0xA830]  }
0xbd: {  	v19 =	vld [tilespmem:s28+$0xA880]  }
0xbe: {  	v22 =	vld [tilespmem:s28+$0xA890]  }
0xbf: {  	s29 =	sadd.s32 $0x800, s29;
	v23 =	vld [tilespmem:s28+$0xA8A0]  }
0xc0: {  	v29 =	vld [tilespmem:s28+$0xA8B0]  }
0xc1: {  	v30 =	vld [tilespmem:s28+$0xA9A0]  }
0xc2: {  	v31 =	vld [tilespmem:s28+$0xA9B0];
	s26 =	sadd.s32 @!p0 $0x300, s26;
	s28 =	simm.s32 @!p0 $0x80;
	s29 =	simm.s32 @!p0 $0xA800  }
0xc3: {  	[tilespmem:s29], [sflag:$0x3] =	stream.indirect.gather @!p0 [hbm4b:s3+s28], $0x80, s26, s28, $0xb8;
	[tilespmem:$0x12880] =	vst v63  }
0xc4: {  	_ =	swait.ge [sflag:s22], $0x4000  }
0xc5: {  	[sflag:s22] =	ssyncset.done $0x0  }
0xc6: {  	s26 =	simm.s32 $0x0;
	[sflag:s22] =	ssyncadd.s32 $0xFFFFC000  }
0xc7: {  	v6 =	vld [tilespmem:s26+$0xE900]  }
0xc8: {  	v12 =	vld [tilespmem:s26+$0xE910]  }
0xc9: {  	v9 =	vld [tilespmem:s26+$0xE920]  }
0xca: {  	v18 =	vld [tilespmem:s26+$0xE930]  }
0xcb: {  	v10 =	vld [tilespmem:s26+$0xE980]  }
0xcc: {  	v24 =	vadd.f32 v25, v11;
	v14 =	vadd.f32 v26, v14;
	v11 =	vld [tilespmem:s26+$0xE990]  }
0xcd: {  	v25 =	vadd.f32 v27, v20;
	v26 =	vadd.f32 v28, v21;
	v20 =	vld [tilespmem:s26+$0xE800]  }
0xce: {  	v4 =	vadd.f32 v4, v24;
	v7 =	vadd.f32 v7, v14;
	v21 =	vld [tilespmem:s26+$0xE810]  }
0xcf: {  	v5 =	vadd.f32 v5, v25;
	v13 =	vadd.f32 v19, v13;
	v24 =	vld [tilespmem:s26+$0xE820]  }
0xd0: {  	v8 =	vadd.f32 v8, v26;
	v14 =	vadd.f32 v22, v15;
	v19 =	vld [tilespmem:s26+$0xE830]  }
0xd1: {  	v22 =	vadd.f32 v23, v16;
	v17 =	vadd.f32 v29, v17;
	v15 =	vld [tilespmem:s26+$0xE880]  }
0xd2: {  	v2 =	vadd.f32 v2, v13;
	v3 =	vadd.f32 v3, v14;
	v16 =	vld [tilespmem:s26+$0xE890]  }
0xd3: {  	s28 =	simm.s32 $0x800;
	v13 =	vadd.f32 v30, v22;
	v14 =	vadd.f32 v31, v17;
	v17 =	vld [tilespmem:s26+$0xE8A0]  }
.LBB2_11:
0xd4: {  	p1 =	sne.s32 s28, $0xF800;
	v4 =	vadd.f32 v20, v4;
	v7 =	vadd.f32 v21, v7;
	v20 =	vld [tilespmem:s26+$0xE8B0]  }
0xd5: {  	v5 =	vadd.f32 v24, v5;
	v8 =	vadd.f32 v19, v8;
	v19 =	vld [tilespmem:s26+$0xE9A0]  }
0xd6: {  	v4 =	vadd.f32 v6, v4;
	v7 =	vadd.f32 v12, v7;
	v21 =	vld [tilespmem:s26+$0xE9B0];
	s26 =	sshra.s32 s28, $0x2  }
0xd7: {  	v5 =	vadd.f32 v9, v5;
	v6 =	vld [tilespmem:s26+$0xE900];
	v8 =	vadd.f32 v18, v8  }
0xd8: {  	v2 =	vadd.f32 v15, v2;
	v3 =	vadd.f32 v16, v3;
	v12 =	vld [tilespmem:s26+$0xE910]  }
0xd9: {  	v13 =	vadd.f32 v17, v13;
	v9 =	vld [tilespmem:s26+$0xE920];
	v14 =	vadd.f32 v20, v14  }
0xda: {  	v2 =	vadd.f32 v10, v2;
	v3 =	vadd.f32 v11, v3;
	v18 =	vld [tilespmem:s26+$0xE930]  }
0xdb: {  	v13 =	vadd.f32 v19, v13;
	v10 =	vld [tilespmem:s26+$0xE980];
	v14 =	vadd.f32 v21, v14  }
0xdc: {  	v11 =	vld [tilespmem:s26+$0xE990]  }
0xdd: {  	v20 =	vld [tilespmem:s26+$0xE800]  }
0xde: {  	v21 =	vld [tilespmem:s26+$0xE810]  }
.Ltmp6:
0xdf: {  	v24 =	vld [tilespmem:s26+$0xE820];
	(pc) =	sbr.rel @p1 .LBB2_11-.Ltmp6, $4  }
0xe0: {  	v19 =	vld [tilespmem:s26+$0xE830]  }
0xe1: {  	v15 =	vld [tilespmem:s26+$0xE880]  }
0xe2: {  	v16 =	vld [tilespmem:s26+$0xE890]  }
0xe3: {  	s28 =	sadd.s32 $0x800, s28;
	v17 =	vld [tilespmem:s26+$0xE8A0]  }
0xe4: {  	v4 =	vadd.f32 v20, v4;
	v7 =	vadd.f32 v21, v7;
	v61 =	vld [tilespmem:s26+$0xE8B0]  }
0xe5: {  	v5 =	vadd.f32 v24, v5;
	v62 =	vld [tilespmem:s26+$0xE9A0];
	v19 =	vadd.f32 v19, v8  }
0xe6: {  	v63 =	vld [tilespmem:s26+$0xE9B0];
	v8 =	vadd.f32 v6, v4;
	v6 =	vadd.f32 v12, v7  }
.Ltmp7:
0xe7: {  	v9 =	vadd.f32 v9, v5;
	v2 =	vadd.f32 v15, v2;
	(pc) =	sbr.rel @p0 .LBB2_14-.Ltmp7, $4  }
0xe8: {  	v7 =	vadd.f32 v18, v19;
	v3 =	vadd.f32 v16, v3  }
0xe9: {  	v13 =	vadd.f32 v17, v13;
	v14 =	vadd.f32 v61, v14  }
0xea: {  	v5 =	vadd.f32 v10, v2;
	v4 =	vadd.f32 v11, v3  }
0xeb: {  	v3 =	vadd.f32 v62, v13;
	v2 =	vadd.f32 v63, v14  }
.Ltmp8:
0xec: {  	(pc) =	sbr.rel .LBB2_4-.Ltmp8, $4  }
0xed: {  	s26 =	sshll.u32 s25, $0x9  }
0xee: {  	s26 =	sand.u32 $0x3FFFFE00, s26  }
0xef: {  	s25 =	sadd.s32 $0x1, s25;
	s26 =	sadd.s32 $0x380, s26  }
0xf0: {  	[tilespmem:s18], [sflag:$0x4] =	stream.indirect.gather [hbm4b:s3+s12], $0x80, s26, s12, $0xb8;
	[tilespmem:$0x12880] =	vst v63  }
.LBB2_14:
0xf1: {  	s25 =	simm.s32 $0x0  }
0xf2: {  	[tilespmem:s25], [sflag:$0x5] =	stream.linear.gather [hbm4b:s7+s25], $0x2800, $0x38;
	[tilespmem:$0x12880] =	vst v63  }
0xf3: {  	_ =	swait.ge [sflag:s11], $0x2800  }
0xf4: {  	[sflag:s11] =	ssyncset.done $0x0  }
0xf5: {  	s25 =	simm.s32 $0x0;
	[sflag:s11] =	ssyncadd.s32 $0xFFFFD800  }
0xf6: {  	v12 =	vld [tilespmem:s25+$0x70]  }
0xf7: {  	v13 =	vld [tilespmem:s25+$0x60]  }
0xf8: {  	v14 =	vld [tilespmem:s25+$0x20]  }
0xf9: {  	v15 =	vld [tilespmem:s25+$0x50];
	_ =	sdelay $0x1  }
0xfa: {  	v11 =	vld [tilespmem:s25+$0x30]  }
0xfb: {  	vm0 =	vlt.s32 v13, $0x1E8480  }
0xfc: {  	vm1 =	vlt.s32 v12, $0x1E8480;
	vm2 =	vlt.s32 v14, $0x1E8480;
	v16 =	vsel vm0, $0x0, v0  }
0xfd: {  	v10 =	vld [tilespmem:s25+$0x10];
	v17 =	vsel vm2, $0x0, v0;
	vm0 =	vlt.s32 v15, $0x1E8480;
	v18 =	vsel vm1, $0x0, v0  }
0xfe: {  	v17 =	vadd.s32 v14, v17;
	v14 =	vsel vm0, $0x0, v0;
	v19 =	vadd.s32 v13, v16;
	v13 =	vld [tilespmem:s25+$0x0]  }
0xff: {  	vm1 =	vlt.s32 v11, $0x1E8480;
	v14 =	vadd.s32 v15, v14;
	v15 =	vadd.s32 v12, v18;
	v12 =	vld [tilespmem:s25+$0x40]  }
0x100: {  	vm0 =	vlt.s32 v17, $0xF4240;
	vm3 =	vlt.s32 v19, $0xF4240;
	vm4 =	vlt.s32 v15, $0xF4240  }
0x101: {  	vm2 =	vlt.s32 v14, $0xF4240;
	v16 =	vsel vm0, $0x0, v1;
	v18 =	vsel vm4, $0x0, v1  }
0x102: {  	vm0 =	vlt.s32 v10, $0x1E8480;
	v20 =	vsel vm3, $0x0, v1;
	v18 =	vadd.s32 v15, v18  }
0x103: {  	s26 =	simm.s32 $0x200;
	v15 =	vadd.s32 v17, v16;
	v16 =	vsel vm2, $0x0, v1;
	v17 =	vadd.s32 v19, v20;
	[tilespmem:s25+$0x70] =	vst v18  }
.LBB2_15:
0x104: {  	s28 =	sshra.s32 s26, $0x2;
	p0 =	sne.s32 s26, $0x9E00;
	s26 =	sadd.s32 $0x200, s26;
	vm2 =	vlt.s32 v13, $0x1E8480;
	v18 =	vsel vm1, $0x0, v0;
	vm1 =	vlt.s32 v12, $0x1E8480  }
0x105: {  	v19 =	vld [tilespmem:s28+$0x70];
	v20 =	vsel vm2, $0x0, v0;
	v11 =	vadd.s32 v11, v18;
	v18 =	vsel vm1, $0x0, v0;
	[tilespmem:s25+$0x60] =	vst v17  }
0x106: {  	v21 =	vsel vm0, $0x0, v0;
	v14 =	vadd.s32 v14, v16;
	v17 =	vld [tilespmem:s28+$0x60];
	[tilespmem:s25+$0x20] =	vst v15;
	vm0 =	vlt.s32 v11, $0xF4240  }
0x107: {  	v10 =	vadd.s32 v10, v21;
	v12 =	vadd.s32 v12, v18;
	v15 =	vld [tilespmem:s28+$0x20];
	v16 =	vsel vm0, $0x0, v1;
	[tilespmem:s25+$0x50] =	vst v14  }
0x108: {  	v13 =	vadd.s32 v13, v20;
	vm0 =	vlt.s32 v12, $0xF4240;
	v14 =	vld [tilespmem:s28+$0x50];
	v11 =	vadd.s32 v11, v16  }
0x109: {  	vm2 =	vlt.s32 v10, $0xF4240;
	vm1 =	vlt.s32 v13, $0xF4240;
	[tilespmem:s25+$0x30] =	vst v11;
	v11 =	vsel vm0, $0x0, v1  }
0x10a: {  	v18 =	vsel vm2, $0x0, v1;
	v16 =	vsel vm1, $0x0, v1;
	v11 =	vadd.s32 v12, v11  }
0x10b: {  	v10 =	vadd.s32 v10, v18;
	vm1 =	vlt.s32 v19, $0x1E8480;
	vm0 =	vlt.s32 v17, $0x1E8480;
	[tilespmem:s25+$0x40] =	vst v11  }
0x10c: {  	v12 =	vadd.s32 v13, v16;
	vm2 =	vlt.s32 v15, $0x1E8480;
	v11 =	vld [tilespmem:s28+$0x30];
	v18 =	vsel vm0, $0x0, v0;
	[tilespmem:s25+$0x10] =	vst v10  }
0x10d: {  	v16 =	vsel vm1, $0x0, v0;
	v10 =	vld [tilespmem:s28+$0x10];
	v13 =	vsel vm2, $0x0, v0;
	vm0 =	vlt.s32 v14, $0x1E8480;
	[tilespmem:s25+$0x0] =	vst v12;
	s25 =	smov.u32 s28  }
0x10e: {  	v17 =	vadd.s32 v17, v18;
	v15 =	vadd.s32 v15, v13;
	v12 =	vld [tilespmem:s25+$0x40];
	v20 =	vsel vm0, $0x0, v0  }
.Ltmp9:
0x10f: {  	v16 =	vadd.s32 v19, v16;
	v13 =	vld [tilespmem:s25+$0x0];
	vm0 =	vlt.s32 v15, $0xF4240;
	v14 =	vadd.s32 v14, v20;
	(pc) =	sbr.rel @p0 .LBB2_15-.Ltmp9, $4  }
0x110: {  	vm4 =	vlt.s32 v16, $0xF4240;
	vm3 =	vlt.s32 v17, $0xF4240;
	vm2 =	vlt.s32 v14, $0xF4240  }
0x111: {  	v19 =	vsel vm4, $0x0, v1;
	v18 =	vsel vm0, $0x0, v1;
	vm1 =	vlt.s32 v11, $0x1E8480  }
0x112: {  	v20 =	vsel vm3, $0x0, v1;
	v19 =	vadd.s32 v16, v19;
	vm0 =	vlt.s32 v10, $0x1E8480  }
0x113: {  	v17 =	vadd.s32 v17, v20;
	v15 =	vadd.s32 v15, v18;
	v16 =	vsel vm2, $0x0, v1;
	[tilespmem:s25+$0x70] =	vst v19  }
0x114: {  	vm2 =	vlt.s32 v13, $0x1E8480;
	v18 =	vsel vm1, $0x0, v0  }
0x115: {  	vm11 =	vlt.s32 v12, $0x1E8480;
	v20 =	vsel vm0, $0x0, v0;
	v14 =	vadd.s32 v14, v16  }
0x116: {  	v19 =	vsel vm2, $0x0, v0;
	v11 =	vadd.s32 v11, v18;
	v58 =	vsel vm11, $0x0, v0  }
0x117: {  	[tilespmem:s25+$0x60] =	vst v17;
	v10 =	vadd.s32 v10, v20;
	vm12 =	vlt.s32 v11, $0xF4240;
	v59 =	vadd.s32 v12, v58  }
0x118: {  	[tilespmem:s25+$0x20] =	vst v15;
	v61 =	vadd.s32 v13, v19;
	v60 =	vsel vm12, $0x0, v1;
	vm13 =	vlt.s32 v59, $0xF4240  }
0x119: {  	[tilespmem:s25+$0x50] =	vst v14;
	vm14 =	vlt.s32 v10, $0xF4240;
	v11 =	vadd.s32 v11, v60;
	v62 =	vsel vm13, $0x0, v1  }
0x11a: {  	vm15 =	vlt.s32 v61, $0xF4240;
	[tilespmem:s25+$0x30] =	vst v11;
	v11 =	vsel vm14, $0x0, v1;
	v12 =	vadd.s32 v59, v62  }
0x11b: {  	v63 =	vsel vm15, $0x0, v1;
	v10 =	vadd.s32 v10, v11;
	[tilespmem:s25+$0x40] =	vst v12  }
0x11c: {  	v11 =	vadd.s32 v61, v63;
	[tilespmem:s25+$0x10] =	vst v10  }
0x11d: {  	[tilespmem:s25+$0x0] =	vst v11;
	s25 =	simm.s32 $0x0  }
0x11e: {  	[hbm4b:s8+s25] =	stream.linear.scatter [tilespmem:s25], [sflag:$0x5], $0x2800, $0x38;
	[tilespmem:$0x12880] =	vst v63  }
0x11f: {  	_ =	swait.ge [sflag:s11], $0x2800  }
0x120: {  	[sflag:s11] =	ssyncset.done $0x0  }
0x121: {  	[sflag:s11] =	ssyncadd.s32 $0xFFFFD800  }
0x122: {  	[tilespmem:s13], [sflag:$0x1] =	stream.indirect.gather [hbm4b:s4+s12], $0x80, s25, s12, $0xb8;
	[tilespmem:$0x12880] =	vst v63  }
0x123: {  	_ = 	snop  }
0x124: {  	[tilespmem:s14], [sflag:$0x2] =	stream.indirect.gather [hbm4b:s4+s12], $0x80, s12, s12, $0xb8;
	[tilespmem:$0x12880] =	vst v63  }
0x125: {  	_ = 	snop  }
0x126: {  	[tilespmem:s16], [sflag:$0x3] =	stream.indirect.gather [hbm4b:s4+s12], $0x80, s15, s12, $0xb8;
	[tilespmem:$0x12880] =	vst v63  }
0x127: {  	_ = 	snop  }
0x128: {  	[tilespmem:s18], [sflag:$0x4] =	stream.indirect.gather [hbm4b:s4+s12], $0x80, s17, s12, $0xb8;
	[tilespmem:$0x12880] =	vst v63  }
.LBB2_17:
0x129: {  	_ =	swait.ge [sflag:s19], $0x4000  }
0x12a: {  	[sflag:s19] =	ssyncset.done $0x0  }
0x12b: {  	s28 =	simm.s32 $0x0;
	[sflag:s19] =	ssyncadd.s32 $0xFFFFC000  }
0x12c: {  	v17 =	vld [tilespmem:s28+$0x2900]  }
0x12d: {  	v19 =	vld [tilespmem:s28+$0x2910]  }
0x12e: {  	v18 =	vld [tilespmem:s28+$0x2920]  }
0x12f: {  	v20 =	vld [tilespmem:s28+$0x2930]  }
0x130: {  	v13 =	vld [tilespmem:s28+$0x2980]  }
0x131: {  	v16 =	vld [tilespmem:s28+$0x2990]  }
0x132: {  	v25 =	vld [tilespmem:s28+$0x2800]  }
0x133: {  	v27 =	vld [tilespmem:s28+$0x2810]  }
0x134: {  	v21 =	vld [tilespmem:s28+$0x2820]  }
0x135: {  	v26 =	vld [tilespmem:s28+$0x2830]  }
0x136: {  	v23 =	vld [tilespmem:s28+$0x2880]  }
0x137: {  	v24 =	vld [tilespmem:s28+$0x2890]  }
0x138: {  	s26 =	simm.s32 $0x800;
	v22 =	vld [tilespmem:s28+$0x28A0]  }
.LBB2_18:
0x139: {  	p0 =	sne.s32 s26, $0xF800;
	v8 =	vadd.f32 v25, v8;
	v6 =	vadd.f32 v27, v6;
	v10 =	vld [tilespmem:s28+$0x28B0]  }
0x13a: {  	v9 =	vadd.f32 v21, v9;
	v7 =	vadd.f32 v26, v7;
	v11 =	vld [tilespmem:s28+$0x29A0]  }
0x13b: {  	v8 =	vadd.f32 v17, v8;
	v6 =	vadd.f32 v19, v6;
	v12 =	vld [tilespmem:s28+$0x29B0];
	s28 =	sshra.s32 s26, $0x2  }
0x13c: {  	v9 =	vadd.f32 v18, v9;
	v17 =	vld [tilespmem:s28+$0x2900];
	v7 =	vadd.f32 v20, v7  }
0x13d: {  	v5 =	vadd.f32 v23, v5;
	v4 =	vadd.f32 v24, v4;
	v19 =	vld [tilespmem:s28+$0x2910]  }
0x13e: {  	v3 =	vadd.f32 v22, v3;
	v18 =	vld [tilespmem:s28+$0x2920];
	v2 =	vadd.f32 v10, v2  }
0x13f: {  	v5 =	vadd.f32 v13, v5;
	v4 =	vadd.f32 v16, v4;
	v20 =	vld [tilespmem:s28+$0x2930]  }
0x140: {  	v3 =	vadd.f32 v11, v3;
	v13 =	vld [tilespmem:s28+$0x2980];
	v2 =	vadd.f32 v12, v2  }
0x141: {  	v16 =	vld [tilespmem:s28+$0x2990]  }
0x142: {  	v25 =	vld [tilespmem:s28+$0x2800]  }
0x143: {  	v27 =	vld [tilespmem:s28+$0x2810]  }
.Ltmp10:
0x144: {  	v21 =	vld [tilespmem:s28+$0x2820];
	(pc) =	sbr.rel @p0 .LBB2_18-.Ltmp10, $4  }
0x145: {  	v26 =	vld [tilespmem:s28+$0x2830]  }
0x146: {  	v23 =	vld [tilespmem:s28+$0x2880]  }
0x147: {  	v24 =	vld [tilespmem:s28+$0x2890]  }
0x148: {  	s26 =	sadd.s32 $0x800, s26;
	v22 =	vld [tilespmem:s28+$0x28A0]  }
0x149: {  	p0 =	seq.s32 s25, $0x13  }
0x14a: {  	v29 =	vld [tilespmem:s28+$0x28B0];
	s26 =	sshll.u32 @!p0 s25, $0x9  }
0x14b: {  	v30 =	vld [tilespmem:s28+$0x29A0];
	s26 =	sand.u32 @!p0 $0x3FFFFE00, s26  }
0x14c: {  	v31 =	vld [tilespmem:s28+$0x29B0];
	s29 =	simm.s32 @!p0 $0x80;
	s30 =	simm.s32 @!p0 $0x2800;
	s28 =	sadd.s32 @!p0 $0x200, s26  }
0x14d: {  	[tilespmem:s30], [sflag:$0x1] =	stream.indirect.gather @!p0 [hbm4b:s4+s29], $0x80, s28, s29, $0xb8;
	[tilespmem:$0x12880] =	vst v63  }
0x14e: {  	_ =	swait.ge [sflag:s20], $0x4000  }
0x14f: {  	[sflag:s20] =	ssyncset.done $0x0  }
0x150: {  	s28 =	simm.s32 $0x0;
	[sflag:s20] =	ssyncadd.s32 $0xFFFFC000  }
0x151: {  	v11 =	vld [tilespmem:s28+$0x6900]  }
0x152: {  	v14 =	vld [tilespmem:s28+$0x6910]  }
0x153: {  	v12 =	vld [tilespmem:s28+$0x6920]  }
0x154: {  	v15 =	vld [tilespmem:s28+$0x6930]  }
0x155: {  	v10 =	vld [tilespmem:s28+$0x6980]  }
0x156: {  	v8 =	vadd.f32 v25, v8;
	v27 =	vadd.f32 v27, v6;
	v6 =	vld [tilespmem:s28+$0x6990]  }
0x157: {  	v21 =	vadd.f32 v21, v9;
	v7 =	vadd.f32 v26, v7;
	v25 =	vld [tilespmem:s28+$0x6800]  }
0x158: {  	v9 =	vadd.f32 v17, v8;
	v17 =	vadd.f32 v19, v27;
	v26 =	vld [tilespmem:s28+$0x6810]  }
0x159: {  	v21 =	vadd.f32 v18, v21;
	v5 =	vadd.f32 v23, v5;
	v27 =	vld [tilespmem:s28+$0x6820]  }
0x15a: {  	v20 =	vadd.f32 v20, v7;
	v4 =	vadd.f32 v24, v4;
	v28 =	vld [tilespmem:s28+$0x6830]  }
0x15b: {  	v3 =	vadd.f32 v22, v3;
	v2 =	vadd.f32 v29, v2;
	v22 =	vld [tilespmem:s28+$0x6880]  }
0x15c: {  	v13 =	vadd.f32 v13, v5;
	v16 =	vadd.f32 v16, v4;
	v23 =	vld [tilespmem:s28+$0x6890]  }
0x15d: {  	s29 =	simm.s32 $0x800;
	v18 =	vadd.f32 v30, v3;
	v19 =	vadd.f32 v31, v2;
	v24 =	vld [tilespmem:s28+$0x68A0]  }
.LBB2_20:
0x15e: {  	p1 =	sne.s32 s29, $0xF800;
	v2 =	vadd.f32 v25, v9;
	v3 =	vadd.f32 v26, v17;
	v4 =	vld [tilespmem:s28+$0x68B0]  }
0x15f: {  	v5 =	vadd.f32 v27, v21;
	v7 =	vadd.f32 v28, v20;
	v8 =	vld [tilespmem:s28+$0x69A0]  }
0x160: {  	v9 =	vadd.f32 v11, v2;
	v17 =	vadd.f32 v14, v3;
	v2 =	vld [tilespmem:s28+$0x69B0];
	s28 =	sshra.s32 s29, $0x2  }
0x161: {  	v21 =	vadd.f32 v12, v5;
	v11 =	vld [tilespmem:s28+$0x6900];
	v20 =	vadd.f32 v15, v7  }
0x162: {  	v3 =	vadd.f32 v22, v13;
	v5 =	vadd.f32 v23, v16;
	v14 =	vld [tilespmem:s28+$0x6910]  }
0x163: {  	v7 =	vadd.f32 v24, v18;
	v12 =	vld [tilespmem:s28+$0x6920];
	v4 =	vadd.f32 v4, v19  }
0x164: {  	v13 =	vadd.f32 v10, v3;
	v16 =	vadd.f32 v6, v5;
	v15 =	vld [tilespmem:s28+$0x6930]  }
0x165: {  	v18 =	vadd.f32 v8, v7;
	v10 =	vld [tilespmem:s28+$0x6980];
	v19 =	vadd.f32 v2, v4  }
0x166: {  	v6 =	vld [tilespmem:s28+$0x6990]  }
0x167: {  	v25 =	vld [tilespmem:s28+$0x6800]  }
0x168: {  	v26 =	vld [tilespmem:s28+$0x6810]  }
.Ltmp11:
0x169: {  	v27 =	vld [tilespmem:s28+$0x6820];
	(pc) =	sbr.rel @p1 .LBB2_20-.Ltmp11, $4  }
0x16a: {  	v28 =	vld [tilespmem:s28+$0x6830]  }
0x16b: {  	v22 =	vld [tilespmem:s28+$0x6880]  }
0x16c: {  	v23 =	vld [tilespmem:s28+$0x6890]  }
0x16d: {  	s29 =	sadd.s32 $0x800, s29;
	v24 =	vld [tilespmem:s28+$0x68A0]  }
0x16e: {  	v29 =	vld [tilespmem:s28+$0x68B0]  }
0x16f: {  	v30 =	vld [tilespmem:s28+$0x69A0]  }
0x170: {  	v31 =	vld [tilespmem:s28+$0x69B0];
	s28 =	sadd.s32 @!p0 $0x280, s26;
	s29 =	simm.s32 @!p0 $0x80;
	s30 =	simm.s32 @!p0 $0x6800  }
0x171: {  	[tilespmem:s30], [sflag:$0x2] =	stream.indirect.gather @!p0 [hbm4b:s4+s29], $0x80, s28, s29, $0xb8;
	[tilespmem:$0x12880] =	vst v63  }
0x172: {  	_ =	swait.ge [sflag:s21], $0x4000  }
0x173: {  	[sflag:s21] =	ssyncset.done $0x0  }
0x174: {  	s28 =	simm.s32 $0x0;
	[sflag:s21] =	ssyncadd.s32 $0xFFFFC000  }
0x175: {  	v4 =	vld [tilespmem:s28+$0xA900]  }
0x176: {  	v7 =	vld [tilespmem:s28+$0xA910]  }
0x177: {  	v5 =	vld [tilespmem:s28+$0xA920]  }
0x178: {  	v8 =	vld [tilespmem:s28+$0xA930]  }
0x179: {  	v2 =	vld [tilespmem:s28+$0xA980]  }
0x17a: {  	v9 =	vadd.f32 v25, v9;
	v17 =	vadd.f32 v26, v17;
	v3 =	vld [tilespmem:s28+$0xA990]  }
0x17b: {  	v21 =	vadd.f32 v27, v21;
	v27 =	vadd.f32 v28, v20;
	v25 =	vld [tilespmem:s28+$0xA800]  }
0x17c: {  	v11 =	vadd.f32 v11, v9;
	v14 =	vadd.f32 v14, v17;
	v26 =	vld [tilespmem:s28+$0xA810]  }
0x17d: {  	v20 =	vadd.f32 v12, v21;
	v21 =	vadd.f32 v15, v27;
	v27 =	vld [tilespmem:s28+$0xA820]  }
0x17e: {  	v9 =	vadd.f32 v22, v13;
	v12 =	vadd.f32 v23, v16;
	v28 =	vld [tilespmem:s28+$0xA830]  }
0x17f: {  	v16 =	vadd.f32 v24, v18;
	v17 =	vadd.f32 v29, v19;
	v19 =	vld [tilespmem:s28+$0xA880]  }
0x180: {  	v13 =	vadd.f32 v10, v9;
	v15 =	vadd.f32 v6, v12;
	v22 =	vld [tilespmem:s28+$0xA890]  }
0x181: {  	s29 =	simm.s32 $0x800;
	v23 =	vld [tilespmem:s28+$0xA8A0];
	v16 =	vadd.f32 v30, v16;
	v17 =	vadd.f32 v31, v17  }
.LBB2_22:
0x182: {  	p1 =	sne.s32 s29, $0xF800;
	v6 =	vadd.f32 v25, v11;
	v9 =	vadd.f32 v26, v14;
	v10 =	vld [tilespmem:s28+$0xA8B0]  }
0x183: {  	v12 =	vadd.f32 v27, v20;
	v18 =	vadd.f32 v28, v21;
	v24 =	vld [tilespmem:s28+$0xA9A0]  }
0x184: {  	v11 =	vadd.f32 v4, v6;
	v14 =	vadd.f32 v7, v9;
	v6 =	vld [tilespmem:s28+$0xA9B0];
	s28 =	sshra.s32 s29, $0x2  }
0x185: {  	v20 =	vadd.f32 v5, v12;
	v4 =	vld [tilespmem:s28+$0xA900];
	v21 =	vadd.f32 v8, v18  }
0x186: {  	v9 =	vadd.f32 v19, v13;
	v12 =	vadd.f32 v22, v15;
	v7 =	vld [tilespmem:s28+$0xA910]  }
0x187: {  	v16 =	vadd.f32 v23, v16;
	v5 =	vld [tilespmem:s28+$0xA920];
	v10 =	vadd.f32 v10, v17  }
0x188: {  	v13 =	vadd.f32 v2, v9;
	v15 =	vadd.f32 v3, v12;
	v8 =	vld [tilespmem:s28+$0xA930]  }
0x189: {  	v16 =	vadd.f32 v24, v16;
	v2 =	vld [tilespmem:s28+$0xA980];
	v17 =	vadd.f32 v6, v10  }
0x18a: {  	v3 =	vld [tilespmem:s28+$0xA990]  }
0x18b: {  	v25 =	vld [tilespmem:s28+$0xA800]  }
0x18c: {  	v26 =	vld [tilespmem:s28+$0xA810]  }
.Ltmp12:
0x18d: {  	v27 =	vld [tilespmem:s28+$0xA820];
	(pc) =	sbr.rel @p1 .LBB2_22-.Ltmp12, $4  }
0x18e: {  	v28 =	vld [tilespmem:s28+$0xA830]  }
0x18f: {  	v19 =	vld [tilespmem:s28+$0xA880]  }
0x190: {  	v22 =	vld [tilespmem:s28+$0xA890]  }
0x191: {  	s29 =	sadd.s32 $0x800, s29;
	v23 =	vld [tilespmem:s28+$0xA8A0]  }
0x192: {  	v29 =	vld [tilespmem:s28+$0xA8B0]  }
0x193: {  	v30 =	vld [tilespmem:s28+$0xA9A0]  }
0x194: {  	v31 =	vld [tilespmem:s28+$0xA9B0];
	s26 =	sadd.s32 @!p0 $0x300, s26;
	s28 =	simm.s32 @!p0 $0x80;
	s29 =	simm.s32 @!p0 $0xA800  }
0x195: {  	[tilespmem:s29], [sflag:$0x3] =	stream.indirect.gather @!p0 [hbm4b:s4+s28], $0x80, s26, s28, $0xb8;
	[tilespmem:$0x12880] =	vst v63  }
0x196: {  	_ =	swait.ge [sflag:s22], $0x4000  }
0x197: {  	[sflag:s22] =	ssyncset.done $0x0  }
0x198: {  	s26 =	simm.s32 $0x0;
	[sflag:s22] =	ssyncadd.s32 $0xFFFFC000  }
0x199: {  	v6 =	vld [tilespmem:s26+$0xE900]  }
0x19a: {  	v12 =	vld [tilespmem:s26+$0xE910]  }
0x19b: {  	v9 =	vld [tilespmem:s26+$0xE920]  }
0x19c: {  	v18 =	vld [tilespmem:s26+$0xE930]  }
0x19d: {  	v10 =	vld [tilespmem:s26+$0xE980]  }
0x19e: {  	v24 =	vadd.f32 v25, v11;
	v14 =	vadd.f32 v26, v14;
	v11 =	vld [tilespmem:s26+$0xE990]  }
0x19f: {  	v25 =	vadd.f32 v27, v20;
	v26 =	vadd.f32 v28, v21;
	v20 =	vld [tilespmem:s26+$0xE800]  }
0x1a0: {  	v4 =	vadd.f32 v4, v24;
	v7 =	vadd.f32 v7, v14;
	v21 =	vld [tilespmem:s26+$0xE810]  }
0x1a1: {  	v5 =	vadd.f32 v5, v25;
	v13 =	vadd.f32 v19, v13;
	v24 =	vld [tilespmem:s26+$0xE820]  }
0x1a2: {  	v8 =	vadd.f32 v8, v26;
	v14 =	vadd.f32 v22, v15;
	v19 =	vld [tilespmem:s26+$0xE830]  }
0x1a3: {  	v22 =	vadd.f32 v23, v16;
	v17 =	vadd.f32 v29, v17;
	v15 =	vld [tilespmem:s26+$0xE880]  }
0x1a4: {  	v2 =	vadd.f32 v2, v13;
	v3 =	vadd.f32 v3, v14;
	v16 =	vld [tilespmem:s26+$0xE890]  }
0x1a5: {  	s28 =	simm.s32 $0x800;
	v13 =	vadd.f32 v30, v22;
	v14 =	vadd.f32 v31, v17;
	v17 =	vld [tilespmem:s26+$0xE8A0]  }
.LBB2_24:
0x1a6: {  	p1 =	sne.s32 s28, $0xF800;
	v4 =	vadd.f32 v20, v4;
	v7 =	vadd.f32 v21, v7;
	v20 =	vld [tilespmem:s26+$0xE8B0]  }
0x1a7: {  	v5 =	vadd.f32 v24, v5;
	v8 =	vadd.f32 v19, v8;
	v19 =	vld [tilespmem:s26+$0xE9A0]  }
0x1a8: {  	v4 =	vadd.f32 v6, v4;
	v7 =	vadd.f32 v12, v7;
	v21 =	vld [tilespmem:s26+$0xE9B0];
	s26 =	sshra.s32 s28, $0x2  }
0x1a9: {  	v5 =	vadd.f32 v9, v5;
	v6 =	vld [tilespmem:s26+$0xE900];
	v8 =	vadd.f32 v18, v8  }
0x1aa: {  	v2 =	vadd.f32 v15, v2;
	v3 =	vadd.f32 v16, v3;
	v12 =	vld [tilespmem:s26+$0xE910]  }
0x1ab: {  	v13 =	vadd.f32 v17, v13;
	v9 =	vld [tilespmem:s26+$0xE920];
	v14 =	vadd.f32 v20, v14  }
0x1ac: {  	v2 =	vadd.f32 v10, v2;
	v3 =	vadd.f32 v11, v3;
	v18 =	vld [tilespmem:s26+$0xE930]  }
0x1ad: {  	v13 =	vadd.f32 v19, v13;
	v10 =	vld [tilespmem:s26+$0xE980];
	v14 =	vadd.f32 v21, v14  }
0x1ae: {  	v11 =	vld [tilespmem:s26+$0xE990]  }
0x1af: {  	v20 =	vld [tilespmem:s26+$0xE800]  }
0x1b0: {  	v21 =	vld [tilespmem:s26+$0xE810]  }
.Ltmp13:
0x1b1: {  	v24 =	vld [tilespmem:s26+$0xE820];
	(pc) =	sbr.rel @p1 .LBB2_24-.Ltmp13, $4  }
0x1b2: {  	v19 =	vld [tilespmem:s26+$0xE830]  }
0x1b3: {  	v15 =	vld [tilespmem:s26+$0xE880]  }
0x1b4: {  	v16 =	vld [tilespmem:s26+$0xE890]  }
0x1b5: {  	s28 =	sadd.s32 $0x800, s28;
	v17 =	vld [tilespmem:s26+$0xE8A0]  }
0x1b6: {  	v4 =	vadd.f32 v20, v4;
	v7 =	vadd.f32 v21, v7;
	v61 =	vld [tilespmem:s26+$0xE8B0]  }
0x1b7: {  	v5 =	vadd.f32 v24, v5;
	v62 =	vld [tilespmem:s26+$0xE9A0];
	v19 =	vadd.f32 v19, v8  }
0x1b8: {  	v63 =	vld [tilespmem:s26+$0xE9B0];
	v8 =	vadd.f32 v6, v4;
	v6 =	vadd.f32 v12, v7  }
.Ltmp14:
0x1b9: {  	v9 =	vadd.f32 v9, v5;
	v2 =	vadd.f32 v15, v2;
	(pc) =	sbr.rel @p0 .LBB2_27-.Ltmp14, $4  }
0x1ba: {  	v7 =	vadd.f32 v18, v19;
	v3 =	vadd.f32 v16, v3  }
0x1bb: {  	v13 =	vadd.f32 v17, v13;
	v14 =	vadd.f32 v61, v14  }
0x1bc: {  	v5 =	vadd.f32 v10, v2;
	v4 =	vadd.f32 v11, v3  }
0x1bd: {  	v3 =	vadd.f32 v62, v13;
	v2 =	vadd.f32 v63, v14  }
.Ltmp15:
0x1be: {  	(pc) =	sbr.rel .LBB2_17-.Ltmp15, $4  }
0x1bf: {  	s26 =	sshll.u32 s25, $0x9  }
0x1c0: {  	s26 =	sand.u32 $0x3FFFFE00, s26  }
0x1c1: {  	s25 =	sadd.s32 $0x1, s25;
	s26 =	sadd.s32 $0x380, s26  }
0x1c2: {  	[tilespmem:s18], [sflag:$0x4] =	stream.indirect.gather [hbm4b:s4+s12], $0x80, s26, s12, $0xb8;
	[tilespmem:$0x12880] =	vst v63  }
.LBB2_28:
0x1c3: {  	_ =	sfence.sel $0x180000  }
0x1c4: {  	[bflag:$0x0] =	sbarrier.arrive $0xFFFF  }
0x1c5: {  	p0 =	sne.s32 s1, $0x0;
	_ =	strace $0x90000047  }
0x1c6: {  	s0 =	sadd.s32 @!p0 $0x100000, s0;
	[bflag:$0x2] =	sbarrier.arrive $0xFFFF  }
0x1c7: {  	[sflag:s0] =	ssyncadd.tile.s32 @!p0 $0x1;
	_ =	shalt  }
.Lfunc_end2:
_tile_overlayer_lowered:
.L_overlay_start_2:
0x1c8: {  	(tag) =	ssettag $0x2  }
0x1c9: {  	s0 =	rddreg [dreg:$0x0];
	s2 =	stileid.u32  }
0x1ca: {  	s1 =	rddreg [dreg:$0x1];
	p0 =	sne.s32 s2, $0x0  }
0x1cb: {  	s3 =	rddreg [dreg:$0x2];
	[bflag:$0x3] =	sbarrier.arrive $0xFFFF;
	s2 =	simm.s32 @!p0 $0x1C05  }
0x1cc: {  	[timem:s3], [sflag:s2] =	dma.local @!p0 [hbm:s0], s1  }
0x1cd: {  	s0 =	simm.s32 @!p0 $0x5  }
0x1ce: {  	_ =	swait.ge @!p0 [sflag:s0], s1  }
0x1cf: {  	s1 =	ssub.s32 @!p0 $0x0, s1;
	[sflag:s0] =	ssyncset.done @!p0 $0x0  }
0x1d0: {  	[sflag:s0] =	ssyncadd.s32 @!p0 s1  }
0x1d1: {  	[bflag:$0x3] =	sbarrier.arrive $0xFFFF  }
0x1d2: {  	_ =	shalt  }

</sc_bundles>
